<compile_context>
chip_gen: v7x
topology: tpu7x:2x2x1
jax: 0.10.2.dev20260603
libtpu: 0.0.44.dev20260713+nightly
codegen_flags: <defaults>
</compile_context>

<pallas_src>
import functools

import jax
import jax.numpy as jnp
from jax import lax
from jax.experimental import pallas as pl
from jax.experimental.pallas import tpu as pltpu
from jax.experimental.pallas import tpu_sc as plsc

VOCAB1 = 100001
EMB = 32
BATCH = 1024
HIST = 50
HIST_PAD = 52

NC = 2
NS = 16
NW = NC * NS
ROWS_PER_W = BATCH // NW
IDX_PER_W = ROWS_PER_W * HIST_PAD
IDX_COLS = 128
IDX_ROWS_W = IDX_PER_W // IDX_COLS


def _sc_sums(ctx2p, table):
    mesh = plsc.VectorSubcoreMesh(
        core_axis_name="c", subcore_axis_name="s", num_cores=NC, num_subcores=NS
    )

    @functools.partial(
        pl.kernel,
        out_type=(
            jax.ShapeDtypeStruct((BATCH, EMB), jnp.float32),
            jax.ShapeDtypeStruct((BATCH,), jnp.float32),
        ),
        mesh=mesh,
        compiler_params=pltpu.CompilerParams(
            needs_layout_passes=False, use_tc_tiling_on_sc=False
        ),
        scratch_types=[
            pltpu.VMEM((IDX_ROWS_W, IDX_COLS), jnp.int32),
            pltpu.VMEM((1, IDX_COLS), jnp.int32),
            pltpu.VMEM((IDX_PER_W, EMB), jnp.float32),
            pltpu.VMEM_SHARED((NS * ROWS_PER_W, EMB), jnp.float32),
            pltpu.VMEM((ROWS_PER_W, EMB), jnp.float32),
            pltpu.VMEM((ROWS_PER_W,), jnp.float32),
            pltpu.SemaphoreType.DMA,
            pltpu.SemaphoreType.DMA,
        ],
    )
    def k(ctx_hbm, table_hbm, qraw_hbm, cnt_hbm,
          idx_v, seg_v, rows_v, qacc_sh, qtmp_v, cnt_v, sem_g, sem_s):
        sid = lax.axis_index("s")
        wid = sid * NC + lax.axis_index("c")
        arow = sid * ROWS_PER_W

        pltpu.sync_copy(ctx_hbm.at[pl.ds(wid * IDX_ROWS_W, IDX_ROWS_W)], idx_v)

        gathers = [
            pltpu.async_copy(
                table_hbm.at[idx_v.at[j]],
                rows_v.at[pl.ds(j * IDX_COLS, IDX_COLS)],
                sem_g,
            )
            for j in range(IDX_ROWS_W)
        ]

        lanes = lax.iota(jnp.int32, 16)
        for t in range(IDX_COLS // 16):
            seg_v[0, pl.ds(t * 16, 16)] = lanes + (arow + (16 if t % 2 else 0))

        zero = jnp.zeros((16,), jnp.float32)
        for i in range(ROWS_PER_W):
            qtmp_v[i, pl.ds(0, 16)] = zero
            qtmp_v[i, pl.ds(16, 16)] = zero
        pltpu.sync_copy(qtmp_v, qacc_sh.at[pl.ds(arow, ROWS_PER_W)])

        cnt_a = jnp.zeros((16,), jnp.float32)
        cnt_b = jnp.zeros((16,), jnp.float32)
        one = jnp.full((16,), 1.0, jnp.float32)
        for j in range(IDX_ROWS_W):
            for t in range(IDX_COLS // 16):
                ids = idx_v[j, pl.ds(t * 16, 16)]
                m = jnp.where(ids != 0, one, zero)
                if t % 2 == 0:
                    cnt_a = cnt_a + m
                else:
                    cnt_b = cnt_b + m
        cnt_v[pl.ds(0, 16)] = cnt_a
        cnt_v[pl.ds(16, 16)] = cnt_b

        for g in gathers:
            g.wait()
        scatters = [
            pltpu.async_copy(
                rows_v.at[pl.ds(j * IDX_COLS, IDX_COLS)],
                qacc_sh.at[seg_v.at[0]],
                sem_s,
                add=True,
            )
            for j in range(IDX_ROWS_W)
        ]
        for s in scatters:
            s.wait()

        pltpu.sync_copy(
            qacc_sh.at[pl.ds(arow, ROWS_PER_W)],
            qraw_hbm.at[pl.ds(wid * ROWS_PER_W, ROWS_PER_W)],
        )
        pltpu.sync_copy(cnt_v, cnt_hbm.at[pl.ds(wid * ROWS_PER_W, ROWS_PER_W)])

    return k(ctx2p, table)


BV = 2048
NVB = pl.cdiv(VOCAB1, BV)


def _tc_scores_t(qraw, cnt, g, label_table):

    def mm(lt_ref, q_ref, c_ref, g_ref, o_ref):
        cntc = c_ref[...]
        recip = 1.0 / jnp.maximum(cntc, 1.0)
        npad = jnp.float32(HIST_PAD) - cntc
        q = (q_ref[...] - npad * g_ref[...]) * recip
        o_ref[...] = lax.dot_general(
            lt_ref[...].astype(jnp.bfloat16), q.astype(jnp.bfloat16),
            (((0,), (1,)), ((), ())),
            preferred_element_type=jnp.float32,
        )

    return pl.pallas_call(
        mm,
        grid=(NVB,),
        in_specs=[
            pl.BlockSpec((EMB, BV), lambda n: (0, n)),
            pl.BlockSpec((BATCH, EMB), lambda n: (0, 0)),
            pl.BlockSpec((BATCH, 1), lambda n: (0, 0)),
            pl.BlockSpec((1, EMB), lambda n: (0, 0)),
        ],
        out_specs=pl.BlockSpec((BV, BATCH), lambda n: (n, 0)),
        out_shape=jax.ShapeDtypeStruct((VOCAB1, BATCH), jnp.float32),
    )(label_table.T, qraw, cnt, g)


def kernel(context, context_table, label_table):
    ctx_pad = jnp.pad(context, ((0, 0), (0, HIST_PAD - HIST)))
    ctx2p = (
        ctx_pad.reshape(NW, ROWS_PER_W, HIST_PAD)
        .transpose(0, 2, 1)
        .reshape(NW * IDX_ROWS_W, IDX_COLS)
    )
    qraw, cnt = _sc_sums(ctx2p, context_table)
    out_t = _tc_scores_t(qraw, cnt.reshape(BATCH, 1), context_table[0:1], label_table)
    return out_t.T

# --- scband reference (transcript-rebuilt; emitter-appended) ---
"""Pipeline reference for scband-recommendation-model-56410100466049 (READ-ONLY COPY).

The authoritative reference and input builder live on the scoring server;
editing this copy changes nothing except your own understanding.
"""

import jax, jax.numpy as jnp
import numpy as np

VOCAB = 100000
EMB = 32
BATCH = 1024
HIST = 50


def setup_inputs(seed: int = 0) -> dict:
    key = jax.random.key(seed)
    k1, k2, k3 = jax.random.split(key, 3)
    context = jax.random.randint(k1, (BATCH, HIST), 0, VOCAB + 1, dtype=jnp.int32)
    scale = 1.0 / np.sqrt(EMB)
    context_table = jax.random.normal(k2, (VOCAB + 1, EMB), dtype=jnp.float32) * scale
    label_table = jax.random.normal(k3, (VOCAB + 1, EMB), dtype=jnp.float32) * scale
    return {"context": context, "context_table": context_table, "label_table": label_table}


def reference(context, context_table, label_table):
    # Context encoder: masked bag-of-words average of context item embeddings
    # (mask_zero=True => id 0 is padding).
    emb = jnp.take(context_table, context, axis=0)  # [B, L, D]
    mask = (context != 0).astype(emb.dtype)[..., None]  # [B, L, 1]
    summed = jnp.sum(emb * mask, axis=1)  # [B, D]
    cnt = jnp.maximum(jnp.sum(mask, axis=1), 1.0)  # [B, 1]
    context_embeddings = summed / cnt  # [B, D]
    # Label embeddings over the full vocab: table[range(V+1)] == full table.
    label_embeddings = label_table  # [V+1, D]
    # DotProductSimilarity: context x all labels.
    dotproduct = context_embeddings @ label_embeddings.T  # [B, V+1]
    return dotproduct

if __name__ == "__main__":
    import jax
    _d = setup_inputs()
    print(jax.jit(kernel)(*tuple(_d.values())))

</pallas_src>

<mosaic_0001>
#map = affine_map<(d0, d1) -> (0, 0)>
#map1 = affine_map<(d0, d1) -> (0)>
module attributes {stable_mosaic.version = 14 : i64} {
  func.func @k(%arg0: i32, %arg1: i32, %arg2: memref<416x128xi32, #tpu.memory_space<hbm>>, %arg3: memref<100001x32xf32, #tpu.memory_space<hbm>>, %arg4: memref<1024x32xf32, #tpu.memory_space<hbm>>, %arg5: memref<1024xf32, #tpu.memory_space<hbm>>, %arg6: memref<13x128xi32, #tpu.memory_space<vmem>>, %arg7: memref<1x128xi32, #tpu.memory_space<vmem>>, %arg8: memref<1664x32xf32, #tpu.memory_space<vmem>>, %arg9: memref<512x32xf32, #tpu.memory_space<vmem_shared>>, %arg10: memref<32x32xf32, #tpu.memory_space<vmem>>, %arg11: memref<32xf32, #tpu.memory_space<vmem>>, %arg12: memref<!tpu.dma_semaphore, #tpu.memory_space<semaphore_mem>>, %arg13: memref<!tpu.dma_semaphore, #tpu.memory_space<semaphore_mem>>) attributes {dimension_semantics = [#tpu.dimension_semantics<core_parallel>, #tpu.dimension_semantics<subcore_parallel>], iteration_bounds = array<i64: 2, 16>, scalar_prefetch = 0 : i64, scratch_operands = 8 : i64, tpu.core_type = #tpu.core_type<sc_vector_subcore>, window_params = [{transform_indices = #map}, {transform_indices = #map}, {transform_indices = #map}, {transform_indices = #map1}]} {
    %mul3A = arith.constant 2 : i32
    %mul3A_0 = arith.muli %arg1, %mul3A : i32
    %add3A = arith.addi %mul3A_0, %arg0 : i32
    %mul3A_1 = arith.constant 32 : i32
    %mul3A_2 = arith.muli %arg1, %mul3A_1 : i32
    %mul3A_3 = arith.constant 13 : i32
    %mul3A_4 = arith.muli %add3A, %mul3A_3 : i32
    "tpu.region"() ({
      %run_scoped3A = tpu.sem_alloc : memref<!tpu.dma_semaphore, #tpu.memory_space<semaphore_mem>>
      %dma_start3A_1790 = arith.constant 0 : i32
      %dma_start3A_1791 = tpu.memref_slice %arg2[%mul3A_4, %dma_start3A_1790] : memref<416x128xi32, #tpu.memory_space<hbm>> -> memref<13x128xi32, #tpu.memory_space<hbm>>
      %dma_start3A_1792 = arith.constant 0 : i32
      %dma_start3A_1793 = tpu.memref_slice %arg2[%mul3A_4, %dma_start3A_1792] : memref<416x128xi32, #tpu.memory_space<hbm>> -> memref<13x128xi32, #tpu.memory_space<hbm>>
      tpu.enqueue_dma source(%dma_start3A_1793 : memref<13x128xi32, #tpu.memory_space<hbm>>) target(%arg6 : memref<13x128xi32, #tpu.memory_space<vmem>>) target_semaphore(%run_scoped3A : memref<!tpu.dma_semaphore, #tpu.memory_space<semaphore_mem>>)
      %dma_wait3A_1794 = arith.constant 0 : i32
      %dma_wait3A_1795 = tpu.memref_slice %arg2[%mul3A_4, %dma_wait3A_1794] : memref<416x128xi32, #tpu.memory_space<hbm>> -> memref<13x128xi32, #tpu.memory_space<hbm>>
      %dma_wait3A_1796 = arith.constant 0 : i32
      %dma_wait3A_1797 = tpu.memref_slice %arg2[%mul3A_4, %dma_wait3A_1796] : memref<416x128xi32, #tpu.memory_space<hbm>> -> memref<13x128xi32, #tpu.memory_space<hbm>>
      tpu.wait_dma2 semaphore(%run_scoped3A : memref<!tpu.dma_semaphore, #tpu.memory_space<semaphore_mem>>) src(%dma_wait3A_1797 : memref<13x128xi32, #tpu.memory_space<hbm>>) dst(%arg6 : memref<13x128xi32, #tpu.memory_space<vmem>>)
      tpu.yield
    }) : () -> ()
    %dma_start3A = arith.constant 0 : i32
    %dma_start3A_5 = arith.constant 0 : i32
    %dma_start3A_6 = arith.constant 0 : i32
    %dma_start3A_7 = tpu.memref_slice %arg8[%dma_start3A_5, %dma_start3A_6] : memref<1664x32xf32, #tpu.memory_space<vmem>> -> memref<128x32xf32, #tpu.memory_space<vmem>>
    %dma_start3A_8 = arith.constant 0 : i32
    %dma_start3A_9 = tpu.memref_slice %arg6[%dma_start3A, %dma_start3A_8] : memref<13x128xi32, #tpu.memory_space<vmem>> -> memref<1x128xi32, #tpu.memory_space<vmem>>
    %dma_start3A_10 = tpu.memref_squeeze %dma_start3A_9 : memref<1x128xi32, #tpu.memory_space<vmem>> -> memref<128xi32, #tpu.memory_space<vmem>>
    %dma_start3A_11 = arith.constant 0 : i32
    %dma_start3A_12 = arith.constant 0 : i32
    %dma_start3A_13 = tpu.memref_slice %arg3[%dma_start3A_11, %dma_start3A_12] : memref<100001x32xf32, #tpu.memory_space<hbm>> -> memref<100001x32xf32, #tpu.memory_space<hbm>>
    tpu.enqueue_indirect_dma source(%dma_start3A_13 : memref<100001x32xf32, #tpu.memory_space<hbm>>) target(%dma_start3A_7 : memref<128x32xf32, #tpu.memory_space<vmem>>) offsets(%dma_start3A_10 : memref<128xi32, #tpu.memory_space<vmem>>) semaphore(%arg12 : memref<!tpu.dma_semaphore, #tpu.memory_space<semaphore_mem>>)
    %dma_start3A_14 = arith.constant 1 : i32
    %dma_start3A_15 = arith.constant 128 : i32
    %dma_start3A_16 = arith.constant 0 : i32
    %dma_start3A_17 = tpu.memref_slice %arg8[%dma_start3A_15, %dma_start3A_16] : memref<1664x32xf32, #tpu.memory_space<vmem>> -> memref<128x32xf32, #tpu.memory_space<vmem>>
    %dma_start3A_18 = arith.constant 0 : i32
    %dma_start3A_19 = tpu.memref_slice %arg6[%dma_start3A_14, %dma_start3A_18] : memref<13x128xi32, #tpu.memory_space<vmem>> -> memref<1x128xi32, #tpu.memory_space<vmem>>
    %dma_start3A_20 = tpu.memref_squeeze %dma_start3A_19 : memref<1x128xi32, #tpu.memory_space<vmem>> -> memref<128xi32, #tpu.memory_space<vmem>>
    %dma_start3A_21 = arith.constant 0 : i32
    %dma_start3A_22 = arith.constant 0 : i32
    %dma_start3A_23 = tpu.memref_slice %arg3[%dma_start3A_21, %dma_start3A_22] : memref<100001x32xf32, #tpu.memory_space<hbm>> -> memref<100001x32xf32, #tpu.memory_space<hbm>>
    tpu.enqueue_indirect_dma source(%dma_start3A_23 : memref<100001x32xf32, #tpu.memory_space<hbm>>) target(%dma_start3A_17 : memref<128x32xf32, #tpu.memory_space<vmem>>) offsets(%dma_start3A_20 : memref<128xi32, #tpu.memory_space<vmem>>) semaphore(%arg12 : memref<!tpu.dma_semaphore, #tpu.memory_space<semaphore_mem>>)
    %dma_start3A_24 = arith.constant 2 : i32
    %dma_start3A_25 = arith.constant 256 : i32
    %dma_start3A_26 = arith.constant 0 : i32
    %dma_start3A_27 = tpu.memref_slice %arg8[%dma_start3A_25, %dma_start3A_26] : memref<1664x32xf32, #tpu.memory_space<vmem>> -> memref<128x32xf32, #tpu.memory_space<vmem>>
    %dma_start3A_28 = arith.constant 0 : i32
    %dma_start3A_29 = tpu.memref_slice %arg6[%dma_start3A_24, %dma_start3A_28] : memref<13x128xi32, #tpu.memory_space<vmem>> -> memref<1x128xi32, #tpu.memory_space<vmem>>
    %dma_start3A_30 = tpu.memref_squeeze %dma_start3A_29 : memref<1x128xi32, #tpu.memory_space<vmem>> -> memref<128xi32, #tpu.memory_space<vmem>>
    %dma_start3A_31 = arith.constant 0 : i32
    %dma_start3A_32 = arith.constant 0 : i32
    %dma_start3A_33 = tpu.memref_slice %arg3[%dma_start3A_31, %dma_start3A_32] : memref<100001x32xf32, #tpu.memory_space<hbm>> -> memref<100001x32xf32, #tpu.memory_space<hbm>>
    tpu.enqueue_indirect_dma source(%dma_start3A_33 : memref<100001x32xf32, #tpu.memory_space<hbm>>) target(%dma_start3A_27 : memref<128x32xf32, #tpu.memory_space<vmem>>) offsets(%dma_start3A_30 : memref<128xi32, #tpu.memory_space<vmem>>) semaphore(%arg12 : memref<!tpu.dma_semaphore, #tpu.memory_space<semaphore_mem>>)
    %dma_start3A_34 = arith.constant 3 : i32
    %dma_start3A_35 = arith.constant 384 : i32
    %dma_start3A_36 = arith.constant 0 : i32
    %dma_start3A_37 = tpu.memref_slice %arg8[%dma_start3A_35, %dma_start3A_36] : memref<1664x32xf32, #tpu.memory_space<vmem>> -> memref<128x32xf32, #tpu.memory_space<vmem>>
    %dma_start3A_38 = arith.constant 0 : i32
    %dma_start3A_39 = tpu.memref_slice %arg6[%dma_start3A_34, %dma_start3A_38] : memref<13x128xi32, #tpu.memory_space<vmem>> -> memref<1x128xi32, #tpu.memory_space<vmem>>
    %dma_start3A_40 = tpu.memref_squeeze %dma_start3A_39 : memref<1x128xi32, #tpu.memory_space<vmem>> -> memref<128xi32, #tpu.memory_space<vmem>>
    %dma_start3A_41 = arith.constant 0 : i32
    %dma_start3A_42 = arith.constant 0 : i32
    %dma_start3A_43 = tpu.memref_slice %arg3[%dma_start3A_41, %dma_start3A_42] : memref<100001x32xf32, #tpu.memory_space<hbm>> -> memref<100001x32xf32, #tpu.memory_space<hbm>>
    tpu.enqueue_indirect_dma source(%dma_start3A_43 : memref<100001x32xf32, #tpu.memory_space<hbm>>) target(%dma_start3A_37 : memref<128x32xf32, #tpu.memory_space<vmem>>) offsets(%dma_start3A_40 : memref<128xi32, #tpu.memory_space<vmem>>) semaphore(%arg12 : memref<!tpu.dma_semaphore, #tpu.memory_space<semaphore_mem>>)
    %dma_start3A_44 = arith.constant 4 : i32
    %dma_start3A_45 = arith.constant 512 : i32
    %dma_start3A_46 = arith.constant 0 : i32
    %dma_start3A_47 = tpu.memref_slice %arg8[%dma_start3A_45, %dma_start3A_46] : memref<1664x32xf32, #tpu.memory_space<vmem>> -> memref<128x32xf32, #tpu.memory_space<vmem>>
    %dma_start3A_48 = arith.constant 0 : i32
    %dma_start3A_49 = tpu.memref_slice %arg6[%dma_start3A_44, %dma_start3A_48] : memref<13x128xi32, #tpu.memory_space<vmem>> -> memref<1x128xi32, #tpu.memory_space<vmem>>
    %dma_start3A_50 = tpu.memref_squeeze %dma_start3A_49 : memref<1x128xi32, #tpu.memory_space<vmem>> -> memref<128xi32, #tpu.memory_space<vmem>>
    %dma_start3A_51 = arith.constant 0 : i32
    %dma_start3A_52 = arith.constant 0 : i32
    %dma_start3A_53 = tpu.memref_slice %arg3[%dma_start3A_51, %dma_start3A_52] : memref<100001x32xf32, #tpu.memory_space<hbm>> -> memref<100001x32xf32, #tpu.memory_space<hbm>>
    tpu.enqueue_indirect_dma source(%dma_start3A_53 : memref<100001x32xf32, #tpu.memory_space<hbm>>) target(%dma_start3A_47 : memref<128x32xf32, #tpu.memory_space<vmem>>) offsets(%dma_start3A_50 : memref<128xi32, #tpu.memory_space<vmem>>) semaphore(%arg12 : memref<!tpu.dma_semaphore, #tpu.memory_space<semaphore_mem>>)
    %dma_start3A_54 = arith.constant 5 : i32
    %dma_start3A_55 = arith.constant 640 : i32
    %dma_start3A_56 = arith.constant 0 : i32
    %dma_start3A_57 = tpu.memref_slice %arg8[%dma_start3A_55, %dma_start3A_56] : memref<1664x32xf32, #tpu.memory_space<vmem>> -> memref<128x32xf32, #tpu.memory_space<vmem>>
    %dma_start3A_58 = arith.constant 0 : i32
    %dma_start3A_59 = tpu.memref_slice %arg6[%dma_start3A_54, %dma_start3A_58] : memref<13x128xi32, #tpu.memory_space<vmem>> -> memref<1x128xi32, #tpu.memory_space<vmem>>
    %dma_start3A_60 = tpu.memref_squeeze %dma_start3A_59 : memref<1x128xi32, #tpu.memory_space<vmem>> -> memref<128xi32, #tpu.memory_space<vmem>>
    %dma_start3A_61 = arith.constant 0 : i32
    %dma_start3A_62 = arith.constant 0 : i32
    %dma_start3A_63 = tpu.memref_slice %arg3[%dma_start3A_61, %dma_start3A_62] : memref<100001x32xf32, #tpu.memory_space<hbm>> -> memref<100001x32xf32, #tpu.memory_space<hbm>>
    tpu.enqueue_indirect_dma source(%dma_start3A_63 : memref<100001x32xf32, #tpu.memory_space<hbm>>) target(%dma_start3A_57 : memref<128x32xf32, #tpu.memory_space<vmem>>) offsets(%dma_start3A_60 : memref<128xi32, #tpu.memory_space<vmem>>) semaphore(%arg12 : memref<!tpu.dma_semaphore, #tpu.memory_space<semaphore_mem>>)
    %dma_start3A_64 = arith.constant 6 : i32
    %dma_start3A_65 = arith.constant 768 : i32
    %dma_start3A_66 = arith.constant 0 : i32
    %dma_start3A_67 = tpu.memref_slice %arg8[%dma_start3A_65, %dma_start3A_66] : memref<1664x32xf32, #tpu.memory_space<vmem>> -> memref<128x32xf32, #tpu.memory_space<vmem>>
    %dma_start3A_68 = arith.constant 0 : i32
    %dma_start3A_69 = tpu.memref_slice %arg6[%dma_start3A_64, %dma_start3A_68] : memref<13x128xi32, #tpu.memory_space<vmem>> -> memref<1x128xi32, #tpu.memory_space<vmem>>
    %dma_start3A_70 = tpu.memref_squeeze %dma_start3A_69 : memref<1x128xi32, #tpu.memory_space<vmem>> -> memref<128xi32, #tpu.memory_space<vmem>>
    %dma_start3A_71 = arith.constant 0 : i32
    %dma_start3A_72 = arith.constant 0 : i32
    %dma_start3A_73 = tpu.memref_slice %arg3[%dma_start3A_71, %dma_start3A_72] : memref<100001x32xf32, #tpu.memory_space<hbm>> -> memref<100001x32xf32, #tpu.memory_space<hbm>>
    tpu.enqueue_indirect_dma source(%dma_start3A_73 : memref<100001x32xf32, #tpu.memory_space<hbm>>) target(%dma_start3A_67 : memref<128x32xf32, #tpu.memory_space<vmem>>) offsets(%dma_start3A_70 : memref<128xi32, #tpu.memory_space<vmem>>) semaphore(%arg12 : memref<!tpu.dma_semaphore, #tpu.memory_space<semaphore_mem>>)
    %dma_start3A_74 = arith.constant 7 : i32
    %dma_start3A_75 = arith.constant 896 : i32
    %dma_start3A_76 = arith.constant 0 : i32
    %dma_start3A_77 = tpu.memref_slice %arg8[%dma_start3A_75, %dma_start3A_76] : memref<1664x32xf32, #tpu.memory_space<vmem>> -> memref<128x32xf32, #tpu.memory_space<vmem>>
    %dma_start3A_78 = arith.constant 0 : i32
    %dma_start3A_79 = tpu.memref_slice %arg6[%dma_start3A_74, %dma_start3A_78] : memref<13x128xi32, #tpu.memory_space<vmem>> -> memref<1x128xi32, #tpu.memory_space<vmem>>
    %dma_start3A_80 = tpu.memref_squeeze %dma_start3A_79 : memref<1x128xi32, #tpu.memory_space<vmem>> -> memref<128xi32, #tpu.memory_space<vmem>>
    %dma_start3A_81 = arith.constant 0 : i32
    %dma_start3A_82 = arith.constant 0 : i32
    %dma_start3A_83 = tpu.memref_slice %arg3[%dma_start3A_81, %dma_start3A_82] : memref<100001x32xf32, #tpu.memory_space<hbm>> -> memref<100001x32xf32, #tpu.memory_space<hbm>>
    tpu.enqueue_indirect_dma source(%dma_start3A_83 : memref<100001x32xf32, #tpu.memory_space<hbm>>) target(%dma_start3A_77 : memref<128x32xf32, #tpu.memory_space<vmem>>) offsets(%dma_start3A_80 : memref<128xi32, #tpu.memory_space<vmem>>) semaphore(%arg12 : memref<!tpu.dma_semaphore, #tpu.memory_space<semaphore_mem>>)
    %dma_start3A_84 = arith.constant 8 : i32
    %dma_start3A_85 = arith.constant 1024 : i32
    %dma_start3A_86 = arith.constant 0 : i32
    %dma_start3A_87 = tpu.memref_slice %arg8[%dma_start3A_85, %dma_start3A_86] : memref<1664x32xf32, #tpu.memory_space<vmem>> -> memref<128x32xf32, #tpu.memory_space<vmem>>
    %dma_start3A_88 = arith.constant 0 : i32
    %dma_start3A_89 = tpu.memref_slice %arg6[%dma_start3A_84, %dma_start3A_88] : memref<13x128xi32, #tpu.memory_space<vmem>> -> memref<1x128xi32, #tpu.memory_space<vmem>>
    %dma_start3A_90 = tpu.memref_squeeze %dma_start3A_89 : memref<1x128xi32, #tpu.memory_space<vmem>> -> memref<128xi32, #tpu.memory_space<vmem>>
    %dma_start3A_91 = arith.constant 0 : i32
    %dma_start3A_92 = arith.constant 0 : i32
    %dma_start3A_93 = tpu.memref_slice %arg3[%dma_start3A_91, %dma_start3A_92] : memref<100001x32xf32, #tpu.memory_space<hbm>> -> memref<100001x32xf32, #tpu.memory_space<hbm>>
    tpu.enqueue_indirect_dma source(%dma_start3A_93 : memref<100001x32xf32, #tpu.memory_space<hbm>>) target(%dma_start3A_87 : memref<128x32xf32, #tpu.memory_space<vmem>>) offsets(%dma_start3A_90 : memref<128xi32, #tpu.memory_space<vmem>>) semaphore(%arg12 : memref<!tpu.dma_semaphore, #tpu.memory_space<semaphore_mem>>)
    %dma_start3A_94 = arith.constant 9 : i32
    %dma_start3A_95 = arith.constant 1152 : i32
    %dma_start3A_96 = arith.constant 0 : i32
    %dma_start3A_97 = tpu.memref_slice %arg8[%dma_start3A_95, %dma_start3A_96] : memref<1664x32xf32, #tpu.memory_space<vmem>> -> memref<128x32xf32, #tpu.memory_space<vmem>>
    %dma_start3A_98 = arith.constant 0 : i32
    %dma_start3A_99 = tpu.memref_slice %arg6[%dma_start3A_94, %dma_start3A_98] : memref<13x128xi32, #tpu.memory_space<vmem>> -> memref<1x128xi32, #tpu.memory_space<vmem>>
    %dma_start3A_100 = tpu.memref_squeeze %dma_start3A_99 : memref<1x128xi32, #tpu.memory_space<vmem>> -> memref<128xi32, #tpu.memory_space<vmem>>
    %dma_start3A_101 = arith.constant 0 : i32
    %dma_start3A_102 = arith.constant 0 : i32
    %dma_start3A_103 = tpu.memref_slice %arg3[%dma_start3A_101, %dma_start3A_102] : memref<100001x32xf32, #tpu.memory_space<hbm>> -> memref<100001x32xf32, #tpu.memory_space<hbm>>
    tpu.enqueue_indirect_dma source(%dma_start3A_103 : memref<100001x32xf32, #tpu.memory_space<hbm>>) target(%dma_start3A_97 : memref<128x32xf32, #tpu.memory_space<vmem>>) offsets(%dma_start3A_100 : memref<128xi32, #tpu.memory_space<vmem>>) semaphore(%arg12 : memref<!tpu.dma_semaphore, #tpu.memory_space<semaphore_mem>>)
    %dma_start3A_104 = arith.constant 10 : i32
    %dma_start3A_105 = arith.constant 1280 : i32
    %dma_start3A_106 = arith.constant 0 : i32
    %dma_start3A_107 = tpu.memref_slice %arg8[%dma_start3A_105, %dma_start3A_106] : memref<1664x32xf32, #tpu.memory_space<vmem>> -> memref<128x32xf32, #tpu.memory_space<vmem>>
    %dma_start3A_108 = arith.constant 0 : i32
    %dma_start3A_109 = tpu.memref_slice %arg6[%dma_start3A_104, %dma_start3A_108] : memref<13x128xi32, #tpu.memory_space<vmem>> -> memref<1x128xi32, #tpu.memory_space<vmem>>
    %dma_start3A_110 = tpu.memref_squeeze %dma_start3A_109 : memref<1x128xi32, #tpu.memory_space<vmem>> -> memref<128xi32, #tpu.memory_space<vmem>>
    %dma_start3A_111 = arith.constant 0 : i32
    %dma_start3A_112 = arith.constant 0 : i32
    %dma_start3A_113 = tpu.memref_slice %arg3[%dma_start3A_111, %dma_start3A_112] : memref<100001x32xf32, #tpu.memory_space<hbm>> -> memref<100001x32xf32, #tpu.memory_space<hbm>>
    tpu.enqueue_indirect_dma source(%dma_start3A_113 : memref<100001x32xf32, #tpu.memory_space<hbm>>) target(%dma_start3A_107 : memref<128x32xf32, #tpu.memory_space<vmem>>) offsets(%dma_start3A_110 : memref<128xi32, #tpu.memory_space<vmem>>) semaphore(%arg12 : memref<!tpu.dma_semaphore, #tpu.memory_space<semaphore_mem>>)
    %dma_start3A_114 = arith.constant 11 : i32
    %dma_start3A_115 = arith.constant 1408 : i32
    %dma_start3A_116 = arith.constant 0 : i32
    %dma_start3A_117 = tpu.memref_slice %arg8[%dma_start3A_115, %dma_start3A_116] : memref<1664x32xf32, #tpu.memory_space<vmem>> -> memref<128x32xf32, #tpu.memory_space<vmem>>
    %dma_start3A_118 = arith.constant 0 : i32
    %dma_start3A_119 = tpu.memref_slice %arg6[%dma_start3A_114, %dma_start3A_118] : memref<13x128xi32, #tpu.memory_space<vmem>> -> memref<1x128xi32, #tpu.memory_space<vmem>>
    %dma_start3A_120 = tpu.memref_squeeze %dma_start3A_119 : memref<1x128xi32, #tpu.memory_space<vmem>> -> memref<128xi32, #tpu.memory_space<vmem>>
    %dma_start3A_121 = arith.constant 0 : i32
    %dma_start3A_122 = arith.constant 0 : i32
    %dma_start3A_123 = tpu.memref_slice %arg3[%dma_start3A_121, %dma_start3A_122] : memref<100001x32xf32, #tpu.memory_space<hbm>> -> memref<100001x32xf32, #tpu.memory_space<hbm>>
    tpu.enqueue_indirect_dma source(%dma_start3A_123 : memref<100001x32xf32, #tpu.memory_space<hbm>>) target(%dma_start3A_117 : memref<128x32xf32, #tpu.memory_space<vmem>>) offsets(%dma_start3A_120 : memref<128xi32, #tpu.memory_space<vmem>>) semaphore(%arg12 : memref<!tpu.dma_semaphore, #tpu.memory_space<semaphore_mem>>)
    %dma_start3A_124 = arith.constant 12 : i32
    %dma_start3A_125 = arith.constant 1536 : i32
    %dma_start3A_126 = arith.constant 0 : i32
    %dma_start3A_127 = tpu.memref_slice %arg8[%dma_start3A_125, %dma_start3A_126] : memref<1664x32xf32, #tpu.memory_space<vmem>> -> memref<128x32xf32, #tpu.memory_space<vmem>>
    %dma_start3A_128 = arith.constant 0 : i32
    %dma_start3A_129 = tpu.memref_slice %arg6[%dma_start3A_124, %dma_start3A_128] : memref<13x128xi32, #tpu.memory_space<vmem>> -> memref<1x128xi32, #tpu.memory_space<vmem>>
    %dma_start3A_130 = tpu.memref_squeeze %dma_start3A_129 : memref<1x128xi32, #tpu.memory_space<vmem>> -> memref<128xi32, #tpu.memory_space<vmem>>
    %dma_start3A_131 = arith.constant 0 : i32
    %dma_start3A_132 = arith.constant 0 : i32
    %dma_start3A_133 = tpu.memref_slice %arg3[%dma_start3A_131, %dma_start3A_132] : memref<100001x32xf32, #tpu.memory_space<hbm>> -> memref<100001x32xf32, #tpu.memory_space<hbm>>
    tpu.enqueue_indirect_dma source(%dma_start3A_133 : memref<100001x32xf32, #tpu.memory_space<hbm>>) target(%dma_start3A_127 : memref<128x32xf32, #tpu.memory_space<vmem>>) offsets(%dma_start3A_130 : memref<128xi32, #tpu.memory_space<vmem>>) semaphore(%arg12 : memref<!tpu.dma_semaphore, #tpu.memory_space<semaphore_mem>>)
    %iota3A = tpu.iota {dimensions = array<i32: 0>} : vector<16xi32>
    %add3A_134 = arith.constant 0 : i32
    %add3A_135 = arith.addi %mul3A_2, %add3A_134 : i32
    %add3A_136 = vector.broadcast %add3A_135 : i32 to vector<16xi32>
    %add3A_137 = arith.addi %iota3A, %add3A_136 : vector<16xi32>
    %swap3A = arith.constant 0 : i32
    %swap3A_138 = arith.index_cast %swap3A : i32 to index
    %swap3A_139 = arith.constant 0 : index
    %swap3A_140 = tpu.vector_load %arg7[%swap3A_138, %swap3A_139] {strides = array<i32>} : memref<1x128xi32, #tpu.memory_space<vmem>>, vector<16xi32>,
    tpu.vector_store %arg7[%swap3A_138, %swap3A_139], %add3A_137 {strides = array<i32>} : memref<1x128xi32, #tpu.memory_space<vmem>>, vector<16xi32>,
    %add3A_141 = arith.constant 16 : i32
    %add3A_142 = arith.addi %mul3A_2, %add3A_141 : i32
    %add3A_143 = vector.broadcast %add3A_142 : i32 to vector<16xi32>
    %add3A_144 = arith.addi %iota3A, %add3A_143 : vector<16xi32>
    %swap3A_145 = arith.constant 0 : i32
    %swap3A_146 = arith.index_cast %swap3A_145 : i32 to index
    %swap3A_147 = arith.constant 16 : index
    %swap3A_148 = tpu.vector_load %arg7[%swap3A_146, %swap3A_147] {strides = array<i32>} : memref<1x128xi32, #tpu.memory_space<vmem>>, vector<16xi32>,
    tpu.vector_store %arg7[%swap3A_146, %swap3A_147], %add3A_144 {strides = array<i32>} : memref<1x128xi32, #tpu.memory_space<vmem>>, vector<16xi32>,
    %add3A_149 = arith.constant 0 : i32
    %add3A_150 = arith.addi %mul3A_2, %add3A_149 : i32
    %add3A_151 = vector.broadcast %add3A_150 : i32 to vector<16xi32>
    %add3A_152 = arith.addi %iota3A, %add3A_151 : vector<16xi32>
    %swap3A_153 = arith.constant 0 : i32
    %swap3A_154 = arith.index_cast %swap3A_153 : i32 to index
    %swap3A_155 = arith.constant 32 : index
    %swap3A_156 = tpu.vector_load %arg7[%swap3A_154, %swap3A_155] {strides = array<i32>} : memref<1x128xi32, #tpu.memory_space<vmem>>, vector<16xi32>,
    tpu.vector_store %arg7[%swap3A_154, %swap3A_155], %add3A_152 {strides = array<i32>} : memref<1x128xi32, #tpu.memory_space<vmem>>, vector<16xi32>,
    %add3A_157 = arith.constant 16 : i32
    %add3A_158 = arith.addi %mul3A_2, %add3A_157 : i32
    %add3A_159 = vector.broadcast %add3A_158 : i32 to vector<16xi32>
    %add3A_160 = arith.addi %iota3A, %add3A_159 : vector<16xi32>
    %swap3A_161 = arith.constant 0 : i32
    %swap3A_162 = arith.index_cast %swap3A_161 : i32 to index
    %swap3A_163 = arith.constant 48 : index
    %swap3A_164 = tpu.vector_load %arg7[%swap3A_162, %swap3A_163] {strides = array<i32>} : memref<1x128xi32, #tpu.memory_space<vmem>>, vector<16xi32>,
    tpu.vector_store %arg7[%swap3A_162, %swap3A_163], %add3A_160 {strides = array<i32>} : memref<1x128xi32, #tpu.memory_space<vmem>>, vector<16xi32>,
    %add3A_165 = arith.constant 0 : i32
    %add3A_166 = arith.addi %mul3A_2, %add3A_165 : i32
    %add3A_167 = vector.broadcast %add3A_166 : i32 to vector<16xi32>
    %add3A_168 = arith.addi %iota3A, %add3A_167 : vector<16xi32>
    %swap3A_169 = arith.constant 0 : i32
    %swap3A_170 = arith.index_cast %swap3A_169 : i32 to index
    %swap3A_171 = arith.constant 64 : index
    %swap3A_172 = tpu.vector_load %arg7[%swap3A_170, %swap3A_171] {strides = array<i32>} : memref<1x128xi32, #tpu.memory_space<vmem>>, vector<16xi32>,
    tpu.vector_store %arg7[%swap3A_170, %swap3A_171], %add3A_168 {strides = array<i32>} : memref<1x128xi32, #tpu.memory_space<vmem>>, vector<16xi32>,
    %add3A_173 = arith.constant 16 : i32
    %add3A_174 = arith.addi %mul3A_2, %add3A_173 : i32
    %add3A_175 = vector.broadcast %add3A_174 : i32 to vector<16xi32>
    %add3A_176 = arith.addi %iota3A, %add3A_175 : vector<16xi32>
    %swap3A_177 = arith.constant 0 : i32
    %swap3A_178 = arith.index_cast %swap3A_177 : i32 to index
    %swap3A_179 = arith.constant 80 : index
    %swap3A_180 = tpu.vector_load %arg7[%swap3A_178, %swap3A_179] {strides = array<i32>} : memref<1x128xi32, #tpu.memory_space<vmem>>, vector<16xi32>,
    tpu.vector_store %arg7[%swap3A_178, %swap3A_179], %add3A_176 {strides = array<i32>} : memref<1x128xi32, #tpu.memory_space<vmem>>, vector<16xi32>,
    %add3A_181 = arith.constant 0 : i32
    %add3A_182 = arith.addi %mul3A_2, %add3A_181 : i32
    %add3A_183 = vector.broadcast %add3A_182 : i32 to vector<16xi32>
    %add3A_184 = arith.addi %iota3A, %add3A_183 : vector<16xi32>
    %swap3A_185 = arith.constant 0 : i32
    %swap3A_186 = arith.index_cast %swap3A_185 : i32 to index
    %swap3A_187 = arith.constant 96 : index
    %swap3A_188 = tpu.vector_load %arg7[%swap3A_186, %swap3A_187] {strides = array<i32>} : memref<1x128xi32, #tpu.memory_space<vmem>>, vector<16xi32>,
    tpu.vector_store %arg7[%swap3A_186, %swap3A_187], %add3A_184 {strides = array<i32>} : memref<1x128xi32, #tpu.memory_space<vmem>>, vector<16xi32>,
    %add3A_189 = arith.constant 16 : i32
    %add3A_190 = arith.addi %mul3A_2, %add3A_189 : i32
    %add3A_191 = vector.broadcast %add3A_190 : i32 to vector<16xi32>
    %add3A_192 = arith.addi %iota3A, %add3A_191 : vector<16xi32>
    %swap3A_193 = arith.constant 0 : i32
    %swap3A_194 = arith.index_cast %swap3A_193 : i32 to index
    %swap3A_195 = arith.constant 112 : index
    %swap3A_196 = tpu.vector_load %arg7[%swap3A_194, %swap3A_195] {strides = array<i32>} : memref<1x128xi32, #tpu.memory_space<vmem>>, vector<16xi32>,
    tpu.vector_store %arg7[%swap3A_194, %swap3A_195], %add3A_192 {strides = array<i32>} : memref<1x128xi32, #tpu.memory_space<vmem>>, vector<16xi32>,
    %broadcast_in_dim3A = arith.constant 0.000000e+00 : f32
    %broadcast_in_dim3A_197 = vector.broadcast %broadcast_in_dim3A : f32 to vector<16xf32>
    %swap3A_198 = arith.constant 0 : i32
    %swap3A_199 = arith.index_cast %swap3A_198 : i32 to index
    %swap3A_200 = arith.constant 0 : index
    %swap3A_201 = tpu.vector_load %arg10[%swap3A_199, %swap3A_200] {strides = array<i32>} : memref<32x32xf32, #tpu.memory_space<vmem>>, vector<16xf32>,
    tpu.vector_store %arg10[%swap3A_199, %swap3A_200], %broadcast_in_dim3A_197 {strides = array<i32>} : memref<32x32xf32, #tpu.memory_space<vmem>>, vector<16xf32>,
    %swap3A_202 = arith.constant 0 : i32
    %swap3A_203 = arith.index_cast %swap3A_202 : i32 to index
    %swap3A_204 = arith.constant 16 : index
    %swap3A_205 = tpu.vector_load %arg10[%swap3A_203, %swap3A_204] {strides = array<i32>} : memref<32x32xf32, #tpu.memory_space<vmem>>, vector<16xf32>,
    tpu.vector_store %arg10[%swap3A_203, %swap3A_204], %broadcast_in_dim3A_197 {strides = array<i32>} : memref<32x32xf32, #tpu.memory_space<vmem>>, vector<16xf32>,
    %swap3A_206 = arith.constant 1 : i32
    %swap3A_207 = arith.index_cast %swap3A_206 : i32 to index
    %swap3A_208 = arith.constant 0 : index
    %swap3A_209 = tpu.vector_load %arg10[%swap3A_207, %swap3A_208] {strides = array<i32>} : memref<32x32xf32, #tpu.memory_space<vmem>>, vector<16xf32>,
    tpu.vector_store %arg10[%swap3A_207, %swap3A_208], %broadcast_in_dim3A_197 {strides = array<i32>} : memref<32x32xf32, #tpu.memory_space<vmem>>, vector<16xf32>,
    %swap3A_210 = arith.constant 1 : i32
    %swap3A_211 = arith.index_cast %swap3A_210 : i32 to index
    %swap3A_212 = arith.constant 16 : index
    %swap3A_213 = tpu.vector_load %arg10[%swap3A_211, %swap3A_212] {strides = array<i32>} : memref<32x32xf32, #tpu.memory_space<vmem>>, vector<16xf32>,
    tpu.vector_store %arg10[%swap3A_211, %swap3A_212], %broadcast_in_dim3A_197 {strides = array<i32>} : memref<32x32xf32, #tpu.memory_space<vmem>>, vector<16xf32>,
    %swap3A_214 = arith.constant 2 : i32
    %swap3A_215 = arith.index_cast %swap3A_214 : i32 to index
    %swap3A_216 = arith.constant 0 : index
    %swap3A_217 = tpu.vector_load %arg10[%swap3A_215, %swap3A_216] {strides = array<i32>} : memref<32x32xf32, #tpu.memory_space<vmem>>, vector<16xf32>,
    tpu.vector_store %arg10[%swap3A_215, %swap3A_216], %broadcast_in_dim3A_197 {strides = array<i32>} : memref<32x32xf32, #tpu.memory_space<vmem>>, vector<16xf32>,
    %swap3A_218 = arith.constant 2 : i32
    %swap3A_219 = arith.index_cast %swap3A_218 : i32 to index
    %swap3A_220 = arith.constant 16 : index
    %swap3A_221 = tpu.vector_load %arg10[%swap3A_219, %swap3A_220] {strides = array<i32>} : memref<32x32xf32, #tpu.memory_space<vmem>>, vector<16xf32>,
    tpu.vector_store %arg10[%swap3A_219, %swap3A_220], %broadcast_in_dim3A_197 {strides = array<i32>} : memref<32x32xf32, #tpu.memory_space<vmem>>, vector<16xf32>,
    %swap3A_222 = arith.constant 3 : i32
    %swap3A_223 = arith.index_cast %swap3A_222 : i32 to index
    %swap3A_224 = arith.constant 0 : index
    %swap3A_225 = tpu.vector_load %arg10[%swap3A_223, %swap3A_224] {strides = array<i32>} : memref<32x32xf32, #tpu.memory_space<vmem>>, vector<16xf32>,
    tpu.vector_store %arg10[%swap3A_223, %swap3A_224], %broadcast_in_dim3A_197 {strides = array<i32>} : memref<32x32xf32, #tpu.memory_space<vmem>>, vector<16xf32>,
    %swap3A_226 = arith.constant 3 : i32
    %swap3A_227 = arith.index_cast %swap3A_226 : i32 to index
    %swap3A_228 = arith.constant 16 : index
    %swap3A_229 = tpu.vector_load %arg10[%swap3A_227, %swap3A_228] {strides = array<i32>} : memref<32x32xf32, #tpu.memory_space<vmem>>, vector<16xf32>,
    tpu.vector_store %arg10[%swap3A_227, %swap3A_228], %broadcast_in_dim3A_197 {strides = array<i32>} : memref<32x32xf32, #tpu.memory_space<vmem>>, vector<16xf32>,
    %swap3A_230 = arith.constant 4 : i32
    %swap3A_231 = arith.index_cast %swap3A_230 : i32 to index
    %swap3A_232 = arith.constant 0 : index
    %swap3A_233 = tpu.vector_load %arg10[%swap3A_231, %swap3A_232] {strides = array<i32>} : memref<32x32xf32, #tpu.memory_space<vmem>>, vector<16xf32>,
    tpu.vector_store %arg10[%swap3A_231, %swap3A_232], %broadcast_in_dim3A_197 {strides = array<i32>} : memref<32x32xf32, #tpu.memory_space<vmem>>, vector<16xf32>,
    %swap3A_234 = arith.constant 4 : i32
    %swap3A_235 = arith.index_cast %swap3A_234 : i32 to index
    %swap3A_236 = arith.constant 16 : index
    %swap3A_237 = tpu.vector_load %arg10[%swap3A_235, %swap3A_236] {strides = array<i32>} : memref<32x32xf32, #tpu.memory_space<vmem>>, vector<16xf32>,
    tpu.vector_store %arg10[%swap3A_235, %swap3A_236], %broadcast_in_dim3A_197 {strides = array<i32>} : memref<32x32xf32, #tpu.memory_space<vmem>>, vector<16xf32>,
    %swap3A_238 = arith.constant 5 : i32
    %swap3A_239 = arith.index_cast %swap3A_238 : i32 to index
    %swap3A_240 = arith.constant 0 : index
    %swap3A_241 = tpu.vector_load %arg10[%swap3A_239, %swap3A_240] {strides = array<i32>} : memref<32x32xf32, #tpu.memory_space<vmem>>, vector<16xf32>,
    tpu.vector_store %arg10[%swap3A_239, %swap3A_240], %broadcast_in_dim3A_197 {strides = array<i32>} : memref<32x32xf32, #tpu.memory_space<vmem>>, vector<16xf32>,
    %swap3A_242 = arith.constant 5 : i32
    %swap3A_243 = arith.index_cast %swap3A_242 : i32 to index
    %swap3A_244 = arith.constant 16 : index
    %swap3A_245 = tpu.vector_load %arg10[%swap3A_243, %swap3A_244] {strides = array<i32>} : memref<32x32xf32, #tpu.memory_space<vmem>>, vector<16xf32>,
    tpu.vector_store %arg10[%swap3A_243, %swap3A_244], %broadcast_in_dim3A_197 {strides = array<i32>} : memref<32x32xf32, #tpu.memory_space<vmem>>, vector<16xf32>,
    %swap3A_246 = arith.constant 6 : i32
    %swap3A_247 = arith.index_cast %swap3A_246 : i32 to index
    %swap3A_248 = arith.constant 0 : index
    %swap3A_249 = tpu.vector_load %arg10[%swap3A_247, %swap3A_248] {strides = array<i32>} : memref<32x32xf32, #tpu.memory_space<vmem>>, vector<16xf32>,
    tpu.vector_store %arg10[%swap3A_247, %swap3A_248], %broadcast_in_dim3A_197 {strides = array<i32>} : memref<32x32xf32, #tpu.memory_space<vmem>>, vector<16xf32>,
    %swap3A_250 = arith.constant 6 : i32
    %swap3A_251 = arith.index_cast %swap3A_250 : i32 to index
    %swap3A_252 = arith.constant 16 : index
    %swap3A_253 = tpu.vector_load %arg10[%swap3A_251, %swap3A_252] {strides = array<i32>} : memref<32x32xf32, #tpu.memory_space<vmem>>, vector<16xf32>,
    tpu.vector_store %arg10[%swap3A_251, %swap3A_252], %broadcast_in_dim3A_197 {strides = array<i32>} : memref<32x32xf32, #tpu.memory_space<vmem>>, vector<16xf32>,
    %swap3A_254 = arith.constant 7 : i32
    %swap3A_255 = arith.index_cast %swap3A_254 : i32 to index
    %swap3A_256 = arith.constant 0 : index
    %swap3A_257 = tpu.vector_load %arg10[%swap3A_255, %swap3A_256] {strides = array<i32>} : memref<32x32xf32, #tpu.memory_space<vmem>>, vector<16xf32>,
    tpu.vector_store %arg10[%swap3A_255, %swap3A_256], %broadcast_in_dim3A_197 {strides = array<i32>} : memref<32x32xf32, #tpu.memory_space<vmem>>, vector<16xf32>,
    %swap3A_258 = arith.constant 7 : i32
    %swap3A_259 = arith.index_cast %swap3A_258 : i32 to index
    %swap3A_260 = arith.constant 16 : index
    %swap3A_261 = tpu.vector_load %arg10[%swap3A_259, %swap3A_260] {strides = array<i32>} : memref<32x32xf32, #tpu.memory_space<vmem>>, vector<16xf32>,
    tpu.vector_store %arg10[%swap3A_259, %swap3A_260], %broadcast_in_dim3A_197 {strides = array<i32>} : memref<32x32xf32, #tpu.memory_space<vmem>>, vector<16xf32>,
    %swap3A_262 = arith.constant 8 : i32
    %swap3A_263 = arith.index_cast %swap3A_262 : i32 to index
    %swap3A_264 = arith.constant 0 : index
    %swap3A_265 = tpu.vector_load %arg10[%swap3A_263, %swap3A_264] {strides = array<i32>} : memref<32x32xf32, #tpu.memory_space<vmem>>, vector<16xf32>,
    tpu.vector_store %arg10[%swap3A_263, %swap3A_264], %broadcast_in_dim3A_197 {strides = array<i32>} : memref<32x32xf32, #tpu.memory_space<vmem>>, vector<16xf32>,
    %swap3A_266 = arith.constant 8 : i32
    %swap3A_267 = arith.index_cast %swap3A_266 : i32 to index
    %swap3A_268 = arith.constant 16 : index
    %swap3A_269 = tpu.vector_load %arg10[%swap3A_267, %swap3A_268] {strides = array<i32>} : memref<32x32xf32, #tpu.memory_space<vmem>>, vector<16xf32>,
    tpu.vector_store %arg10[%swap3A_267, %swap3A_268], %broadcast_in_dim3A_197 {strides = array<i32>} : memref<32x32xf32, #tpu.memory_space<vmem>>, vector<16xf32>,
    %swap3A_270 = arith.constant 9 : i32
    %swap3A_271 = arith.index_cast %swap3A_270 : i32 to index
    %swap3A_272 = arith.constant 0 : index
    %swap3A_273 = tpu.vector_load %arg10[%swap3A_271, %swap3A_272] {strides = array<i32>} : memref<32x32xf32, #tpu.memory_space<vmem>>, vector<16xf32>,
    tpu.vector_store %arg10[%swap3A_271, %swap3A_272], %broadcast_in_dim3A_197 {strides = array<i32>} : memref<32x32xf32, #tpu.memory_space<vmem>>, vector<16xf32>,
    %swap3A_274 = arith.constant 9 : i32
    %swap3A_275 = arith.index_cast %swap3A_274 : i32 to index
    %swap3A_276 = arith.constant 16 : index
    %swap3A_277 = tpu.vector_load %arg10[%swap3A_275, %swap3A_276] {strides = array<i32>} : memref<32x32xf32, #tpu.memory_space<vmem>>, vector<16xf32>,
    tpu.vector_store %arg10[%swap3A_275, %swap3A_276], %broadcast_in_dim3A_197 {strides = array<i32>} : memref<32x32xf32, #tpu.memory_space<vmem>>, vector<16xf32>,
    %swap3A_278 = arith.constant 10 : i32
    %swap3A_279 = arith.index_cast %swap3A_278 : i32 to index
    %swap3A_280 = arith.constant 0 : index
    %swap3A_281 = tpu.vector_load %arg10[%swap3A_279, %swap3A_280] {strides = array<i32>} : memref<32x32xf32, #tpu.memory_space<vmem>>, vector<16xf32>,
    tpu.vector_store %arg10[%swap3A_279, %swap3A_280], %broadcast_in_dim3A_197 {strides = array<i32>} : memref<32x32xf32, #tpu.memory_space<vmem>>, vector<16xf32>,
    %swap3A_282 = arith.constant 10 : i32
    %swap3A_283 = arith.index_cast %swap3A_282 : i32 to index
    %swap3A_284 = arith.constant 16 : index
    %swap3A_285 = tpu.vector_load %arg10[%swap3A_283, %swap3A_284] {strides = array<i32>} : memref<32x32xf32, #tpu.memory_space<vmem>>, vector<16xf32>,
    tpu.vector_store %arg10[%swap3A_283, %swap3A_284], %broadcast_in_dim3A_197 {strides = array<i32>} : memref<32x32xf32, #tpu.memory_space<vmem>>, vector<16xf32>,
    %swap3A_286 = arith.constant 11 : i32
    %swap3A_287 = arith.index_cast %swap3A_286 : i32 to index
    %swap3A_288 = arith.constant 0 : index
    %swap3A_289 = tpu.vector_load %arg10[%swap3A_287, %swap3A_288] {strides = array<i32>} : memref<32x32xf32, #tpu.memory_space<vmem>>, vector<16xf32>,
    tpu.vector_store %arg10[%swap3A_287, %swap3A_288], %broadcast_in_dim3A_197 {strides = array<i32>} : memref<32x32xf32, #tpu.memory_space<vmem>>, vector<16xf32>,
    %swap3A_290 = arith.constant 11 : i32
    %swap3A_291 = arith.index_cast %swap3A_290 : i32 to index
    %swap3A_292 = arith.constant 16 : index
    %swap3A_293 = tpu.vector_load %arg10[%swap3A_291, %swap3A_292] {strides = array<i32>} : memref<32x32xf32, #tpu.memory_space<vmem>>, vector<16xf32>,
    tpu.vector_store %arg10[%swap3A_291, %swap3A_292], %broadcast_in_dim3A_197 {strides = array<i32>} : memref<32x32xf32, #tpu.memory_space<vmem>>, vector<16xf32>,
    %swap3A_294 = arith.constant 12 : i32
    %swap3A_295 = arith.index_cast %swap3A_294 : i32 to index
    %swap3A_296 = arith.constant 0 : index
    %swap3A_297 = tpu.vector_load %arg10[%swap3A_295, %swap3A_296] {strides = array<i32>} : memref<32x32xf32, #tpu.memory_space<vmem>>, vector<16xf32>,
    tpu.vector_store %arg10[%swap3A_295, %swap3A_296], %broadcast_in_dim3A_197 {strides = array<i32>} : memref<32x32xf32, #tpu.memory_space<vmem>>, vector<16xf32>,
    %swap3A_298 = arith.constant 12 : i32
    %swap3A_299 = arith.index_cast %swap3A_298 : i32 to index
    %swap3A_300 = arith.constant 16 : index
    %swap3A_301 = tpu.vector_load %arg10[%swap3A_299, %swap3A_300] {strides = array<i32>} : memref<32x32xf32, #tpu.memory_space<vmem>>, vector<16xf32>,
    tpu.vector_store %arg10[%swap3A_299, %swap3A_300], %broadcast_in_dim3A_197 {strides = array<i32>} : memref<32x32xf32, #tpu.memory_space<vmem>>, vector<16xf32>,
    %swap3A_302 = arith.constant 13 : i32
    %swap3A_303 = arith.index_cast %swap3A_302 : i32 to index
    %swap3A_304 = arith.constant 0 : index
    %swap3A_305 = tpu.vector_load %arg10[%swap3A_303, %swap3A_304] {strides = array<i32>} : memref<32x32xf32, #tpu.memory_space<vmem>>, vector<16xf32>,
    tpu.vector_store %arg10[%swap3A_303, %swap3A_304], %broadcast_in_dim3A_197 {strides = array<i32>} : memref<32x32xf32, #tpu.memory_space<vmem>>, vector<16xf32>,
    %swap3A_306 = arith.constant 13 : i32
    %swap3A_307 = arith.index_cast %swap3A_306 : i32 to index
    %swap3A_308 = arith.constant 16 : index
    %swap3A_309 = tpu.vector_load %arg10[%swap3A_307, %swap3A_308] {strides = array<i32>} : memref<32x32xf32, #tpu.memory_space<vmem>>, vector<16xf32>,
    tpu.vector_store %arg10[%swap3A_307, %swap3A_308], %broadcast_in_dim3A_197 {strides = array<i32>} : memref<32x32xf32, #tpu.memory_space<vmem>>, vector<16xf32>,
    %swap3A_310 = arith.constant 14 : i32
    %swap3A_311 = arith.index_cast %swap3A_310 : i32 to index
    %swap3A_312 = arith.constant 0 : index
    %swap3A_313 = tpu.vector_load %arg10[%swap3A_311, %swap3A_312] {strides = array<i32>} : memref<32x32xf32, #tpu.memory_space<vmem>>, vector<16xf32>,
    tpu.vector_store %arg10[%swap3A_311, %swap3A_312], %broadcast_in_dim3A_197 {strides = array<i32>} : memref<32x32xf32, #tpu.memory_space<vmem>>, vector<16xf32>,
    %swap3A_314 = arith.constant 14 : i32
    %swap3A_315 = arith.index_cast %swap3A_314 : i32 to index
    %swap3A_316 = arith.constant 16 : index
    %swap3A_317 = tpu.vector_load %arg10[%swap3A_315, %swap3A_316] {strides = array<i32>} : memref<32x32xf32, #tpu.memory_space<vmem>>, vector<16xf32>,
    tpu.vector_store %arg10[%swap3A_315, %swap3A_316], %broadcast_in_dim3A_197 {strides = array<i32>} : memref<32x32xf32, #tpu.memory_space<vmem>>, vector<16xf32>,
    %swap3A_318 = arith.constant 15 : i32
    %swap3A_319 = arith.index_cast %swap3A_318 : i32 to index
    %swap3A_320 = arith.constant 0 : index
    %swap3A_321 = tpu.vector_load %arg10[%swap3A_319, %swap3A_320] {strides = array<i32>} : memref<32x32xf32, #tpu.memory_space<vmem>>, vector<16xf32>,
    tpu.vector_store %arg10[%swap3A_319, %swap3A_320], %broadcast_in_dim3A_197 {strides = array<i32>} : memref<32x32xf32, #tpu.memory_space<vmem>>, vector<16xf32>,
    %swap3A_322 = arith.constant 15 : i32
    %swap3A_323 = arith.index_cast %swap3A_322 : i32 to index
    %swap3A_324 = arith.constant 16 : index
    %swap3A_325 = tpu.vector_load %arg10[%swap3A_323, %swap3A_324] {strides = array<i32>} : memref<32x32xf32, #tpu.memory_space<vmem>>, vector<16xf32>,
    tpu.vector_store %arg10[%swap3A_323, %swap3A_324], %broadcast_in_dim3A_197 {strides = array<i32>} : memref<32x32xf32, #tpu.memory_space<vmem>>, vector<16xf32>,
    %swap3A_326 = arith.constant 16 : i32
    %swap3A_327 = arith.index_cast %swap3A_326 : i32 to index
    %swap3A_328 = arith.constant 0 : index
    %swap3A_329 = tpu.vector_load %arg10[%swap3A_327, %swap3A_328] {strides = array<i32>} : memref<32x32xf32, #tpu.memory_space<vmem>>, vector<16xf32>,
    tpu.vector_store %arg10[%swap3A_327, %swap3A_328], %broadcast_in_dim3A_197 {strides = array<i32>} : memref<32x32xf32, #tpu.memory_space<vmem>>, vector<16xf32>,
    %swap3A_330 = arith.constant 16 : i32
    %swap3A_331 = arith.index_cast %swap3A_330 : i32 to index
    %swap3A_332 = arith.constant 16 : index
    %swap3A_333 = tpu.vector_load %arg10[%swap3A_331, %swap3A_332] {strides = array<i32>} : memref<32x32xf32, #tpu.memory_space<vmem>>, vector<16xf32>,
    tpu.vector_store %arg10[%swap3A_331, %swap3A_332], %broadcast_in_dim3A_197 {strides = array<i32>} : memref<32x32xf32, #tpu.memory_space<vmem>>, vector<16xf32>,
    %swap3A_334 = arith.constant 17 : i32
    %swap3A_335 = arith.index_cast %swap3A_334 : i32 to index
    %swap3A_336 = arith.constant 0 : index
    %swap3A_337 = tpu.vector_load %arg10[%swap3A_335, %swap3A_336] {strides = array<i32>} : memref<32x32xf32, #tpu.memory_space<vmem>>, vector<16xf32>,
    tpu.vector_store %arg10[%swap3A_335, %swap3A_336], %broadcast_in_dim3A_197 {strides = array<i32>} : memref<32x32xf32, #tpu.memory_space<vmem>>, vector<16xf32>,
    %swap3A_338 = arith.constant 17 : i32
    %swap3A_339 = arith.index_cast %swap3A_338 : i32 to index
    %swap3A_340 = arith.constant 16 : index
    %swap3A_341 = tpu.vector_load %arg10[%swap3A_339, %swap3A_340] {strides = array<i32>} : memref<32x32xf32, #tpu.memory_space<vmem>>, vector<16xf32>,
    tpu.vector_store %arg10[%swap3A_339, %swap3A_340], %broadcast_in_dim3A_197 {strides = array<i32>} : memref<32x32xf32, #tpu.memory_space<vmem>>, vector<16xf32>,
    %swap3A_342 = arith.constant 18 : i32
    %swap3A_343 = arith.index_cast %swap3A_342 : i32 to index
    %swap3A_344 = arith.constant 0 : index
    %swap3A_345 = tpu.vector_load %arg10[%swap3A_343, %swap3A_344] {strides = array<i32>} : memref<32x32xf32, #tpu.memory_space<vmem>>, vector<16xf32>,
    tpu.vector_store %arg10[%swap3A_343, %swap3A_344], %broadcast_in_dim3A_197 {strides = array<i32>} : memref<32x32xf32, #tpu.memory_space<vmem>>, vector<16xf32>,
    %swap3A_346 = arith.constant 18 : i32
    %swap3A_347 = arith.index_cast %swap3A_346 : i32 to index
    %swap3A_348 = arith.constant 16 : index
    %swap3A_349 = tpu.vector_load %arg10[%swap3A_347, %swap3A_348] {strides = array<i32>} : memref<32x32xf32, #tpu.memory_space<vmem>>, vector<16xf32>,
    tpu.vector_store %arg10[%swap3A_347, %swap3A_348], %broadcast_in_dim3A_197 {strides = array<i32>} : memref<32x32xf32, #tpu.memory_space<vmem>>, vector<16xf32>,
    %swap3A_350 = arith.constant 19 : i32
    %swap3A_351 = arith.index_cast %swap3A_350 : i32 to index
    %swap3A_352 = arith.constant 0 : index
    %swap3A_353 = tpu.vector_load %arg10[%swap3A_351, %swap3A_352] {strides = array<i32>} : memref<32x32xf32, #tpu.memory_space<vmem>>, vector<16xf32>,
    tpu.vector_store %arg10[%swap3A_351, %swap3A_352], %broadcast_in_dim3A_197 {strides = array<i32>} : memref<32x32xf32, #tpu.memory_space<vmem>>, vector<16xf32>,
    %swap3A_354 = arith.constant 19 : i32
    %swap3A_355 = arith.index_cast %swap3A_354 : i32 to index
    %swap3A_356 = arith.constant 16 : index
    %swap3A_357 = tpu.vector_load %arg10[%swap3A_355, %swap3A_356] {strides = array<i32>} : memref<32x32xf32, #tpu.memory_space<vmem>>, vector<16xf32>,
    tpu.vector_store %arg10[%swap3A_355, %swap3A_356], %broadcast_in_dim3A_197 {strides = array<i32>} : memref<32x32xf32, #tpu.memory_space<vmem>>, vector<16xf32>,
    %swap3A_358 = arith.constant 20 : i32
    %swap3A_359 = arith.index_cast %swap3A_358 : i32 to index
    %swap3A_360 = arith.constant 0 : index
    %swap3A_361 = tpu.vector_load %arg10[%swap3A_359, %swap3A_360] {strides = array<i32>} : memref<32x32xf32, #tpu.memory_space<vmem>>, vector<16xf32>,
    tpu.vector_store %arg10[%swap3A_359, %swap3A_360], %broadcast_in_dim3A_197 {strides = array<i32>} : memref<32x32xf32, #tpu.memory_space<vmem>>, vector<16xf32>,
    %swap3A_362 = arith.constant 20 : i32
    %swap3A_363 = arith.index_cast %swap3A_362 : i32 to index
    %swap3A_364 = arith.constant 16 : index
    %swap3A_365 = tpu.vector_load %arg10[%swap3A_363, %swap3A_364] {strides = array<i32>} : memref<32x32xf32, #tpu.memory_space<vmem>>, vector<16xf32>,
    tpu.vector_store %arg10[%swap3A_363, %swap3A_364], %broadcast_in_dim3A_197 {strides = array<i32>} : memref<32x32xf32, #tpu.memory_space<vmem>>, vector<16xf32>,
    %swap3A_366 = arith.constant 21 : i32
    %swap3A_367 = arith.index_cast %swap3A_366 : i32 to index
    %swap3A_368 = arith.constant 0 : index
    %swap3A_369 = tpu.vector_load %arg10[%swap3A_367, %swap3A_368] {strides = array<i32>} : memref<32x32xf32, #tpu.memory_space<vmem>>, vector<16xf32>,
    tpu.vector_store %arg10[%swap3A_367, %swap3A_368], %broadcast_in_dim3A_197 {strides = array<i32>} : memref<32x32xf32, #tpu.memory_space<vmem>>, vector<16xf32>,
    %swap3A_370 = arith.constant 21 : i32
    %swap3A_371 = arith.index_cast %swap3A_370 : i32 to index
    %swap3A_372 = arith.constant 16 : index
    %swap3A_373 = tpu.vector_load %arg10[%swap3A_371, %swap3A_372] {strides = array<i32>} : memref<32x32xf32, #tpu.memory_space<vmem>>, vector<16xf32>,
    tpu.vector_store %arg10[%swap3A_371, %swap3A_372], %broadcast_in_dim3A_197 {strides = array<i32>} : memref<32x32xf32, #tpu.memory_space<vmem>>, vector<16xf32>,
    %swap3A_374 = arith.constant 22 : i32
    %swap3A_375 = arith.index_cast %swap3A_374 : i32 to index
    %swap3A_376 = arith.constant 0 : index
    %swap3A_377 = tpu.vector_load %arg10[%swap3A_375, %swap3A_376] {strides = array<i32>} : memref<32x32xf32, #tpu.memory_space<vmem>>, vector<16xf32>,
    tpu.vector_store %arg10[%swap3A_375, %swap3A_376], %broadcast_in_dim3A_197 {strides = array<i32>} : memref<32x32xf32, #tpu.memory_space<vmem>>, vector<16xf32>,
    %swap3A_378 = arith.constant 22 : i32
    %swap3A_379 = arith.index_cast %swap3A_378 : i32 to index
    %swap3A_380 = arith.constant 16 : index
    %swap3A_381 = tpu.vector_load %arg10[%swap3A_379, %swap3A_380] {strides = array<i32>} : memref<32x32xf32, #tpu.memory_space<vmem>>, vector<16xf32>,
    tpu.vector_store %arg10[%swap3A_379, %swap3A_380], %broadcast_in_dim3A_197 {strides = array<i32>} : memref<32x32xf32, #tpu.memory_space<vmem>>, vector<16xf32>,
    %swap3A_382 = arith.constant 23 : i32
    %swap3A_383 = arith.index_cast %swap3A_382 : i32 to index
    %swap3A_384 = arith.constant 0 : index
    %swap3A_385 = tpu.vector_load %arg10[%swap3A_383, %swap3A_384] {strides = array<i32>} : memref<32x32xf32, #tpu.memory_space<vmem>>, vector<16xf32>,
    tpu.vector_store %arg10[%swap3A_383, %swap3A_384], %broadcast_in_dim3A_197 {strides = array<i32>} : memref<32x32xf32, #tpu.memory_space<vmem>>, vector<16xf32>,
    %swap3A_386 = arith.constant 23 : i32
    %swap3A_387 = arith.index_cast %swap3A_386 : i32 to index
    %swap3A_388 = arith.constant 16 : index
    %swap3A_389 = tpu.vector_load %arg10[%swap3A_387, %swap3A_388] {strides = array<i32>} : memref<32x32xf32, #tpu.memory_space<vmem>>, vector<16xf32>,
    tpu.vector_store %arg10[%swap3A_387, %swap3A_388], %broadcast_in_dim3A_197 {strides = array<i32>} : memref<32x32xf32, #tpu.memory_space<vmem>>, vector<16xf32>,
    %swap3A_390 = arith.constant 24 : i32
    %swap3A_391 = arith.index_cast %swap3A_390 : i32 to index
    %swap3A_392 = arith.constant 0 : index
    %swap3A_393 = tpu.vector_load %arg10[%swap3A_391, %swap3A_392] {strides = array<i32>} : memref<32x32xf32, #tpu.memory_space<vmem>>, vector<16xf32>,
    tpu.vector_store %arg10[%swap3A_391, %swap3A_392], %broadcast_in_dim3A_197 {strides = array<i32>} : memref<32x32xf32, #tpu.memory_space<vmem>>, vector<16xf32>,
    %swap3A_394 = arith.constant 24 : i32
    %swap3A_395 = arith.index_cast %swap3A_394 : i32 to index
    %swap3A_396 = arith.constant 16 : index
    %swap3A_397 = tpu.vector_load %arg10[%swap3A_395, %swap3A_396] {strides = array<i32>} : memref<32x32xf32, #tpu.memory_space<vmem>>, vector<16xf32>,
    tpu.vector_store %arg10[%swap3A_395, %swap3A_396], %broadcast_in_dim3A_197 {strides = array<i32>} : memref<32x32xf32, #tpu.memory_space<vmem>>, vector<16xf32>,
    %swap3A_398 = arith.constant 25 : i32
    %swap3A_399 = arith.index_cast %swap3A_398 : i32 to index
    %swap3A_400 = arith.constant 0 : index
    %swap3A_401 = tpu.vector_load %arg10[%swap3A_399, %swap3A_400] {strides = array<i32>} : memref<32x32xf32, #tpu.memory_space<vmem>>, vector<16xf32>,
    tpu.vector_store %arg10[%swap3A_399, %swap3A_400], %broadcast_in_dim3A_197 {strides = array<i32>} : memref<32x32xf32, #tpu.memory_space<vmem>>, vector<16xf32>,
    %swap3A_402 = arith.constant 25 : i32
    %swap3A_403 = arith.index_cast %swap3A_402 : i32 to index
    %swap3A_404 = arith.constant 16 : index
    %swap3A_405 = tpu.vector_load %arg10[%swap3A_403, %swap3A_404] {strides = array<i32>} : memref<32x32xf32, #tpu.memory_space<vmem>>, vector<16xf32>,
    tpu.vector_store %arg10[%swap3A_403, %swap3A_404], %broadcast_in_dim3A_197 {strides = array<i32>} : memref<32x32xf32, #tpu.memory_space<vmem>>, vector<16xf32>,
    %swap3A_406 = arith.constant 26 : i32
    %swap3A_407 = arith.index_cast %swap3A_406 : i32 to index
    %swap3A_408 = arith.constant 0 : index
    %swap3A_409 = tpu.vector_load %arg10[%swap3A_407, %swap3A_408] {strides = array<i32>} : memref<32x32xf32, #tpu.memory_space<vmem>>, vector<16xf32>,
    tpu.vector_store %arg10[%swap3A_407, %swap3A_408], %broadcast_in_dim3A_197 {strides = array<i32>} : memref<32x32xf32, #tpu.memory_space<vmem>>, vector<16xf32>,
    %swap3A_410 = arith.constant 26 : i32
    %swap3A_411 = arith.index_cast %swap3A_410 : i32 to index
    %swap3A_412 = arith.constant 16 : index
    %swap3A_413 = tpu.vector_load %arg10[%swap3A_411, %swap3A_412] {strides = array<i32>} : memref<32x32xf32, #tpu.memory_space<vmem>>, vector<16xf32>,
    tpu.vector_store %arg10[%swap3A_411, %swap3A_412], %broadcast_in_dim3A_197 {strides = array<i32>} : memref<32x32xf32, #tpu.memory_space<vmem>>, vector<16xf32>,
    %swap3A_414 = arith.constant 27 : i32
    %swap3A_415 = arith.index_cast %swap3A_414 : i32 to index
    %swap3A_416 = arith.constant 0 : index
    %swap3A_417 = tpu.vector_load %arg10[%swap3A_415, %swap3A_416] {strides = array<i32>} : memref<32x32xf32, #tpu.memory_space<vmem>>, vector<16xf32>,
    tpu.vector_store %arg10[%swap3A_415, %swap3A_416], %broadcast_in_dim3A_197 {strides = array<i32>} : memref<32x32xf32, #tpu.memory_space<vmem>>, vector<16xf32>,
    %swap3A_418 = arith.constant 27 : i32
    %swap3A_419 = arith.index_cast %swap3A_418 : i32 to index
    %swap3A_420 = arith.constant 16 : index
    %swap3A_421 = tpu.vector_load %arg10[%swap3A_419, %swap3A_420] {strides = array<i32>} : memref<32x32xf32, #tpu.memory_space<vmem>>, vector<16xf32>,
    tpu.vector_store %arg10[%swap3A_419, %swap3A_420], %broadcast_in_dim3A_197 {strides = array<i32>} : memref<32x32xf32, #tpu.memory_space<vmem>>, vector<16xf32>,
    %swap3A_422 = arith.constant 28 : i32
    %swap3A_423 = arith.index_cast %swap3A_422 : i32 to index
    %swap3A_424 = arith.constant 0 : index
    %swap3A_425 = tpu.vector_load %arg10[%swap3A_423, %swap3A_424] {strides = array<i32>} : memref<32x32xf32, #tpu.memory_space<vmem>>, vector<16xf32>,
    tpu.vector_store %arg10[%swap3A_423, %swap3A_424], %broadcast_in_dim3A_197 {strides = array<i32>} : memref<32x32xf32, #tpu.memory_space<vmem>>, vector<16xf32>,
    %swap3A_426 = arith.constant 28 : i32
    %swap3A_427 = arith.index_cast %swap3A_426 : i32 to index
    %swap3A_428 = arith.constant 16 : index
    %swap3A_429 = tpu.vector_load %arg10[%swap3A_427, %swap3A_428] {strides = array<i32>} : memref<32x32xf32, #tpu.memory_space<vmem>>, vector<16xf32>,
    tpu.vector_store %arg10[%swap3A_427, %swap3A_428], %broadcast_in_dim3A_197 {strides = array<i32>} : memref<32x32xf32, #tpu.memory_space<vmem>>, vector<16xf32>,
    %swap3A_430 = arith.constant 29 : i32
    %swap3A_431 = arith.index_cast %swap3A_430 : i32 to index
    %swap3A_432 = arith.constant 0 : index
    %swap3A_433 = tpu.vector_load %arg10[%swap3A_431, %swap3A_432] {strides = array<i32>} : memref<32x32xf32, #tpu.memory_space<vmem>>, vector<16xf32>,
    tpu.vector_store %arg10[%swap3A_431, %swap3A_432], %broadcast_in_dim3A_197 {strides = array<i32>} : memref<32x32xf32, #tpu.memory_space<vmem>>, vector<16xf32>,
    %swap3A_434 = arith.constant 29 : i32
    %swap3A_435 = arith.index_cast %swap3A_434 : i32 to index
    %swap3A_436 = arith.constant 16 : index
    %swap3A_437 = tpu.vector_load %arg10[%swap3A_435, %swap3A_436] {strides = array<i32>} : memref<32x32xf32, #tpu.memory_space<vmem>>, vector<16xf32>,
    tpu.vector_store %arg10[%swap3A_435, %swap3A_436], %broadcast_in_dim3A_197 {strides = array<i32>} : memref<32x32xf32, #tpu.memory_space<vmem>>, vector<16xf32>,
    %swap3A_438 = arith.constant 30 : i32
    %swap3A_439 = arith.index_cast %swap3A_438 : i32 to index
    %swap3A_440 = arith.constant 0 : index
    %swap3A_441 = tpu.vector_load %arg10[%swap3A_439, %swap3A_440] {strides = array<i32>} : memref<32x32xf32, #tpu.memory_space<vmem>>, vector<16xf32>,
    tpu.vector_store %arg10[%swap3A_439, %swap3A_440], %broadcast_in_dim3A_197 {strides = array<i32>} : memref<32x32xf32, #tpu.memory_space<vmem>>, vector<16xf32>,
    %swap3A_442 = arith.constant 30 : i32
    %swap3A_443 = arith.index_cast %swap3A_442 : i32 to index
    %swap3A_444 = arith.constant 16 : index
    %swap3A_445 = tpu.vector_load %arg10[%swap3A_443, %swap3A_444] {strides = array<i32>} : memref<32x32xf32, #tpu.memory_space<vmem>>, vector<16xf32>,
    tpu.vector_store %arg10[%swap3A_443, %swap3A_444], %broadcast_in_dim3A_197 {strides = array<i32>} : memref<32x32xf32, #tpu.memory_space<vmem>>, vector<16xf32>,
    %swap3A_446 = arith.constant 31 : i32
    %swap3A_447 = arith.index_cast %swap3A_446 : i32 to index
    %swap3A_448 = arith.constant 0 : index
    %swap3A_449 = tpu.vector_load %arg10[%swap3A_447, %swap3A_448] {strides = array<i32>} : memref<32x32xf32, #tpu.memory_space<vmem>>, vector<16xf32>,
    tpu.vector_store %arg10[%swap3A_447, %swap3A_448], %broadcast_in_dim3A_197 {strides = array<i32>} : memref<32x32xf32, #tpu.memory_space<vmem>>, vector<16xf32>,
    %swap3A_450 = arith.constant 31 : i32
    %swap3A_451 = arith.index_cast %swap3A_450 : i32 to index
    %swap3A_452 = arith.constant 16 : index
    %swap3A_453 = tpu.vector_load %arg10[%swap3A_451, %swap3A_452] {strides = array<i32>} : memref<32x32xf32, #tpu.memory_space<vmem>>, vector<16xf32>,
    tpu.vector_store %arg10[%swap3A_451, %swap3A_452], %broadcast_in_dim3A_197 {strides = array<i32>} : memref<32x32xf32, #tpu.memory_space<vmem>>, vector<16xf32>,
    "tpu.region"() ({
      %run_scoped3A = tpu.sem_alloc : memref<!tpu.dma_semaphore, #tpu.memory_space<semaphore_mem>>
      %dma_start3A_1790 = arith.constant 0 : i32
      %dma_start3A_1791 = tpu.memref_slice %arg9[%mul3A_2, %dma_start3A_1790] : memref<512x32xf32, #tpu.memory_space<vmem_shared>> -> memref<32x32xf32, #tpu.memory_space<vmem_shared>>
      %dma_start3A_1792 = arith.constant 0 : i32
      %dma_start3A_1793 = tpu.memref_slice %arg9[%mul3A_2, %dma_start3A_1792] : memref<512x32xf32, #tpu.memory_space<vmem_shared>> -> memref<32x32xf32, #tpu.memory_space<vmem_shared>>
      tpu.enqueue_dma source(%arg10 : memref<32x32xf32, #tpu.memory_space<vmem>>) target(%dma_start3A_1793 : memref<32x32xf32, #tpu.memory_space<vmem_shared>>) target_semaphore(%run_scoped3A : memref<!tpu.dma_semaphore, #tpu.memory_space<semaphore_mem>>)
      %dma_wait3A_1794 = arith.constant 0 : i32
      %dma_wait3A_1795 = tpu.memref_slice %arg9[%mul3A_2, %dma_wait3A_1794] : memref<512x32xf32, #tpu.memory_space<vmem_shared>> -> memref<32x32xf32, #tpu.memory_space<vmem_shared>>
      %dma_wait3A_1796 = arith.constant 0 : i32
      %dma_wait3A_1797 = tpu.memref_slice %arg9[%mul3A_2, %dma_wait3A_1796] : memref<512x32xf32, #tpu.memory_space<vmem_shared>> -> memref<32x32xf32, #tpu.memory_space<vmem_shared>>
      tpu.wait_dma2 semaphore(%run_scoped3A : memref<!tpu.dma_semaphore, #tpu.memory_space<semaphore_mem>>) src(%arg10 : memref<32x32xf32, #tpu.memory_space<vmem>>) dst(%dma_wait3A_1797 : memref<32x32xf32, #tpu.memory_space<vmem_shared>>)
      tpu.yield
    }) : () -> ()
    %broadcast_in_dim3A_454 = arith.constant 0.000000e+00 : f32
    %broadcast_in_dim3A_455 = vector.broadcast %broadcast_in_dim3A_454 : f32 to vector<16xf32>
    %broadcast_in_dim3A_456 = arith.constant 0.000000e+00 : f32
    %broadcast_in_dim3A_457 = vector.broadcast %broadcast_in_dim3A_456 : f32 to vector<16xf32>
    %broadcast_in_dim3A_458 = arith.constant 1.000000e+00 : f32
    %broadcast_in_dim3A_459 = vector.broadcast %broadcast_in_dim3A_458 : f32 to vector<16xf32>
    %get3A = arith.constant 0 : i32
    %get3A_460 = arith.index_cast %get3A : i32 to index
    %get3A_461 = arith.constant 0 : index
    %get3A_462 = tpu.vector_load %arg6[%get3A_460, %get3A_461] {strides = array<i32>} : memref<13x128xi32, #tpu.memory_space<vmem>>, vector<16xi32>,
    %ne3A = arith.constant 0 : i32
    %ne3A_463 = vector.broadcast %ne3A : i32 to vector<16xi32>
    %ne3A_464 = arith.cmpi ne, %get3A_462, %ne3A_463 : vector<16xi32>
    %select_n3A = arith.select %ne3A_464, %broadcast_in_dim3A_459, %broadcast_in_dim3A_197 : vector<16xi1>, vector<16xf32>
    %add3A_465 = arith.addf %broadcast_in_dim3A_455, %select_n3A : vector<16xf32>
    %get3A_466 = arith.constant 0 : i32
    %get3A_467 = arith.index_cast %get3A_466 : i32 to index
    %get3A_468 = arith.constant 16 : index
    %get3A_469 = tpu.vector_load %arg6[%get3A_467, %get3A_468] {strides = array<i32>} : memref<13x128xi32, #tpu.memory_space<vmem>>, vector<16xi32>,
    %ne3A_470 = arith.constant 0 : i32
    %ne3A_471 = vector.broadcast %ne3A_470 : i32 to vector<16xi32>
    %ne3A_472 = arith.cmpi ne, %get3A_469, %ne3A_471 : vector<16xi32>
    %select_n3A_473 = arith.select %ne3A_472, %broadcast_in_dim3A_459, %broadcast_in_dim3A_197 : vector<16xi1>, vector<16xf32>
    %add3A_474 = arith.addf %broadcast_in_dim3A_457, %select_n3A_473 : vector<16xf32>
    %get3A_475 = arith.constant 0 : i32
    %get3A_476 = arith.index_cast %get3A_475 : i32 to index
    %get3A_477 = arith.constant 32 : index
    %get3A_478 = tpu.vector_load %arg6[%get3A_476, %get3A_477] {strides = array<i32>} : memref<13x128xi32, #tpu.memory_space<vmem>>, vector<16xi32>,
    %ne3A_479 = arith.constant 0 : i32
    %ne3A_480 = vector.broadcast %ne3A_479 : i32 to vector<16xi32>
    %ne3A_481 = arith.cmpi ne, %get3A_478, %ne3A_480 : vector<16xi32>
    %select_n3A_482 = arith.select %ne3A_481, %broadcast_in_dim3A_459, %broadcast_in_dim3A_197 : vector<16xi1>, vector<16xf32>
    %add3A_483 = arith.addf %add3A_465, %select_n3A_482 : vector<16xf32>
    %get3A_484 = arith.constant 0 : i32
    %get3A_485 = arith.index_cast %get3A_484 : i32 to index
    %get3A_486 = arith.constant 48 : index
    %get3A_487 = tpu.vector_load %arg6[%get3A_485, %get3A_486] {strides = array<i32>} : memref<13x128xi32, #tpu.memory_space<vmem>>, vector<16xi32>,
    %ne3A_488 = arith.constant 0 : i32
    %ne3A_489 = vector.broadcast %ne3A_488 : i32 to vector<16xi32>
    %ne3A_490 = arith.cmpi ne, %get3A_487, %ne3A_489 : vector<16xi32>
    %select_n3A_491 = arith.select %ne3A_490, %broadcast_in_dim3A_459, %broadcast_in_dim3A_197 : vector<16xi1>, vector<16xf32>
    %add3A_492 = arith.addf %add3A_474, %select_n3A_491 : vector<16xf32>
    %get3A_493 = arith.constant 0 : i32
    %get3A_494 = arith.index_cast %get3A_493 : i32 to index
    %get3A_495 = arith.constant 64 : index
    %get3A_496 = tpu.vector_load %arg6[%get3A_494, %get3A_495] {strides = array<i32>} : memref<13x128xi32, #tpu.memory_space<vmem>>, vector<16xi32>,
    %ne3A_497 = arith.constant 0 : i32
    %ne3A_498 = vector.broadcast %ne3A_497 : i32 to vector<16xi32>
    %ne3A_499 = arith.cmpi ne, %get3A_496, %ne3A_498 : vector<16xi32>
    %select_n3A_500 = arith.select %ne3A_499, %broadcast_in_dim3A_459, %broadcast_in_dim3A_197 : vector<16xi1>, vector<16xf32>
    %add3A_501 = arith.addf %add3A_483, %select_n3A_500 : vector<16xf32>
    %get3A_502 = arith.constant 0 : i32
    %get3A_503 = arith.index_cast %get3A_502 : i32 to index
    %get3A_504 = arith.constant 80 : index
    %get3A_505 = tpu.vector_load %arg6[%get3A_503, %get3A_504] {strides = array<i32>} : memref<13x128xi32, #tpu.memory_space<vmem>>, vector<16xi32>,
    %ne3A_506 = arith.constant 0 : i32
    %ne3A_507 = vector.broadcast %ne3A_506 : i32 to vector<16xi32>
    %ne3A_508 = arith.cmpi ne, %get3A_505, %ne3A_507 : vector<16xi32>
    %select_n3A_509 = arith.select %ne3A_508, %broadcast_in_dim3A_459, %broadcast_in_dim3A_197 : vector<16xi1>, vector<16xf32>
    %add3A_510 = arith.addf %add3A_492, %select_n3A_509 : vector<16xf32>
    %get3A_511 = arith.constant 0 : i32
    %get3A_512 = arith.index_cast %get3A_511 : i32 to index
    %get3A_513 = arith.constant 96 : index
    %get3A_514 = tpu.vector_load %arg6[%get3A_512, %get3A_513] {strides = array<i32>} : memref<13x128xi32, #tpu.memory_space<vmem>>, vector<16xi32>,
    %ne3A_515 = arith.constant 0 : i32
    %ne3A_516 = vector.broadcast %ne3A_515 : i32 to vector<16xi32>
    %ne3A_517 = arith.cmpi ne, %get3A_514, %ne3A_516 : vector<16xi32>
    %select_n3A_518 = arith.select %ne3A_517, %broadcast_in_dim3A_459, %broadcast_in_dim3A_197 : vector<16xi1>, vector<16xf32>
    %add3A_519 = arith.addf %add3A_501, %select_n3A_518 : vector<16xf32>
    %get3A_520 = arith.constant 0 : i32
    %get3A_521 = arith.index_cast %get3A_520 : i32 to index
    %get3A_522 = arith.constant 112 : index
    %get3A_523 = tpu.vector_load %arg6[%get3A_521, %get3A_522] {strides = array<i32>} : memref<13x128xi32, #tpu.memory_space<vmem>>, vector<16xi32>,
    %ne3A_524 = arith.constant 0 : i32
    %ne3A_525 = vector.broadcast %ne3A_524 : i32 to vector<16xi32>
    %ne3A_526 = arith.cmpi ne, %get3A_523, %ne3A_525 : vector<16xi32>
    %select_n3A_527 = arith.select %ne3A_526, %broadcast_in_dim3A_459, %broadcast_in_dim3A_197 : vector<16xi1>, vector<16xf32>
    %add3A_528 = arith.addf %add3A_510, %select_n3A_527 : vector<16xf32>
    %get3A_529 = arith.constant 1 : i32
    %get3A_530 = arith.index_cast %get3A_529 : i32 to index
    %get3A_531 = arith.constant 0 : index
    %get3A_532 = tpu.vector_load %arg6[%get3A_530, %get3A_531] {strides = array<i32>} : memref<13x128xi32, #tpu.memory_space<vmem>>, vector<16xi32>,
    %ne3A_533 = arith.constant 0 : i32
    %ne3A_534 = vector.broadcast %ne3A_533 : i32 to vector<16xi32>
    %ne3A_535 = arith.cmpi ne, %get3A_532, %ne3A_534 : vector<16xi32>
    %select_n3A_536 = arith.select %ne3A_535, %broadcast_in_dim3A_459, %broadcast_in_dim3A_197 : vector<16xi1>, vector<16xf32>
    %add3A_537 = arith.addf %add3A_519, %select_n3A_536 : vector<16xf32>
    %get3A_538 = arith.constant 1 : i32
    %get3A_539 = arith.index_cast %get3A_538 : i32 to index
    %get3A_540 = arith.constant 16 : index
    %get3A_541 = tpu.vector_load %arg6[%get3A_539, %get3A_540] {strides = array<i32>} : memref<13x128xi32, #tpu.memory_space<vmem>>, vector<16xi32>,
    %ne3A_542 = arith.constant 0 : i32
    %ne3A_543 = vector.broadcast %ne3A_542 : i32 to vector<16xi32>
    %ne3A_544 = arith.cmpi ne, %get3A_541, %ne3A_543 : vector<16xi32>
    %select_n3A_545 = arith.select %ne3A_544, %broadcast_in_dim3A_459, %broadcast_in_dim3A_197 : vector<16xi1>, vector<16xf32>
    %add3A_546 = arith.addf %add3A_528, %select_n3A_545 : vector<16xf32>
    %get3A_547 = arith.constant 1 : i32
    %get3A_548 = arith.index_cast %get3A_547 : i32 to index
    %get3A_549 = arith.constant 32 : index
    %get3A_550 = tpu.vector_load %arg6[%get3A_548, %get3A_549] {strides = array<i32>} : memref<13x128xi32, #tpu.memory_space<vmem>>, vector<16xi32>,
    %ne3A_551 = arith.constant 0 : i32
    %ne3A_552 = vector.broadcast %ne3A_551 : i32 to vector<16xi32>
    %ne3A_553 = arith.cmpi ne, %get3A_550, %ne3A_552 : vector<16xi32>
    %select_n3A_554 = arith.select %ne3A_553, %broadcast_in_dim3A_459, %broadcast_in_dim3A_197 : vector<16xi1>, vector<16xf32>
    %add3A_555 = arith.addf %add3A_537, %select_n3A_554 : vector<16xf32>
    %get3A_556 = arith.constant 1 : i32
    %get3A_557 = arith.index_cast %get3A_556 : i32 to index
    %get3A_558 = arith.constant 48 : index
    %get3A_559 = tpu.vector_load %arg6[%get3A_557, %get3A_558] {strides = array<i32>} : memref<13x128xi32, #tpu.memory_space<vmem>>, vector<16xi32>,
    %ne3A_560 = arith.constant 0 : i32
    %ne3A_561 = vector.broadcast %ne3A_560 : i32 to vector<16xi32>
    %ne3A_562 = arith.cmpi ne, %get3A_559, %ne3A_561 : vector<16xi32>
    %select_n3A_563 = arith.select %ne3A_562, %broadcast_in_dim3A_459, %broadcast_in_dim3A_197 : vector<16xi1>, vector<16xf32>
    %add3A_564 = arith.addf %add3A_546, %select_n3A_563 : vector<16xf32>
    %get3A_565 = arith.constant 1 : i32
    %get3A_566 = arith.index_cast %get3A_565 : i32 to index
    %get3A_567 = arith.constant 64 : index
    %get3A_568 = tpu.vector_load %arg6[%get3A_566, %get3A_567] {strides = array<i32>} : memref<13x128xi32, #tpu.memory_space<vmem>>, vector<16xi32>,
    %ne3A_569 = arith.constant 0 : i32
    %ne3A_570 = vector.broadcast %ne3A_569 : i32 to vector<16xi32>
    %ne3A_571 = arith.cmpi ne, %get3A_568, %ne3A_570 : vector<16xi32>
    %select_n3A_572 = arith.select %ne3A_571, %broadcast_in_dim3A_459, %broadcast_in_dim3A_197 : vector<16xi1>, vector<16xf32>
    %add3A_573 = arith.addf %add3A_555, %select_n3A_572 : vector<16xf32>
    %get3A_574 = arith.constant 1 : i32
    %get3A_575 = arith.index_cast %get3A_574 : i32 to index
    %get3A_576 = arith.constant 80 : index
    %get3A_577 = tpu.vector_load %arg6[%get3A_575, %get3A_576] {strides = array<i32>} : memref<13x128xi32, #tpu.memory_space<vmem>>, vector<16xi32>,
    %ne3A_578 = arith.constant 0 : i32
    %ne3A_579 = vector.broadcast %ne3A_578 : i32 to vector<16xi32>
    %ne3A_580 = arith.cmpi ne, %get3A_577, %ne3A_579 : vector<16xi32>
    %select_n3A_581 = arith.select %ne3A_580, %broadcast_in_dim3A_459, %broadcast_in_dim3A_197 : vector<16xi1>, vector<16xf32>
    %add3A_582 = arith.addf %add3A_564, %select_n3A_581 : vector<16xf32>
    %get3A_583 = arith.constant 1 : i32
    %get3A_584 = arith.index_cast %get3A_583 : i32 to index
    %get3A_585 = arith.constant 96 : index
    %get3A_586 = tpu.vector_load %arg6[%get3A_584, %get3A_585] {strides = array<i32>} : memref<13x128xi32, #tpu.memory_space<vmem>>, vector<16xi32>,
    %ne3A_587 = arith.constant 0 : i32
    %ne3A_588 = vector.broadcast %ne3A_587 : i32 to vector<16xi32>
    %ne3A_589 = arith.cmpi ne, %get3A_586, %ne3A_588 : vector<16xi32>
    %select_n3A_590 = arith.select %ne3A_589, %broadcast_in_dim3A_459, %broadcast_in_dim3A_197 : vector<16xi1>, vector<16xf32>
    %add3A_591 = arith.addf %add3A_573, %select_n3A_590 : vector<16xf32>
    %get3A_592 = arith.constant 1 : i32
    %get3A_593 = arith.index_cast %get3A_592 : i32 to index
    %get3A_594 = arith.constant 112 : index
    %get3A_595 = tpu.vector_load %arg6[%get3A_593, %get3A_594] {strides = array<i32>} : memref<13x128xi32, #tpu.memory_space<vmem>>, vector<16xi32>,
    %ne3A_596 = arith.constant 0 : i32
    %ne3A_597 = vector.broadcast %ne3A_596 : i32 to vector<16xi32>
    %ne3A_598 = arith.cmpi ne, %get3A_595, %ne3A_597 : vector<16xi32>
    %select_n3A_599 = arith.select %ne3A_598, %broadcast_in_dim3A_459, %broadcast_in_dim3A_197 : vector<16xi1>, vector<16xf32>
    %add3A_600 = arith.addf %add3A_582, %select_n3A_599 : vector<16xf32>
    %get3A_601 = arith.constant 2 : i32
    %get3A_602 = arith.index_cast %get3A_601 : i32 to index
    %get3A_603 = arith.constant 0 : index
    %get3A_604 = tpu.vector_load %arg6[%get3A_602, %get3A_603] {strides = array<i32>} : memref<13x128xi32, #tpu.memory_space<vmem>>, vector<16xi32>,
    %ne3A_605 = arith.constant 0 : i32
    %ne3A_606 = vector.broadcast %ne3A_605 : i32 to vector<16xi32>
    %ne3A_607 = arith.cmpi ne, %get3A_604, %ne3A_606 : vector<16xi32>
    %select_n3A_608 = arith.select %ne3A_607, %broadcast_in_dim3A_459, %broadcast_in_dim3A_197 : vector<16xi1>, vector<16xf32>
    %add3A_609 = arith.addf %add3A_591, %select_n3A_608 : vector<16xf32>
    %get3A_610 = arith.constant 2 : i32
    %get3A_611 = arith.index_cast %get3A_610 : i32 to index
    %get3A_612 = arith.constant 16 : index
    %get3A_613 = tpu.vector_load %arg6[%get3A_611, %get3A_612] {strides = array<i32>} : memref<13x128xi32, #tpu.memory_space<vmem>>, vector<16xi32>,
    %ne3A_614 = arith.constant 0 : i32
    %ne3A_615 = vector.broadcast %ne3A_614 : i32 to vector<16xi32>
    %ne3A_616 = arith.cmpi ne, %get3A_613, %ne3A_615 : vector<16xi32>
    %select_n3A_617 = arith.select %ne3A_616, %broadcast_in_dim3A_459, %broadcast_in_dim3A_197 : vector<16xi1>, vector<16xf32>
    %add3A_618 = arith.addf %add3A_600, %select_n3A_617 : vector<16xf32>
    %get3A_619 = arith.constant 2 : i32
    %get3A_620 = arith.index_cast %get3A_619 : i32 to index
    %get3A_621 = arith.constant 32 : index
    %get3A_622 = tpu.vector_load %arg6[%get3A_620, %get3A_621] {strides = array<i32>} : memref<13x128xi32, #tpu.memory_space<vmem>>, vector<16xi32>,
    %ne3A_623 = arith.constant 0 : i32
    %ne3A_624 = vector.broadcast %ne3A_623 : i32 to vector<16xi32>
    %ne3A_625 = arith.cmpi ne, %get3A_622, %ne3A_624 : vector<16xi32>
    %select_n3A_626 = arith.select %ne3A_625, %broadcast_in_dim3A_459, %broadcast_in_dim3A_197 : vector<16xi1>, vector<16xf32>
    %add3A_627 = arith.addf %add3A_609, %select_n3A_626 : vector<16xf32>
    %get3A_628 = arith.constant 2 : i32
    %get3A_629 = arith.index_cast %get3A_628 : i32 to index
    %get3A_630 = arith.constant 48 : index
    %get3A_631 = tpu.vector_load %arg6[%get3A_629, %get3A_630] {strides = array<i32>} : memref<13x128xi32, #tpu.memory_space<vmem>>, vector<16xi32>,
    %ne3A_632 = arith.constant 0 : i32
    %ne3A_633 = vector.broadcast %ne3A_632 : i32 to vector<16xi32>
    %ne3A_634 = arith.cmpi ne, %get3A_631, %ne3A_633 : vector<16xi32>
    %select_n3A_635 = arith.select %ne3A_634, %broadcast_in_dim3A_459, %broadcast_in_dim3A_197 : vector<16xi1>, vector<16xf32>
    %add3A_636 = arith.addf %add3A_618, %select_n3A_635 : vector<16xf32>
    %get3A_637 = arith.constant 2 : i32
    %get3A_638 = arith.index_cast %get3A_637 : i32 to index
    %get3A_639 = arith.constant 64 : index
    %get3A_640 = tpu.vector_load %arg6[%get3A_638, %get3A_639] {strides = array<i32>} : memref<13x128xi32, #tpu.memory_space<vmem>>, vector<16xi32>,
    %ne3A_641 = arith.constant 0 : i32
    %ne3A_642 = vector.broadcast %ne3A_641 : i32 to vector<16xi32>
    %ne3A_643 = arith.cmpi ne, %get3A_640, %ne3A_642 : vector<16xi32>
    %select_n3A_644 = arith.select %ne3A_643, %broadcast_in_dim3A_459, %broadcast_in_dim3A_197 : vector<16xi1>, vector<16xf32>
    %add3A_645 = arith.addf %add3A_627, %select_n3A_644 : vector<16xf32>
    %get3A_646 = arith.constant 2 : i32
    %get3A_647 = arith.index_cast %get3A_646 : i32 to index
    %get3A_648 = arith.constant 80 : index
    %get3A_649 = tpu.vector_load %arg6[%get3A_647, %get3A_648] {strides = array<i32>} : memref<13x128xi32, #tpu.memory_space<vmem>>, vector<16xi32>,
    %ne3A_650 = arith.constant 0 : i32
    %ne3A_651 = vector.broadcast %ne3A_650 : i32 to vector<16xi32>
    %ne3A_652 = arith.cmpi ne, %get3A_649, %ne3A_651 : vector<16xi32>
    %select_n3A_653 = arith.select %ne3A_652, %broadcast_in_dim3A_459, %broadcast_in_dim3A_197 : vector<16xi1>, vector<16xf32>
    %add3A_654 = arith.addf %add3A_636, %select_n3A_653 : vector<16xf32>
    %get3A_655 = arith.constant 2 : i32
    %get3A_656 = arith.index_cast %get3A_655 : i32 to index
    %get3A_657 = arith.constant 96 : index
    %get3A_658 = tpu.vector_load %arg6[%get3A_656, %get3A_657] {strides = array<i32>} : memref<13x128xi32, #tpu.memory_space<vmem>>, vector<16xi32>,
    %ne3A_659 = arith.constant 0 : i32
    %ne3A_660 = vector.broadcast %ne3A_659 : i32 to vector<16xi32>
    %ne3A_661 = arith.cmpi ne, %get3A_658, %ne3A_660 : vector<16xi32>
    %select_n3A_662 = arith.select %ne3A_661, %broadcast_in_dim3A_459, %broadcast_in_dim3A_197 : vector<16xi1>, vector<16xf32>
    %add3A_663 = arith.addf %add3A_645, %select_n3A_662 : vector<16xf32>
    %get3A_664 = arith.constant 2 : i32
    %get3A_665 = arith.index_cast %get3A_664 : i32 to index
    %get3A_666 = arith.constant 112 : index
    %get3A_667 = tpu.vector_load %arg6[%get3A_665, %get3A_666] {strides = array<i32>} : memref<13x128xi32, #tpu.memory_space<vmem>>, vector<16xi32>,
    %ne3A_668 = arith.constant 0 : i32
    %ne3A_669 = vector.broadcast %ne3A_668 : i32 to vector<16xi32>
    %ne3A_670 = arith.cmpi ne, %get3A_667, %ne3A_669 : vector<16xi32>
    %select_n3A_671 = arith.select %ne3A_670, %broadcast_in_dim3A_459, %broadcast_in_dim3A_197 : vector<16xi1>, vector<16xf32>
    %add3A_672 = arith.addf %add3A_654, %select_n3A_671 : vector<16xf32>
    %get3A_673 = arith.constant 3 : i32
    %get3A_674 = arith.index_cast %get3A_673 : i32 to index
    %get3A_675 = arith.constant 0 : index
    %get3A_676 = tpu.vector_load %arg6[%get3A_674, %get3A_675] {strides = array<i32>} : memref<13x128xi32, #tpu.memory_space<vmem>>, vector<16xi32>,
    %ne3A_677 = arith.constant 0 : i32
    %ne3A_678 = vector.broadcast %ne3A_677 : i32 to vector<16xi32>
    %ne3A_679 = arith.cmpi ne, %get3A_676, %ne3A_678 : vector<16xi32>
    %select_n3A_680 = arith.select %ne3A_679, %broadcast_in_dim3A_459, %broadcast_in_dim3A_197 : vector<16xi1>, vector<16xf32>
    %add3A_681 = arith.addf %add3A_663, %select_n3A_680 : vector<16xf32>
    %get3A_682 = arith.constant 3 : i32
    %get3A_683 = arith.index_cast %get3A_682 : i32 to index
    %get3A_684 = arith.constant 16 : index
    %get3A_685 = tpu.vector_load %arg6[%get3A_683, %get3A_684] {strides = array<i32>} : memref<13x128xi32, #tpu.memory_space<vmem>>, vector<16xi32>,
    %ne3A_686 = arith.constant 0 : i32
    %ne3A_687 = vector.broadcast %ne3A_686 : i32 to vector<16xi32>
    %ne3A_688 = arith.cmpi ne, %get3A_685, %ne3A_687 : vector<16xi32>
    %select_n3A_689 = arith.select %ne3A_688, %broadcast_in_dim3A_459, %broadcast_in_dim3A_197 : vector<16xi1>, vector<16xf32>
    %add3A_690 = arith.addf %add3A_672, %select_n3A_689 : vector<16xf32>
    %get3A_691 = arith.constant 3 : i32
    %get3A_692 = arith.index_cast %get3A_691 : i32 to index
    %get3A_693 = arith.constant 32 : index
    %get3A_694 = tpu.vector_load %arg6[%get3A_692, %get3A_693] {strides = array<i32>} : memref<13x128xi32, #tpu.memory_space<vmem>>, vector<16xi32>,
    %ne3A_695 = arith.constant 0 : i32
    %ne3A_696 = vector.broadcast %ne3A_695 : i32 to vector<16xi32>
    %ne3A_697 = arith.cmpi ne, %get3A_694, %ne3A_696 : vector<16xi32>
    %select_n3A_698 = arith.select %ne3A_697, %broadcast_in_dim3A_459, %broadcast_in_dim3A_197 : vector<16xi1>, vector<16xf32>
    %add3A_699 = arith.addf %add3A_681, %select_n3A_698 : vector<16xf32>
    %get3A_700 = arith.constant 3 : i32
    %get3A_701 = arith.index_cast %get3A_700 : i32 to index
    %get3A_702 = arith.constant 48 : index
    %get3A_703 = tpu.vector_load %arg6[%get3A_701, %get3A_702] {strides = array<i32>} : memref<13x128xi32, #tpu.memory_space<vmem>>, vector<16xi32>,
    %ne3A_704 = arith.constant 0 : i32
    %ne3A_705 = vector.broadcast %ne3A_704 : i32 to vector<16xi32>
    %ne3A_706 = arith.cmpi ne, %get3A_703, %ne3A_705 : vector<16xi32>
    %select_n3A_707 = arith.select %ne3A_706, %broadcast_in_dim3A_459, %broadcast_in_dim3A_197 : vector<16xi1>, vector<16xf32>
    %add3A_708 = arith.addf %add3A_690, %select_n3A_707 : vector<16xf32>
    %get3A_709 = arith.constant 3 : i32
    %get3A_710 = arith.index_cast %get3A_709 : i32 to index
    %get3A_711 = arith.constant 64 : index
    %get3A_712 = tpu.vector_load %arg6[%get3A_710, %get3A_711] {strides = array<i32>} : memref<13x128xi32, #tpu.memory_space<vmem>>, vector<16xi32>,
    %ne3A_713 = arith.constant 0 : i32
    %ne3A_714 = vector.broadcast %ne3A_713 : i32 to vector<16xi32>
    %ne3A_715 = arith.cmpi ne, %get3A_712, %ne3A_714 : vector<16xi32>
    %select_n3A_716 = arith.select %ne3A_715, %broadcast_in_dim3A_459, %broadcast_in_dim3A_197 : vector<16xi1>, vector<16xf32>
    %add3A_717 = arith.addf %add3A_699, %select_n3A_716 : vector<16xf32>
    %get3A_718 = arith.constant 3 : i32
    %get3A_719 = arith.index_cast %get3A_718 : i32 to index
    %get3A_720 = arith.constant 80 : index
    %get3A_721 = tpu.vector_load %arg6[%get3A_719, %get3A_720] {strides = array<i32>} : memref<13x128xi32, #tpu.memory_space<vmem>>, vector<16xi32>,
    %ne3A_722 = arith.constant 0 : i32
    %ne3A_723 = vector.broadcast %ne3A_722 : i32 to vector<16xi32>
    %ne3A_724 = arith.cmpi ne, %get3A_721, %ne3A_723 : vector<16xi32>
    %select_n3A_725 = arith.select %ne3A_724, %broadcast_in_dim3A_459, %broadcast_in_dim3A_197 : vector<16xi1>, vector<16xf32>
    %add3A_726 = arith.addf %add3A_708, %select_n3A_725 : vector<16xf32>
    %get3A_727 = arith.constant 3 : i32
    %get3A_728 = arith.index_cast %get3A_727 : i32 to index
    %get3A_729 = arith.constant 96 : index
    %get3A_730 = tpu.vector_load %arg6[%get3A_728, %get3A_729] {strides = array<i32>} : memref<13x128xi32, #tpu.memory_space<vmem>>, vector<16xi32>,
    %ne3A_731 = arith.constant 0 : i32
    %ne3A_732 = vector.broadcast %ne3A_731 : i32 to vector<16xi32>
    %ne3A_733 = arith.cmpi ne, %get3A_730, %ne3A_732 : vector<16xi32>
    %select_n3A_734 = arith.select %ne3A_733, %broadcast_in_dim3A_459, %broadcast_in_dim3A_197 : vector<16xi1>, vector<16xf32>
    %add3A_735 = arith.addf %add3A_717, %select_n3A_734 : vector<16xf32>
    %get3A_736 = arith.constant 3 : i32
    %get3A_737 = arith.index_cast %get3A_736 : i32 to index
    %get3A_738 = arith.constant 112 : index
    %get3A_739 = tpu.vector_load %arg6[%get3A_737, %get3A_738] {strides = array<i32>} : memref<13x128xi32, #tpu.memory_space<vmem>>, vector<16xi32>,
    %ne3A_740 = arith.constant 0 : i32
    %ne3A_741 = vector.broadcast %ne3A_740 : i32 to vector<16xi32>
    %ne3A_742 = arith.cmpi ne, %get3A_739, %ne3A_741 : vector<16xi32>
    %select_n3A_743 = arith.select %ne3A_742, %broadcast_in_dim3A_459, %broadcast_in_dim3A_197 : vector<16xi1>, vector<16xf32>
    %add3A_744 = arith.addf %add3A_726, %select_n3A_743 : vector<16xf32>
    %get3A_745 = arith.constant 4 : i32
    %get3A_746 = arith.index_cast %get3A_745 : i32 to index
    %get3A_747 = arith.constant 0 : index
    %get3A_748 = tpu.vector_load %arg6[%get3A_746, %get3A_747] {strides = array<i32>} : memref<13x128xi32, #tpu.memory_space<vmem>>, vector<16xi32>,
    %ne3A_749 = arith.constant 0 : i32
    %ne3A_750 = vector.broadcast %ne3A_749 : i32 to vector<16xi32>
    %ne3A_751 = arith.cmpi ne, %get3A_748, %ne3A_750 : vector<16xi32>
    %select_n3A_752 = arith.select %ne3A_751, %broadcast_in_dim3A_459, %broadcast_in_dim3A_197 : vector<16xi1>, vector<16xf32>
    %add3A_753 = arith.addf %add3A_735, %select_n3A_752 : vector<16xf32>
    %get3A_754 = arith.constant 4 : i32
    %get3A_755 = arith.index_cast %get3A_754 : i32 to index
    %get3A_756 = arith.constant 16 : index
    %get3A_757 = tpu.vector_load %arg6[%get3A_755, %get3A_756] {strides = array<i32>} : memref<13x128xi32, #tpu.memory_space<vmem>>, vector<16xi32>,
    %ne3A_758 = arith.constant 0 : i32
    %ne3A_759 = vector.broadcast %ne3A_758 : i32 to vector<16xi32>
    %ne3A_760 = arith.cmpi ne, %get3A_757, %ne3A_759 : vector<16xi32>
    %select_n3A_761 = arith.select %ne3A_760, %broadcast_in_dim3A_459, %broadcast_in_dim3A_197 : vector<16xi1>, vector<16xf32>
    %add3A_762 = arith.addf %add3A_744, %select_n3A_761 : vector<16xf32>
    %get3A_763 = arith.constant 4 : i32
    %get3A_764 = arith.index_cast %get3A_763 : i32 to index
    %get3A_765 = arith.constant 32 : index
    %get3A_766 = tpu.vector_load %arg6[%get3A_764, %get3A_765] {strides = array<i32>} : memref<13x128xi32, #tpu.memory_space<vmem>>, vector<16xi32>,
    %ne3A_767 = arith.constant 0 : i32
    %ne3A_768 = vector.broadcast %ne3A_767 : i32 to vector<16xi32>
    %ne3A_769 = arith.cmpi ne, %get3A_766, %ne3A_768 : vector<16xi32>
    %select_n3A_770 = arith.select %ne3A_769, %broadcast_in_dim3A_459, %broadcast_in_dim3A_197 : vector<16xi1>, vector<16xf32>
    %add3A_771 = arith.addf %add3A_753, %select_n3A_770 : vector<16xf32>
    %get3A_772 = arith.constant 4 : i32
    %get3A_773 = arith.index_cast %get3A_772 : i32 to index
    %get3A_774 = arith.constant 48 : index
    %get3A_775 = tpu.vector_load %arg6[%get3A_773, %get3A_774] {strides = array<i32>} : memref<13x128xi32, #tpu.memory_space<vmem>>, vector<16xi32>,
    %ne3A_776 = arith.constant 0 : i32
    %ne3A_777 = vector.broadcast %ne3A_776 : i32 to vector<16xi32>
    %ne3A_778 = arith.cmpi ne, %get3A_775, %ne3A_777 : vector<16xi32>
    %select_n3A_779 = arith.select %ne3A_778, %broadcast_in_dim3A_459, %broadcast_in_dim3A_197 : vector<16xi1>, vector<16xf32>
    %add3A_780 = arith.addf %add3A_762, %select_n3A_779 : vector<16xf32>
    %get3A_781 = arith.constant 4 : i32
    %get3A_782 = arith.index_cast %get3A_781 : i32 to index
    %get3A_783 = arith.constant 64 : index
    %get3A_784 = tpu.vector_load %arg6[%get3A_782, %get3A_783] {strides = array<i32>} : memref<13x128xi32, #tpu.memory_space<vmem>>, vector<16xi32>,
    %ne3A_785 = arith.constant 0 : i32
    %ne3A_786 = vector.broadcast %ne3A_785 : i32 to vector<16xi32>
    %ne3A_787 = arith.cmpi ne, %get3A_784, %ne3A_786 : vector<16xi32>
    %select_n3A_788 = arith.select %ne3A_787, %broadcast_in_dim3A_459, %broadcast_in_dim3A_197 : vector<16xi1>, vector<16xf32>
    %add3A_789 = arith.addf %add3A_771, %select_n3A_788 : vector<16xf32>
    %get3A_790 = arith.constant 4 : i32
    %get3A_791 = arith.index_cast %get3A_790 : i32 to index
    %get3A_792 = arith.constant 80 : index
    %get3A_793 = tpu.vector_load %arg6[%get3A_791, %get3A_792] {strides = array<i32>} : memref<13x128xi32, #tpu.memory_space<vmem>>, vector<16xi32>,
    %ne3A_794 = arith.constant 0 : i32
    %ne3A_795 = vector.broadcast %ne3A_794 : i32 to vector<16xi32>
    %ne3A_796 = arith.cmpi ne, %get3A_793, %ne3A_795 : vector<16xi32>
    %select_n3A_797 = arith.select %ne3A_796, %broadcast_in_dim3A_459, %broadcast_in_dim3A_197 : vector<16xi1>, vector<16xf32>
    %add3A_798 = arith.addf %add3A_780, %select_n3A_797 : vector<16xf32>
    %get3A_799 = arith.constant 4 : i32
    %get3A_800 = arith.index_cast %get3A_799 : i32 to index
    %get3A_801 = arith.constant 96 : index
    %get3A_802 = tpu.vector_load %arg6[%get3A_800, %get3A_801] {strides = array<i32>} : memref<13x128xi32, #tpu.memory_space<vmem>>, vector<16xi32>,
    %ne3A_803 = arith.constant 0 : i32
    %ne3A_804 = vector.broadcast %ne3A_803 : i32 to vector<16xi32>
    %ne3A_805 = arith.cmpi ne, %get3A_802, %ne3A_804 : vector<16xi32>
    %select_n3A_806 = arith.select %ne3A_805, %broadcast_in_dim3A_459, %broadcast_in_dim3A_197 : vector<16xi1>, vector<16xf32>
    %add3A_807 = arith.addf %add3A_789, %select_n3A_806 : vector<16xf32>
    %get3A_808 = arith.constant 4 : i32
    %get3A_809 = arith.index_cast %get3A_808 : i32 to index
    %get3A_810 = arith.constant 112 : index
    %get3A_811 = tpu.vector_load %arg6[%get3A_809, %get3A_810] {strides = array<i32>} : memref<13x128xi32, #tpu.memory_space<vmem>>, vector<16xi32>,
    %ne3A_812 = arith.constant 0 : i32
    %ne3A_813 = vector.broadcast %ne3A_812 : i32 to vector<16xi32>
    %ne3A_814 = arith.cmpi ne, %get3A_811, %ne3A_813 : vector<16xi32>
    %select_n3A_815 = arith.select %ne3A_814, %broadcast_in_dim3A_459, %broadcast_in_dim3A_197 : vector<16xi1>, vector<16xf32>
    %add3A_816 = arith.addf %add3A_798, %select_n3A_815 : vector<16xf32>
    %get3A_817 = arith.constant 5 : i32
    %get3A_818 = arith.index_cast %get3A_817 : i32 to index
    %get3A_819 = arith.constant 0 : index
    %get3A_820 = tpu.vector_load %arg6[%get3A_818, %get3A_819] {strides = array<i32>} : memref<13x128xi32, #tpu.memory_space<vmem>>, vector<16xi32>,
    %ne3A_821 = arith.constant 0 : i32
    %ne3A_822 = vector.broadcast %ne3A_821 : i32 to vector<16xi32>
    %ne3A_823 = arith.cmpi ne, %get3A_820, %ne3A_822 : vector<16xi32>
    %select_n3A_824 = arith.select %ne3A_823, %broadcast_in_dim3A_459, %broadcast_in_dim3A_197 : vector<16xi1>, vector<16xf32>
    %add3A_825 = arith.addf %add3A_807, %select_n3A_824 : vector<16xf32>
    %get3A_826 = arith.constant 5 : i32
    %get3A_827 = arith.index_cast %get3A_826 : i32 to index
    %get3A_828 = arith.constant 16 : index
    %get3A_829 = tpu.vector_load %arg6[%get3A_827, %get3A_828] {strides = array<i32>} : memref<13x128xi32, #tpu.memory_space<vmem>>, vector<16xi32>,
    %ne3A_830 = arith.constant 0 : i32
    %ne3A_831 = vector.broadcast %ne3A_830 : i32 to vector<16xi32>
    %ne3A_832 = arith.cmpi ne, %get3A_829, %ne3A_831 : vector<16xi32>
    %select_n3A_833 = arith.select %ne3A_832, %broadcast_in_dim3A_459, %broadcast_in_dim3A_197 : vector<16xi1>, vector<16xf32>
    %add3A_834 = arith.addf %add3A_816, %select_n3A_833 : vector<16xf32>
    %get3A_835 = arith.constant 5 : i32
    %get3A_836 = arith.index_cast %get3A_835 : i32 to index
    %get3A_837 = arith.constant 32 : index
    %get3A_838 = tpu.vector_load %arg6[%get3A_836, %get3A_837] {strides = array<i32>} : memref<13x128xi32, #tpu.memory_space<vmem>>, vector<16xi32>,
    %ne3A_839 = arith.constant 0 : i32
    %ne3A_840 = vector.broadcast %ne3A_839 : i32 to vector<16xi32>
    %ne3A_841 = arith.cmpi ne, %get3A_838, %ne3A_840 : vector<16xi32>
    %select_n3A_842 = arith.select %ne3A_841, %broadcast_in_dim3A_459, %broadcast_in_dim3A_197 : vector<16xi1>, vector<16xf32>
    %add3A_843 = arith.addf %add3A_825, %select_n3A_842 : vector<16xf32>
    %get3A_844 = arith.constant 5 : i32
    %get3A_845 = arith.index_cast %get3A_844 : i32 to index
    %get3A_846 = arith.constant 48 : index
    %get3A_847 = tpu.vector_load %arg6[%get3A_845, %get3A_846] {strides = array<i32>} : memref<13x128xi32, #tpu.memory_space<vmem>>, vector<16xi32>,
    %ne3A_848 = arith.constant 0 : i32
    %ne3A_849 = vector.broadcast %ne3A_848 : i32 to vector<16xi32>
    %ne3A_850 = arith.cmpi ne, %get3A_847, %ne3A_849 : vector<16xi32>
    %select_n3A_851 = arith.select %ne3A_850, %broadcast_in_dim3A_459, %broadcast_in_dim3A_197 : vector<16xi1>, vector<16xf32>
    %add3A_852 = arith.addf %add3A_834, %select_n3A_851 : vector<16xf32>
    %get3A_853 = arith.constant 5 : i32
    %get3A_854 = arith.index_cast %get3A_853 : i32 to index
    %get3A_855 = arith.constant 64 : index
    %get3A_856 = tpu.vector_load %arg6[%get3A_854, %get3A_855] {strides = array<i32>} : memref<13x128xi32, #tpu.memory_space<vmem>>, vector<16xi32>,
    %ne3A_857 = arith.constant 0 : i32
    %ne3A_858 = vector.broadcast %ne3A_857 : i32 to vector<16xi32>
    %ne3A_859 = arith.cmpi ne, %get3A_856, %ne3A_858 : vector<16xi32>
    %select_n3A_860 = arith.select %ne3A_859, %broadcast_in_dim3A_459, %broadcast_in_dim3A_197 : vector<16xi1>, vector<16xf32>
    %add3A_861 = arith.addf %add3A_843, %select_n3A_860 : vector<16xf32>
    %get3A_862 = arith.constant 5 : i32
    %get3A_863 = arith.index_cast %get3A_862 : i32 to index
    %get3A_864 = arith.constant 80 : index
    %get3A_865 = tpu.vector_load %arg6[%get3A_863, %get3A_864] {strides = array<i32>} : memref<13x128xi32, #tpu.memory_space<vmem>>, vector<16xi32>,
    %ne3A_866 = arith.constant 0 : i32
    %ne3A_867 = vector.broadcast %ne3A_866 : i32 to vector<16xi32>
    %ne3A_868 = arith.cmpi ne, %get3A_865, %ne3A_867 : vector<16xi32>
    %select_n3A_869 = arith.select %ne3A_868, %broadcast_in_dim3A_459, %broadcast_in_dim3A_197 : vector<16xi1>, vector<16xf32>
    %add3A_870 = arith.addf %add3A_852, %select_n3A_869 : vector<16xf32>
    %get3A_871 = arith.constant 5 : i32
    %get3A_872 = arith.index_cast %get3A_871 : i32 to index
    %get3A_873 = arith.constant 96 : index
    %get3A_874 = tpu.vector_load %arg6[%get3A_872, %get3A_873] {strides = array<i32>} : memref<13x128xi32, #tpu.memory_space<vmem>>, vector<16xi32>,
    %ne3A_875 = arith.constant 0 : i32
    %ne3A_876 = vector.broadcast %ne3A_875 : i32 to vector<16xi32>
    %ne3A_877 = arith.cmpi ne, %get3A_874, %ne3A_876 : vector<16xi32>
    %select_n3A_878 = arith.select %ne3A_877, %broadcast_in_dim3A_459, %broadcast_in_dim3A_197 : vector<16xi1>, vector<16xf32>
    %add3A_879 = arith.addf %add3A_861, %select_n3A_878 : vector<16xf32>
    %get3A_880 = arith.constant 5 : i32
    %get3A_881 = arith.index_cast %get3A_880 : i32 to index
    %get3A_882 = arith.constant 112 : index
    %get3A_883 = tpu.vector_load %arg6[%get3A_881, %get3A_882] {strides = array<i32>} : memref<13x128xi32, #tpu.memory_space<vmem>>, vector<16xi32>,
    %ne3A_884 = arith.constant 0 : i32
    %ne3A_885 = vector.broadcast %ne3A_884 : i32 to vector<16xi32>
    %ne3A_886 = arith.cmpi ne, %get3A_883, %ne3A_885 : vector<16xi32>
    %select_n3A_887 = arith.select %ne3A_886, %broadcast_in_dim3A_459, %broadcast_in_dim3A_197 : vector<16xi1>, vector<16xf32>
    %add3A_888 = arith.addf %add3A_870, %select_n3A_887 : vector<16xf32>
    %get3A_889 = arith.constant 6 : i32
    %get3A_890 = arith.index_cast %get3A_889 : i32 to index
    %get3A_891 = arith.constant 0 : index
    %get3A_892 = tpu.vector_load %arg6[%get3A_890, %get3A_891] {strides = array<i32>} : memref<13x128xi32, #tpu.memory_space<vmem>>, vector<16xi32>,
    %ne3A_893 = arith.constant 0 : i32
    %ne3A_894 = vector.broadcast %ne3A_893 : i32 to vector<16xi32>
    %ne3A_895 = arith.cmpi ne, %get3A_892, %ne3A_894 : vector<16xi32>
    %select_n3A_896 = arith.select %ne3A_895, %broadcast_in_dim3A_459, %broadcast_in_dim3A_197 : vector<16xi1>, vector<16xf32>
    %add3A_897 = arith.addf %add3A_879, %select_n3A_896 : vector<16xf32>
    %get3A_898 = arith.constant 6 : i32
    %get3A_899 = arith.index_cast %get3A_898 : i32 to index
    %get3A_900 = arith.constant 16 : index
    %get3A_901 = tpu.vector_load %arg6[%get3A_899, %get3A_900] {strides = array<i32>} : memref<13x128xi32, #tpu.memory_space<vmem>>, vector<16xi32>,
    %ne3A_902 = arith.constant 0 : i32
    %ne3A_903 = vector.broadcast %ne3A_902 : i32 to vector<16xi32>
    %ne3A_904 = arith.cmpi ne, %get3A_901, %ne3A_903 : vector<16xi32>
    %select_n3A_905 = arith.select %ne3A_904, %broadcast_in_dim3A_459, %broadcast_in_dim3A_197 : vector<16xi1>, vector<16xf32>
    %add3A_906 = arith.addf %add3A_888, %select_n3A_905 : vector<16xf32>
    %get3A_907 = arith.constant 6 : i32
    %get3A_908 = arith.index_cast %get3A_907 : i32 to index
    %get3A_909 = arith.constant 32 : index
    %get3A_910 = tpu.vector_load %arg6[%get3A_908, %get3A_909] {strides = array<i32>} : memref<13x128xi32, #tpu.memory_space<vmem>>, vector<16xi32>,
    %ne3A_911 = arith.constant 0 : i32
    %ne3A_912 = vector.broadcast %ne3A_911 : i32 to vector<16xi32>
    %ne3A_913 = arith.cmpi ne, %get3A_910, %ne3A_912 : vector<16xi32>
    %select_n3A_914 = arith.select %ne3A_913, %broadcast_in_dim3A_459, %broadcast_in_dim3A_197 : vector<16xi1>, vector<16xf32>
    %add3A_915 = arith.addf %add3A_897, %select_n3A_914 : vector<16xf32>
    %get3A_916 = arith.constant 6 : i32
    %get3A_917 = arith.index_cast %get3A_916 : i32 to index
    %get3A_918 = arith.constant 48 : index
    %get3A_919 = tpu.vector_load %arg6[%get3A_917, %get3A_918] {strides = array<i32>} : memref<13x128xi32, #tpu.memory_space<vmem>>, vector<16xi32>,
    %ne3A_920 = arith.constant 0 : i32
    %ne3A_921 = vector.broadcast %ne3A_920 : i32 to vector<16xi32>
    %ne3A_922 = arith.cmpi ne, %get3A_919, %ne3A_921 : vector<16xi32>
    %select_n3A_923 = arith.select %ne3A_922, %broadcast_in_dim3A_459, %broadcast_in_dim3A_197 : vector<16xi1>, vector<16xf32>
    %add3A_924 = arith.addf %add3A_906, %select_n3A_923 : vector<16xf32>
    %get3A_925 = arith.constant 6 : i32
    %get3A_926 = arith.index_cast %get3A_925 : i32 to index
    %get3A_927 = arith.constant 64 : index
    %get3A_928 = tpu.vector_load %arg6[%get3A_926, %get3A_927] {strides = array<i32>} : memref<13x128xi32, #tpu.memory_space<vmem>>, vector<16xi32>,
    %ne3A_929 = arith.constant 0 : i32
    %ne3A_930 = vector.broadcast %ne3A_929 : i32 to vector<16xi32>
    %ne3A_931 = arith.cmpi ne, %get3A_928, %ne3A_930 : vector<16xi32>
    %select_n3A_932 = arith.select %ne3A_931, %broadcast_in_dim3A_459, %broadcast_in_dim3A_197 : vector<16xi1>, vector<16xf32>
    %add3A_933 = arith.addf %add3A_915, %select_n3A_932 : vector<16xf32>
    %get3A_934 = arith.constant 6 : i32
    %get3A_935 = arith.index_cast %get3A_934 : i32 to index
    %get3A_936 = arith.constant 80 : index
    %get3A_937 = tpu.vector_load %arg6[%get3A_935, %get3A_936] {strides = array<i32>} : memref<13x128xi32, #tpu.memory_space<vmem>>, vector<16xi32>,
    %ne3A_938 = arith.constant 0 : i32
    %ne3A_939 = vector.broadcast %ne3A_938 : i32 to vector<16xi32>
    %ne3A_940 = arith.cmpi ne, %get3A_937, %ne3A_939 : vector<16xi32>
    %select_n3A_941 = arith.select %ne3A_940, %broadcast_in_dim3A_459, %broadcast_in_dim3A_197 : vector<16xi1>, vector<16xf32>
    %add3A_942 = arith.addf %add3A_924, %select_n3A_941 : vector<16xf32>
    %get3A_943 = arith.constant 6 : i32
    %get3A_944 = arith.index_cast %get3A_943 : i32 to index
    %get3A_945 = arith.constant 96 : index
    %get3A_946 = tpu.vector_load %arg6[%get3A_944, %get3A_945] {strides = array<i32>} : memref<13x128xi32, #tpu.memory_space<vmem>>, vector<16xi32>,
    %ne3A_947 = arith.constant 0 : i32
    %ne3A_948 = vector.broadcast %ne3A_947 : i32 to vector<16xi32>
    %ne3A_949 = arith.cmpi ne, %get3A_946, %ne3A_948 : vector<16xi32>
    %select_n3A_950 = arith.select %ne3A_949, %broadcast_in_dim3A_459, %broadcast_in_dim3A_197 : vector<16xi1>, vector<16xf32>
    %add3A_951 = arith.addf %add3A_933, %select_n3A_950 : vector<16xf32>
    %get3A_952 = arith.constant 6 : i32
    %get3A_953 = arith.index_cast %get3A_952 : i32 to index
    %get3A_954 = arith.constant 112 : index
    %get3A_955 = tpu.vector_load %arg6[%get3A_953, %get3A_954] {strides = array<i32>} : memref<13x128xi32, #tpu.memory_space<vmem>>, vector<16xi32>,
    %ne3A_956 = arith.constant 0 : i32
    %ne3A_957 = vector.broadcast %ne3A_956 : i32 to vector<16xi32>
    %ne3A_958 = arith.cmpi ne, %get3A_955, %ne3A_957 : vector<16xi32>
    %select_n3A_959 = arith.select %ne3A_958, %broadcast_in_dim3A_459, %broadcast_in_dim3A_197 : vector<16xi1>, vector<16xf32>
    %add3A_960 = arith.addf %add3A_942, %select_n3A_959 : vector<16xf32>
    %get3A_961 = arith.constant 7 : i32
    %get3A_962 = arith.index_cast %get3A_961 : i32 to index
    %get3A_963 = arith.constant 0 : index
    %get3A_964 = tpu.vector_load %arg6[%get3A_962, %get3A_963] {strides = array<i32>} : memref<13x128xi32, #tpu.memory_space<vmem>>, vector<16xi32>,
    %ne3A_965 = arith.constant 0 : i32
    %ne3A_966 = vector.broadcast %ne3A_965 : i32 to vector<16xi32>
    %ne3A_967 = arith.cmpi ne, %get3A_964, %ne3A_966 : vector<16xi32>
    %select_n3A_968 = arith.select %ne3A_967, %broadcast_in_dim3A_459, %broadcast_in_dim3A_197 : vector<16xi1>, vector<16xf32>
    %add3A_969 = arith.addf %add3A_951, %select_n3A_968 : vector<16xf32>
    %get3A_970 = arith.constant 7 : i32
    %get3A_971 = arith.index_cast %get3A_970 : i32 to index
    %get3A_972 = arith.constant 16 : index
    %get3A_973 = tpu.vector_load %arg6[%get3A_971, %get3A_972] {strides = array<i32>} : memref<13x128xi32, #tpu.memory_space<vmem>>, vector<16xi32>,
    %ne3A_974 = arith.constant 0 : i32
    %ne3A_975 = vector.broadcast %ne3A_974 : i32 to vector<16xi32>
    %ne3A_976 = arith.cmpi ne, %get3A_973, %ne3A_975 : vector<16xi32>
    %select_n3A_977 = arith.select %ne3A_976, %broadcast_in_dim3A_459, %broadcast_in_dim3A_197 : vector<16xi1>, vector<16xf32>
    %add3A_978 = arith.addf %add3A_960, %select_n3A_977 : vector<16xf32>
    %get3A_979 = arith.constant 7 : i32
    %get3A_980 = arith.index_cast %get3A_979 : i32 to index
    %get3A_981 = arith.constant 32 : index
    %get3A_982 = tpu.vector_load %arg6[%get3A_980, %get3A_981] {strides = array<i32>} : memref<13x128xi32, #tpu.memory_space<vmem>>, vector<16xi32>,
    %ne3A_983 = arith.constant 0 : i32
    %ne3A_984 = vector.broadcast %ne3A_983 : i32 to vector<16xi32>
    %ne3A_985 = arith.cmpi ne, %get3A_982, %ne3A_984 : vector<16xi32>
    %select_n3A_986 = arith.select %ne3A_985, %broadcast_in_dim3A_459, %broadcast_in_dim3A_197 : vector<16xi1>, vector<16xf32>
    %add3A_987 = arith.addf %add3A_969, %select_n3A_986 : vector<16xf32>
    %get3A_988 = arith.constant 7 : i32
    %get3A_989 = arith.index_cast %get3A_988 : i32 to index
    %get3A_990 = arith.constant 48 : index
    %get3A_991 = tpu.vector_load %arg6[%get3A_989, %get3A_990] {strides = array<i32>} : memref<13x128xi32, #tpu.memory_space<vmem>>, vector<16xi32>,
    %ne3A_992 = arith.constant 0 : i32
    %ne3A_993 = vector.broadcast %ne3A_992 : i32 to vector<16xi32>
    %ne3A_994 = arith.cmpi ne, %get3A_991, %ne3A_993 : vector<16xi32>
    %select_n3A_995 = arith.select %ne3A_994, %broadcast_in_dim3A_459, %broadcast_in_dim3A_197 : vector<16xi1>, vector<16xf32>
    %add3A_996 = arith.addf %add3A_978, %select_n3A_995 : vector<16xf32>
    %get3A_997 = arith.constant 7 : i32
    %get3A_998 = arith.index_cast %get3A_997 : i32 to index
    %get3A_999 = arith.constant 64 : index
    %get3A_1000 = tpu.vector_load %arg6[%get3A_998, %get3A_999] {strides = array<i32>} : memref<13x128xi32, #tpu.memory_space<vmem>>, vector<16xi32>,
    %ne3A_1001 = arith.constant 0 : i32
    %ne3A_1002 = vector.broadcast %ne3A_1001 : i32 to vector<16xi32>
    %ne3A_1003 = arith.cmpi ne, %get3A_1000, %ne3A_1002 : vector<16xi32>
    %select_n3A_1004 = arith.select %ne3A_1003, %broadcast_in_dim3A_459, %broadcast_in_dim3A_197 : vector<16xi1>, vector<16xf32>
    %add3A_1005 = arith.addf %add3A_987, %select_n3A_1004 : vector<16xf32>
    %get3A_1006 = arith.constant 7 : i32
    %get3A_1007 = arith.index_cast %get3A_1006 : i32 to index
    %get3A_1008 = arith.constant 80 : index
    %get3A_1009 = tpu.vector_load %arg6[%get3A_1007, %get3A_1008] {strides = array<i32>} : memref<13x128xi32, #tpu.memory_space<vmem>>, vector<16xi32>,
    %ne3A_1010 = arith.constant 0 : i32
    %ne3A_1011 = vector.broadcast %ne3A_1010 : i32 to vector<16xi32>
    %ne3A_1012 = arith.cmpi ne, %get3A_1009, %ne3A_1011 : vector<16xi32>
    %select_n3A_1013 = arith.select %ne3A_1012, %broadcast_in_dim3A_459, %broadcast_in_dim3A_197 : vector<16xi1>, vector<16xf32>
    %add3A_1014 = arith.addf %add3A_996, %select_n3A_1013 : vector<16xf32>
    %get3A_1015 = arith.constant 7 : i32
    %get3A_1016 = arith.index_cast %get3A_1015 : i32 to index
    %get3A_1017 = arith.constant 96 : index
    %get3A_1018 = tpu.vector_load %arg6[%get3A_1016, %get3A_1017] {strides = array<i32>} : memref<13x128xi32, #tpu.memory_space<vmem>>, vector<16xi32>,
    %ne3A_1019 = arith.constant 0 : i32
    %ne3A_1020 = vector.broadcast %ne3A_1019 : i32 to vector<16xi32>
    %ne3A_1021 = arith.cmpi ne, %get3A_1018, %ne3A_1020 : vector<16xi32>
    %select_n3A_1022 = arith.select %ne3A_1021, %broadcast_in_dim3A_459, %broadcast_in_dim3A_197 : vector<16xi1>, vector<16xf32>
    %add3A_1023 = arith.addf %add3A_1005, %select_n3A_1022 : vector<16xf32>
    %get3A_1024 = arith.constant 7 : i32
    %get3A_1025 = arith.index_cast %get3A_1024 : i32 to index
    %get3A_1026 = arith.constant 112 : index
    %get3A_1027 = tpu.vector_load %arg6[%get3A_1025, %get3A_1026] {strides = array<i32>} : memref<13x128xi32, #tpu.memory_space<vmem>>, vector<16xi32>,
    %ne3A_1028 = arith.constant 0 : i32
    %ne3A_1029 = vector.broadcast %ne3A_1028 : i32 to vector<16xi32>
    %ne3A_1030 = arith.cmpi ne, %get3A_1027, %ne3A_1029 : vector<16xi32>
    %select_n3A_1031 = arith.select %ne3A_1030, %broadcast_in_dim3A_459, %broadcast_in_dim3A_197 : vector<16xi1>, vector<16xf32>
    %add3A_1032 = arith.addf %add3A_1014, %select_n3A_1031 : vector<16xf32>
    %get3A_1033 = arith.constant 8 : i32
    %get3A_1034 = arith.index_cast %get3A_1033 : i32 to index
    %get3A_1035 = arith.constant 0 : index
    %get3A_1036 = tpu.vector_load %arg6[%get3A_1034, %get3A_1035] {strides = array<i32>} : memref<13x128xi32, #tpu.memory_space<vmem>>, vector<16xi32>,
    %ne3A_1037 = arith.constant 0 : i32
    %ne3A_1038 = vector.broadcast %ne3A_1037 : i32 to vector<16xi32>
    %ne3A_1039 = arith.cmpi ne, %get3A_1036, %ne3A_1038 : vector<16xi32>
    %select_n3A_1040 = arith.select %ne3A_1039, %broadcast_in_dim3A_459, %broadcast_in_dim3A_197 : vector<16xi1>, vector<16xf32>
    %add3A_1041 = arith.addf %add3A_1023, %select_n3A_1040 : vector<16xf32>
    %get3A_1042 = arith.constant 8 : i32
    %get3A_1043 = arith.index_cast %get3A_1042 : i32 to index
    %get3A_1044 = arith.constant 16 : index
    %get3A_1045 = tpu.vector_load %arg6[%get3A_1043, %get3A_1044] {strides = array<i32>} : memref<13x128xi32, #tpu.memory_space<vmem>>, vector<16xi32>,
    %ne3A_1046 = arith.constant 0 : i32
    %ne3A_1047 = vector.broadcast %ne3A_1046 : i32 to vector<16xi32>
    %ne3A_1048 = arith.cmpi ne, %get3A_1045, %ne3A_1047 : vector<16xi32>
    %select_n3A_1049 = arith.select %ne3A_1048, %broadcast_in_dim3A_459, %broadcast_in_dim3A_197 : vector<16xi1>, vector<16xf32>
    %add3A_1050 = arith.addf %add3A_1032, %select_n3A_1049 : vector<16xf32>
    %get3A_1051 = arith.constant 8 : i32
    %get3A_1052 = arith.index_cast %get3A_1051 : i32 to index
    %get3A_1053 = arith.constant 32 : index
    %get3A_1054 = tpu.vector_load %arg6[%get3A_1052, %get3A_1053] {strides = array<i32>} : memref<13x128xi32, #tpu.memory_space<vmem>>, vector<16xi32>,
    %ne3A_1055 = arith.constant 0 : i32
    %ne3A_1056 = vector.broadcast %ne3A_1055 : i32 to vector<16xi32>
    %ne3A_1057 = arith.cmpi ne, %get3A_1054, %ne3A_1056 : vector<16xi32>
    %select_n3A_1058 = arith.select %ne3A_1057, %broadcast_in_dim3A_459, %broadcast_in_dim3A_197 : vector<16xi1>, vector<16xf32>
    %add3A_1059 = arith.addf %add3A_1041, %select_n3A_1058 : vector<16xf32>
    %get3A_1060 = arith.constant 8 : i32
    %get3A_1061 = arith.index_cast %get3A_1060 : i32 to index
    %get3A_1062 = arith.constant 48 : index
    %get3A_1063 = tpu.vector_load %arg6[%get3A_1061, %get3A_1062] {strides = array<i32>} : memref<13x128xi32, #tpu.memory_space<vmem>>, vector<16xi32>,
    %ne3A_1064 = arith.constant 0 : i32
    %ne3A_1065 = vector.broadcast %ne3A_1064 : i32 to vector<16xi32>
    %ne3A_1066 = arith.cmpi ne, %get3A_1063, %ne3A_1065 : vector<16xi32>
    %select_n3A_1067 = arith.select %ne3A_1066, %broadcast_in_dim3A_459, %broadcast_in_dim3A_197 : vector<16xi1>, vector<16xf32>
    %add3A_1068 = arith.addf %add3A_1050, %select_n3A_1067 : vector<16xf32>
    %get3A_1069 = arith.constant 8 : i32
    %get3A_1070 = arith.index_cast %get3A_1069 : i32 to index
    %get3A_1071 = arith.constant 64 : index
    %get3A_1072 = tpu.vector_load %arg6[%get3A_1070, %get3A_1071] {strides = array<i32>} : memref<13x128xi32, #tpu.memory_space<vmem>>, vector<16xi32>,
    %ne3A_1073 = arith.constant 0 : i32
    %ne3A_1074 = vector.broadcast %ne3A_1073 : i32 to vector<16xi32>
    %ne3A_1075 = arith.cmpi ne, %get3A_1072, %ne3A_1074 : vector<16xi32>
    %select_n3A_1076 = arith.select %ne3A_1075, %broadcast_in_dim3A_459, %broadcast_in_dim3A_197 : vector<16xi1>, vector<16xf32>
    %add3A_1077 = arith.addf %add3A_1059, %select_n3A_1076 : vector<16xf32>
    %get3A_1078 = arith.constant 8 : i32
    %get3A_1079 = arith.index_cast %get3A_1078 : i32 to index
    %get3A_1080 = arith.constant 80 : index
    %get3A_1081 = tpu.vector_load %arg6[%get3A_1079, %get3A_1080] {strides = array<i32>} : memref<13x128xi32, #tpu.memory_space<vmem>>, vector<16xi32>,
    %ne3A_1082 = arith.constant 0 : i32
    %ne3A_1083 = vector.broadcast %ne3A_1082 : i32 to vector<16xi32>
    %ne3A_1084 = arith.cmpi ne, %get3A_1081, %ne3A_1083 : vector<16xi32>
    %select_n3A_1085 = arith.select %ne3A_1084, %broadcast_in_dim3A_459, %broadcast_in_dim3A_197 : vector<16xi1>, vector<16xf32>
    %add3A_1086 = arith.addf %add3A_1068, %select_n3A_1085 : vector<16xf32>
    %get3A_1087 = arith.constant 8 : i32
    %get3A_1088 = arith.index_cast %get3A_1087 : i32 to index
    %get3A_1089 = arith.constant 96 : index
    %get3A_1090 = tpu.vector_load %arg6[%get3A_1088, %get3A_1089] {strides = array<i32>} : memref<13x128xi32, #tpu.memory_space<vmem>>, vector<16xi32>,
    %ne3A_1091 = arith.constant 0 : i32
    %ne3A_1092 = vector.broadcast %ne3A_1091 : i32 to vector<16xi32>
    %ne3A_1093 = arith.cmpi ne, %get3A_1090, %ne3A_1092 : vector<16xi32>
    %select_n3A_1094 = arith.select %ne3A_1093, %broadcast_in_dim3A_459, %broadcast_in_dim3A_197 : vector<16xi1>, vector<16xf32>
    %add3A_1095 = arith.addf %add3A_1077, %select_n3A_1094 : vector<16xf32>
    %get3A_1096 = arith.constant 8 : i32
    %get3A_1097 = arith.index_cast %get3A_1096 : i32 to index
    %get3A_1098 = arith.constant 112 : index
    %get3A_1099 = tpu.vector_load %arg6[%get3A_1097, %get3A_1098] {strides = array<i32>} : memref<13x128xi32, #tpu.memory_space<vmem>>, vector<16xi32>,
    %ne3A_1100 = arith.constant 0 : i32
    %ne3A_1101 = vector.broadcast %ne3A_1100 : i32 to vector<16xi32>
    %ne3A_1102 = arith.cmpi ne, %get3A_1099, %ne3A_1101 : vector<16xi32>
    %select_n3A_1103 = arith.select %ne3A_1102, %broadcast_in_dim3A_459, %broadcast_in_dim3A_197 : vector<16xi1>, vector<16xf32>
    %add3A_1104 = arith.addf %add3A_1086, %select_n3A_1103 : vector<16xf32>
    %get3A_1105 = arith.constant 9 : i32
    %get3A_1106 = arith.index_cast %get3A_1105 : i32 to index
    %get3A_1107 = arith.constant 0 : index
    %get3A_1108 = tpu.vector_load %arg6[%get3A_1106, %get3A_1107] {strides = array<i32>} : memref<13x128xi32, #tpu.memory_space<vmem>>, vector<16xi32>,
    %ne3A_1109 = arith.constant 0 : i32
    %ne3A_1110 = vector.broadcast %ne3A_1109 : i32 to vector<16xi32>
    %ne3A_1111 = arith.cmpi ne, %get3A_1108, %ne3A_1110 : vector<16xi32>
    %select_n3A_1112 = arith.select %ne3A_1111, %broadcast_in_dim3A_459, %broadcast_in_dim3A_197 : vector<16xi1>, vector<16xf32>
    %add3A_1113 = arith.addf %add3A_1095, %select_n3A_1112 : vector<16xf32>
    %get3A_1114 = arith.constant 9 : i32
    %get3A_1115 = arith.index_cast %get3A_1114 : i32 to index
    %get3A_1116 = arith.constant 16 : index
    %get3A_1117 = tpu.vector_load %arg6[%get3A_1115, %get3A_1116] {strides = array<i32>} : memref<13x128xi32, #tpu.memory_space<vmem>>, vector<16xi32>,
    %ne3A_1118 = arith.constant 0 : i32
    %ne3A_1119 = vector.broadcast %ne3A_1118 : i32 to vector<16xi32>
    %ne3A_1120 = arith.cmpi ne, %get3A_1117, %ne3A_1119 : vector<16xi32>
    %select_n3A_1121 = arith.select %ne3A_1120, %broadcast_in_dim3A_459, %broadcast_in_dim3A_197 : vector<16xi1>, vector<16xf32>
    %add3A_1122 = arith.addf %add3A_1104, %select_n3A_1121 : vector<16xf32>
    %get3A_1123 = arith.constant 9 : i32
    %get3A_1124 = arith.index_cast %get3A_1123 : i32 to index
    %get3A_1125 = arith.constant 32 : index
    %get3A_1126 = tpu.vector_load %arg6[%get3A_1124, %get3A_1125] {strides = array<i32>} : memref<13x128xi32, #tpu.memory_space<vmem>>, vector<16xi32>,
    %ne3A_1127 = arith.constant 0 : i32
    %ne3A_1128 = vector.broadcast %ne3A_1127 : i32 to vector<16xi32>
    %ne3A_1129 = arith.cmpi ne, %get3A_1126, %ne3A_1128 : vector<16xi32>
    %select_n3A_1130 = arith.select %ne3A_1129, %broadcast_in_dim3A_459, %broadcast_in_dim3A_197 : vector<16xi1>, vector<16xf32>
    %add3A_1131 = arith.addf %add3A_1113, %select_n3A_1130 : vector<16xf32>
    %get3A_1132 = arith.constant 9 : i32
    %get3A_1133 = arith.index_cast %get3A_1132 : i32 to index
    %get3A_1134 = arith.constant 48 : index
    %get3A_1135 = tpu.vector_load %arg6[%get3A_1133, %get3A_1134] {strides = array<i32>} : memref<13x128xi32, #tpu.memory_space<vmem>>, vector<16xi32>,
    %ne3A_1136 = arith.constant 0 : i32
    %ne3A_1137 = vector.broadcast %ne3A_1136 : i32 to vector<16xi32>
    %ne3A_1138 = arith.cmpi ne, %get3A_1135, %ne3A_1137 : vector<16xi32>
    %select_n3A_1139 = arith.select %ne3A_1138, %broadcast_in_dim3A_459, %broadcast_in_dim3A_197 : vector<16xi1>, vector<16xf32>
    %add3A_1140 = arith.addf %add3A_1122, %select_n3A_1139 : vector<16xf32>
    %get3A_1141 = arith.constant 9 : i32
    %get3A_1142 = arith.index_cast %get3A_1141 : i32 to index
    %get3A_1143 = arith.constant 64 : index
    %get3A_1144 = tpu.vector_load %arg6[%get3A_1142, %get3A_1143] {strides = array<i32>} : memref<13x128xi32, #tpu.memory_space<vmem>>, vector<16xi32>,
    %ne3A_1145 = arith.constant 0 : i32
    %ne3A_1146 = vector.broadcast %ne3A_1145 : i32 to vector<16xi32>
    %ne3A_1147 = arith.cmpi ne, %get3A_1144, %ne3A_1146 : vector<16xi32>
    %select_n3A_1148 = arith.select %ne3A_1147, %broadcast_in_dim3A_459, %broadcast_in_dim3A_197 : vector<16xi1>, vector<16xf32>
    %add3A_1149 = arith.addf %add3A_1131, %select_n3A_1148 : vector<16xf32>
    %get3A_1150 = arith.constant 9 : i32
    %get3A_1151 = arith.index_cast %get3A_1150 : i32 to index
    %get3A_1152 = arith.constant 80 : index
    %get3A_1153 = tpu.vector_load %arg6[%get3A_1151, %get3A_1152] {strides = array<i32>} : memref<13x128xi32, #tpu.memory_space<vmem>>, vector<16xi32>,
    %ne3A_1154 = arith.constant 0 : i32
    %ne3A_1155 = vector.broadcast %ne3A_1154 : i32 to vector<16xi32>
    %ne3A_1156 = arith.cmpi ne, %get3A_1153, %ne3A_1155 : vector<16xi32>
    %select_n3A_1157 = arith.select %ne3A_1156, %broadcast_in_dim3A_459, %broadcast_in_dim3A_197 : vector<16xi1>, vector<16xf32>
    %add3A_1158 = arith.addf %add3A_1140, %select_n3A_1157 : vector<16xf32>
    %get3A_1159 = arith.constant 9 : i32
    %get3A_1160 = arith.index_cast %get3A_1159 : i32 to index
    %get3A_1161 = arith.constant 96 : index
    %get3A_1162 = tpu.vector_load %arg6[%get3A_1160, %get3A_1161] {strides = array<i32>} : memref<13x128xi32, #tpu.memory_space<vmem>>, vector<16xi32>,
    %ne3A_1163 = arith.constant 0 : i32
    %ne3A_1164 = vector.broadcast %ne3A_1163 : i32 to vector<16xi32>
    %ne3A_1165 = arith.cmpi ne, %get3A_1162, %ne3A_1164 : vector<16xi32>
    %select_n3A_1166 = arith.select %ne3A_1165, %broadcast_in_dim3A_459, %broadcast_in_dim3A_197 : vector<16xi1>, vector<16xf32>
    %add3A_1167 = arith.addf %add3A_1149, %select_n3A_1166 : vector<16xf32>
    %get3A_1168 = arith.constant 9 : i32
    %get3A_1169 = arith.index_cast %get3A_1168 : i32 to index
    %get3A_1170 = arith.constant 112 : index
    %get3A_1171 = tpu.vector_load %arg6[%get3A_1169, %get3A_1170] {strides = array<i32>} : memref<13x128xi32, #tpu.memory_space<vmem>>, vector<16xi32>,
    %ne3A_1172 = arith.constant 0 : i32
    %ne3A_1173 = vector.broadcast %ne3A_1172 : i32 to vector<16xi32>
    %ne3A_1174 = arith.cmpi ne, %get3A_1171, %ne3A_1173 : vector<16xi32>
    %select_n3A_1175 = arith.select %ne3A_1174, %broadcast_in_dim3A_459, %broadcast_in_dim3A_197 : vector<16xi1>, vector<16xf32>
    %add3A_1176 = arith.addf %add3A_1158, %select_n3A_1175 : vector<16xf32>
    %get3A_1177 = arith.constant 10 : i32
    %get3A_1178 = arith.index_cast %get3A_1177 : i32 to index
    %get3A_1179 = arith.constant 0 : index
    %get3A_1180 = tpu.vector_load %arg6[%get3A_1178, %get3A_1179] {strides = array<i32>} : memref<13x128xi32, #tpu.memory_space<vmem>>, vector<16xi32>,
    %ne3A_1181 = arith.constant 0 : i32
    %ne3A_1182 = vector.broadcast %ne3A_1181 : i32 to vector<16xi32>
    %ne3A_1183 = arith.cmpi ne, %get3A_1180, %ne3A_1182 : vector<16xi32>
    %select_n3A_1184 = arith.select %ne3A_1183, %broadcast_in_dim3A_459, %broadcast_in_dim3A_197 : vector<16xi1>, vector<16xf32>
    %add3A_1185 = arith.addf %add3A_1167, %select_n3A_1184 : vector<16xf32>
    %get3A_1186 = arith.constant 10 : i32
    %get3A_1187 = arith.index_cast %get3A_1186 : i32 to index
    %get3A_1188 = arith.constant 16 : index
    %get3A_1189 = tpu.vector_load %arg6[%get3A_1187, %get3A_1188] {strides = array<i32>} : memref<13x128xi32, #tpu.memory_space<vmem>>, vector<16xi32>,
    %ne3A_1190 = arith.constant 0 : i32
    %ne3A_1191 = vector.broadcast %ne3A_1190 : i32 to vector<16xi32>
    %ne3A_1192 = arith.cmpi ne, %get3A_1189, %ne3A_1191 : vector<16xi32>
    %select_n3A_1193 = arith.select %ne3A_1192, %broadcast_in_dim3A_459, %broadcast_in_dim3A_197 : vector<16xi1>, vector<16xf32>
    %add3A_1194 = arith.addf %add3A_1176, %select_n3A_1193 : vector<16xf32>
    %get3A_1195 = arith.constant 10 : i32
    %get3A_1196 = arith.index_cast %get3A_1195 : i32 to index
    %get3A_1197 = arith.constant 32 : index
    %get3A_1198 = tpu.vector_load %arg6[%get3A_1196, %get3A_1197] {strides = array<i32>} : memref<13x128xi32, #tpu.memory_space<vmem>>, vector<16xi32>,
    %ne3A_1199 = arith.constant 0 : i32
    %ne3A_1200 = vector.broadcast %ne3A_1199 : i32 to vector<16xi32>
    %ne3A_1201 = arith.cmpi ne, %get3A_1198, %ne3A_1200 : vector<16xi32>
    %select_n3A_1202 = arith.select %ne3A_1201, %broadcast_in_dim3A_459, %broadcast_in_dim3A_197 : vector<16xi1>, vector<16xf32>
    %add3A_1203 = arith.addf %add3A_1185, %select_n3A_1202 : vector<16xf32>
    %get3A_1204 = arith.constant 10 : i32
    %get3A_1205 = arith.index_cast %get3A_1204 : i32 to index
    %get3A_1206 = arith.constant 48 : index
    %get3A_1207 = tpu.vector_load %arg6[%get3A_1205, %get3A_1206] {strides = array<i32>} : memref<13x128xi32, #tpu.memory_space<vmem>>, vector<16xi32>,
    %ne3A_1208 = arith.constant 0 : i32
    %ne3A_1209 = vector.broadcast %ne3A_1208 : i32 to vector<16xi32>
    %ne3A_1210 = arith.cmpi ne, %get3A_1207, %ne3A_1209 : vector<16xi32>
    %select_n3A_1211 = arith.select %ne3A_1210, %broadcast_in_dim3A_459, %broadcast_in_dim3A_197 : vector<16xi1>, vector<16xf32>
    %add3A_1212 = arith.addf %add3A_1194, %select_n3A_1211 : vector<16xf32>
    %get3A_1213 = arith.constant 10 : i32
    %get3A_1214 = arith.index_cast %get3A_1213 : i32 to index
    %get3A_1215 = arith.constant 64 : index
    %get3A_1216 = tpu.vector_load %arg6[%get3A_1214, %get3A_1215] {strides = array<i32>} : memref<13x128xi32, #tpu.memory_space<vmem>>, vector<16xi32>,
    %ne3A_1217 = arith.constant 0 : i32
    %ne3A_1218 = vector.broadcast %ne3A_1217 : i32 to vector<16xi32>
    %ne3A_1219 = arith.cmpi ne, %get3A_1216, %ne3A_1218 : vector<16xi32>
    %select_n3A_1220 = arith.select %ne3A_1219, %broadcast_in_dim3A_459, %broadcast_in_dim3A_197 : vector<16xi1>, vector<16xf32>
    %add3A_1221 = arith.addf %add3A_1203, %select_n3A_1220 : vector<16xf32>
    %get3A_1222 = arith.constant 10 : i32
    %get3A_1223 = arith.index_cast %get3A_1222 : i32 to index
    %get3A_1224 = arith.constant 80 : index
    %get3A_1225 = tpu.vector_load %arg6[%get3A_1223, %get3A_1224] {strides = array<i32>} : memref<13x128xi32, #tpu.memory_space<vmem>>, vector<16xi32>,
    %ne3A_1226 = arith.constant 0 : i32
    %ne3A_1227 = vector.broadcast %ne3A_1226 : i32 to vector<16xi32>
    %ne3A_1228 = arith.cmpi ne, %get3A_1225, %ne3A_1227 : vector<16xi32>
    %select_n3A_1229 = arith.select %ne3A_1228, %broadcast_in_dim3A_459, %broadcast_in_dim3A_197 : vector<16xi1>, vector<16xf32>
    %add3A_1230 = arith.addf %add3A_1212, %select_n3A_1229 : vector<16xf32>
    %get3A_1231 = arith.constant 10 : i32
    %get3A_1232 = arith.index_cast %get3A_1231 : i32 to index
    %get3A_1233 = arith.constant 96 : index
    %get3A_1234 = tpu.vector_load %arg6[%get3A_1232, %get3A_1233] {strides = array<i32>} : memref<13x128xi32, #tpu.memory_space<vmem>>, vector<16xi32>,
    %ne3A_1235 = arith.constant 0 : i32
    %ne3A_1236 = vector.broadcast %ne3A_1235 : i32 to vector<16xi32>
    %ne3A_1237 = arith.cmpi ne, %get3A_1234, %ne3A_1236 : vector<16xi32>
    %select_n3A_1238 = arith.select %ne3A_1237, %broadcast_in_dim3A_459, %broadcast_in_dim3A_197 : vector<16xi1>, vector<16xf32>
    %add3A_1239 = arith.addf %add3A_1221, %select_n3A_1238 : vector<16xf32>
    %get3A_1240 = arith.constant 10 : i32
    %get3A_1241 = arith.index_cast %get3A_1240 : i32 to index
    %get3A_1242 = arith.constant 112 : index
    %get3A_1243 = tpu.vector_load %arg6[%get3A_1241, %get3A_1242] {strides = array<i32>} : memref<13x128xi32, #tpu.memory_space<vmem>>, vector<16xi32>,
    %ne3A_1244 = arith.constant 0 : i32
    %ne3A_1245 = vector.broadcast %ne3A_1244 : i32 to vector<16xi32>
    %ne3A_1246 = arith.cmpi ne, %get3A_1243, %ne3A_1245 : vector<16xi32>
    %select_n3A_1247 = arith.select %ne3A_1246, %broadcast_in_dim3A_459, %broadcast_in_dim3A_197 : vector<16xi1>, vector<16xf32>
    %add3A_1248 = arith.addf %add3A_1230, %select_n3A_1247 : vector<16xf32>
    %get3A_1249 = arith.constant 11 : i32
    %get3A_1250 = arith.index_cast %get3A_1249 : i32 to index
    %get3A_1251 = arith.constant 0 : index
    %get3A_1252 = tpu.vector_load %arg6[%get3A_1250, %get3A_1251] {strides = array<i32>} : memref<13x128xi32, #tpu.memory_space<vmem>>, vector<16xi32>,
    %ne3A_1253 = arith.constant 0 : i32
    %ne3A_1254 = vector.broadcast %ne3A_1253 : i32 to vector<16xi32>
    %ne3A_1255 = arith.cmpi ne, %get3A_1252, %ne3A_1254 : vector<16xi32>
    %select_n3A_1256 = arith.select %ne3A_1255, %broadcast_in_dim3A_459, %broadcast_in_dim3A_197 : vector<16xi1>, vector<16xf32>
    %add3A_1257 = arith.addf %add3A_1239, %select_n3A_1256 : vector<16xf32>
    %get3A_1258 = arith.constant 11 : i32
    %get3A_1259 = arith.index_cast %get3A_1258 : i32 to index
    %get3A_1260 = arith.constant 16 : index
    %get3A_1261 = tpu.vector_load %arg6[%get3A_1259, %get3A_1260] {strides = array<i32>} : memref<13x128xi32, #tpu.memory_space<vmem>>, vector<16xi32>,
    %ne3A_1262 = arith.constant 0 : i32
    %ne3A_1263 = vector.broadcast %ne3A_1262 : i32 to vector<16xi32>
    %ne3A_1264 = arith.cmpi ne, %get3A_1261, %ne3A_1263 : vector<16xi32>
    %select_n3A_1265 = arith.select %ne3A_1264, %broadcast_in_dim3A_459, %broadcast_in_dim3A_197 : vector<16xi1>, vector<16xf32>
    %add3A_1266 = arith.addf %add3A_1248, %select_n3A_1265 : vector<16xf32>
    %get3A_1267 = arith.constant 11 : i32
    %get3A_1268 = arith.index_cast %get3A_1267 : i32 to index
    %get3A_1269 = arith.constant 32 : index
    %get3A_1270 = tpu.vector_load %arg6[%get3A_1268, %get3A_1269] {strides = array<i32>} : memref<13x128xi32, #tpu.memory_space<vmem>>, vector<16xi32>,
    %ne3A_1271 = arith.constant 0 : i32
    %ne3A_1272 = vector.broadcast %ne3A_1271 : i32 to vector<16xi32>
    %ne3A_1273 = arith.cmpi ne, %get3A_1270, %ne3A_1272 : vector<16xi32>
    %select_n3A_1274 = arith.select %ne3A_1273, %broadcast_in_dim3A_459, %broadcast_in_dim3A_197 : vector<16xi1>, vector<16xf32>
    %add3A_1275 = arith.addf %add3A_1257, %select_n3A_1274 : vector<16xf32>
    %get3A_1276 = arith.constant 11 : i32
    %get3A_1277 = arith.index_cast %get3A_1276 : i32 to index
    %get3A_1278 = arith.constant 48 : index
    %get3A_1279 = tpu.vector_load %arg6[%get3A_1277, %get3A_1278] {strides = array<i32>} : memref<13x128xi32, #tpu.memory_space<vmem>>, vector<16xi32>,
    %ne3A_1280 = arith.constant 0 : i32
    %ne3A_1281 = vector.broadcast %ne3A_1280 : i32 to vector<16xi32>
    %ne3A_1282 = arith.cmpi ne, %get3A_1279, %ne3A_1281 : vector<16xi32>
    %select_n3A_1283 = arith.select %ne3A_1282, %broadcast_in_dim3A_459, %broadcast_in_dim3A_197 : vector<16xi1>, vector<16xf32>
    %add3A_1284 = arith.addf %add3A_1266, %select_n3A_1283 : vector<16xf32>
    %get3A_1285 = arith.constant 11 : i32
    %get3A_1286 = arith.index_cast %get3A_1285 : i32 to index
    %get3A_1287 = arith.constant 64 : index
    %get3A_1288 = tpu.vector_load %arg6[%get3A_1286, %get3A_1287] {strides = array<i32>} : memref<13x128xi32, #tpu.memory_space<vmem>>, vector<16xi32>,
    %ne3A_1289 = arith.constant 0 : i32
    %ne3A_1290 = vector.broadcast %ne3A_1289 : i32 to vector<16xi32>
    %ne3A_1291 = arith.cmpi ne, %get3A_1288, %ne3A_1290 : vector<16xi32>
    %select_n3A_1292 = arith.select %ne3A_1291, %broadcast_in_dim3A_459, %broadcast_in_dim3A_197 : vector<16xi1>, vector<16xf32>
    %add3A_1293 = arith.addf %add3A_1275, %select_n3A_1292 : vector<16xf32>
    %get3A_1294 = arith.constant 11 : i32
    %get3A_1295 = arith.index_cast %get3A_1294 : i32 to index
    %get3A_1296 = arith.constant 80 : index
    %get3A_1297 = tpu.vector_load %arg6[%get3A_1295, %get3A_1296] {strides = array<i32>} : memref<13x128xi32, #tpu.memory_space<vmem>>, vector<16xi32>,
    %ne3A_1298 = arith.constant 0 : i32
    %ne3A_1299 = vector.broadcast %ne3A_1298 : i32 to vector<16xi32>
    %ne3A_1300 = arith.cmpi ne, %get3A_1297, %ne3A_1299 : vector<16xi32>
    %select_n3A_1301 = arith.select %ne3A_1300, %broadcast_in_dim3A_459, %broadcast_in_dim3A_197 : vector<16xi1>, vector<16xf32>
    %add3A_1302 = arith.addf %add3A_1284, %select_n3A_1301 : vector<16xf32>
    %get3A_1303 = arith.constant 11 : i32
    %get3A_1304 = arith.index_cast %get3A_1303 : i32 to index
    %get3A_1305 = arith.constant 96 : index
    %get3A_1306 = tpu.vector_load %arg6[%get3A_1304, %get3A_1305] {strides = array<i32>} : memref<13x128xi32, #tpu.memory_space<vmem>>, vector<16xi32>,
    %ne3A_1307 = arith.constant 0 : i32
    %ne3A_1308 = vector.broadcast %ne3A_1307 : i32 to vector<16xi32>
    %ne3A_1309 = arith.cmpi ne, %get3A_1306, %ne3A_1308 : vector<16xi32>
    %select_n3A_1310 = arith.select %ne3A_1309, %broadcast_in_dim3A_459, %broadcast_in_dim3A_197 : vector<16xi1>, vector<16xf32>
    %add3A_1311 = arith.addf %add3A_1293, %select_n3A_1310 : vector<16xf32>
    %get3A_1312 = arith.constant 11 : i32
    %get3A_1313 = arith.index_cast %get3A_1312 : i32 to index
    %get3A_1314 = arith.constant 112 : index
    %get3A_1315 = tpu.vector_load %arg6[%get3A_1313, %get3A_1314] {strides = array<i32>} : memref<13x128xi32, #tpu.memory_space<vmem>>, vector<16xi32>,
    %ne3A_1316 = arith.constant 0 : i32
    %ne3A_1317 = vector.broadcast %ne3A_1316 : i32 to vector<16xi32>
    %ne3A_1318 = arith.cmpi ne, %get3A_1315, %ne3A_1317 : vector<16xi32>
    %select_n3A_1319 = arith.select %ne3A_1318, %broadcast_in_dim3A_459, %broadcast_in_dim3A_197 : vector<16xi1>, vector<16xf32>
    %add3A_1320 = arith.addf %add3A_1302, %select_n3A_1319 : vector<16xf32>
    %get3A_1321 = arith.constant 12 : i32
    %get3A_1322 = arith.index_cast %get3A_1321 : i32 to index
    %get3A_1323 = arith.constant 0 : index
    %get3A_1324 = tpu.vector_load %arg6[%get3A_1322, %get3A_1323] {strides = array<i32>} : memref<13x128xi32, #tpu.memory_space<vmem>>, vector<16xi32>,
    %ne3A_1325 = arith.constant 0 : i32
    %ne3A_1326 = vector.broadcast %ne3A_1325 : i32 to vector<16xi32>
    %ne3A_1327 = arith.cmpi ne, %get3A_1324, %ne3A_1326 : vector<16xi32>
    %select_n3A_1328 = arith.select %ne3A_1327, %broadcast_in_dim3A_459, %broadcast_in_dim3A_197 : vector<16xi1>, vector<16xf32>
    %add3A_1329 = arith.addf %add3A_1311, %select_n3A_1328 : vector<16xf32>
    %get3A_1330 = arith.constant 12 : i32
    %get3A_1331 = arith.index_cast %get3A_1330 : i32 to index
    %get3A_1332 = arith.constant 16 : index
    %get3A_1333 = tpu.vector_load %arg6[%get3A_1331, %get3A_1332] {strides = array<i32>} : memref<13x128xi32, #tpu.memory_space<vmem>>, vector<16xi32>,
    %ne3A_1334 = arith.constant 0 : i32
    %ne3A_1335 = vector.broadcast %ne3A_1334 : i32 to vector<16xi32>
    %ne3A_1336 = arith.cmpi ne, %get3A_1333, %ne3A_1335 : vector<16xi32>
    %select_n3A_1337 = arith.select %ne3A_1336, %broadcast_in_dim3A_459, %broadcast_in_dim3A_197 : vector<16xi1>, vector<16xf32>
    %add3A_1338 = arith.addf %add3A_1320, %select_n3A_1337 : vector<16xf32>
    %get3A_1339 = arith.constant 12 : i32
    %get3A_1340 = arith.index_cast %get3A_1339 : i32 to index
    %get3A_1341 = arith.constant 32 : index
    %get3A_1342 = tpu.vector_load %arg6[%get3A_1340, %get3A_1341] {strides = array<i32>} : memref<13x128xi32, #tpu.memory_space<vmem>>, vector<16xi32>,
    %ne3A_1343 = arith.constant 0 : i32
    %ne3A_1344 = vector.broadcast %ne3A_1343 : i32 to vector<16xi32>
    %ne3A_1345 = arith.cmpi ne, %get3A_1342, %ne3A_1344 : vector<16xi32>
    %select_n3A_1346 = arith.select %ne3A_1345, %broadcast_in_dim3A_459, %broadcast_in_dim3A_197 : vector<16xi1>, vector<16xf32>
    %add3A_1347 = arith.addf %add3A_1329, %select_n3A_1346 : vector<16xf32>
    %get3A_1348 = arith.constant 12 : i32
    %get3A_1349 = arith.index_cast %get3A_1348 : i32 to index
    %get3A_1350 = arith.constant 48 : index
    %get3A_1351 = tpu.vector_load %arg6[%get3A_1349, %get3A_1350] {strides = array<i32>} : memref<13x128xi32, #tpu.memory_space<vmem>>, vector<16xi32>,
    %ne3A_1352 = arith.constant 0 : i32
    %ne3A_1353 = vector.broadcast %ne3A_1352 : i32 to vector<16xi32>
    %ne3A_1354 = arith.cmpi ne, %get3A_1351, %ne3A_1353 : vector<16xi32>
    %select_n3A_1355 = arith.select %ne3A_1354, %broadcast_in_dim3A_459, %broadcast_in_dim3A_197 : vector<16xi1>, vector<16xf32>
    %add3A_1356 = arith.addf %add3A_1338, %select_n3A_1355 : vector<16xf32>
    %get3A_1357 = arith.constant 12 : i32
    %get3A_1358 = arith.index_cast %get3A_1357 : i32 to index
    %get3A_1359 = arith.constant 64 : index
    %get3A_1360 = tpu.vector_load %arg6[%get3A_1358, %get3A_1359] {strides = array<i32>} : memref<13x128xi32, #tpu.memory_space<vmem>>, vector<16xi32>,
    %ne3A_1361 = arith.constant 0 : i32
    %ne3A_1362 = vector.broadcast %ne3A_1361 : i32 to vector<16xi32>
    %ne3A_1363 = arith.cmpi ne, %get3A_1360, %ne3A_1362 : vector<16xi32>
    %select_n3A_1364 = arith.select %ne3A_1363, %broadcast_in_dim3A_459, %broadcast_in_dim3A_197 : vector<16xi1>, vector<16xf32>
    %add3A_1365 = arith.addf %add3A_1347, %select_n3A_1364 : vector<16xf32>
    %get3A_1366 = arith.constant 12 : i32
    %get3A_1367 = arith.index_cast %get3A_1366 : i32 to index
    %get3A_1368 = arith.constant 80 : index
    %get3A_1369 = tpu.vector_load %arg6[%get3A_1367, %get3A_1368] {strides = array<i32>} : memref<13x128xi32, #tpu.memory_space<vmem>>, vector<16xi32>,
    %ne3A_1370 = arith.constant 0 : i32
    %ne3A_1371 = vector.broadcast %ne3A_1370 : i32 to vector<16xi32>
    %ne3A_1372 = arith.cmpi ne, %get3A_1369, %ne3A_1371 : vector<16xi32>
    %select_n3A_1373 = arith.select %ne3A_1372, %broadcast_in_dim3A_459, %broadcast_in_dim3A_197 : vector<16xi1>, vector<16xf32>
    %add3A_1374 = arith.addf %add3A_1356, %select_n3A_1373 : vector<16xf32>
    %get3A_1375 = arith.constant 12 : i32
    %get3A_1376 = arith.index_cast %get3A_1375 : i32 to index
    %get3A_1377 = arith.constant 96 : index
    %get3A_1378 = tpu.vector_load %arg6[%get3A_1376, %get3A_1377] {strides = array<i32>} : memref<13x128xi32, #tpu.memory_space<vmem>>, vector<16xi32>,
    %ne3A_1379 = arith.constant 0 : i32
    %ne3A_1380 = vector.broadcast %ne3A_1379 : i32 to vector<16xi32>
    %ne3A_1381 = arith.cmpi ne, %get3A_1378, %ne3A_1380 : vector<16xi32>
    %select_n3A_1382 = arith.select %ne3A_1381, %broadcast_in_dim3A_459, %broadcast_in_dim3A_197 : vector<16xi1>, vector<16xf32>
    %add3A_1383 = arith.addf %add3A_1365, %select_n3A_1382 : vector<16xf32>
    %get3A_1384 = arith.constant 12 : i32
    %get3A_1385 = arith.index_cast %get3A_1384 : i32 to index
    %get3A_1386 = arith.constant 112 : index
    %get3A_1387 = tpu.vector_load %arg6[%get3A_1385, %get3A_1386] {strides = array<i32>} : memref<13x128xi32, #tpu.memory_space<vmem>>, vector<16xi32>,
    %ne3A_1388 = arith.constant 0 : i32
    %ne3A_1389 = vector.broadcast %ne3A_1388 : i32 to vector<16xi32>
    %ne3A_1390 = arith.cmpi ne, %get3A_1387, %ne3A_1389 : vector<16xi32>
    %select_n3A_1391 = arith.select %ne3A_1390, %broadcast_in_dim3A_459, %broadcast_in_dim3A_197 : vector<16xi1>, vector<16xf32>
    %add3A_1392 = arith.addf %add3A_1374, %select_n3A_1391 : vector<16xf32>
    %swap3A_1393 = arith.constant 0 : index
    %swap3A_1394 = tpu.vector_load %arg11[%swap3A_1393] {strides = array<i32>} : memref<32xf32, #tpu.memory_space<vmem>>, vector<16xf32>,
    tpu.vector_store %arg11[%swap3A_1393], %add3A_1383 {strides = array<i32>} : memref<32xf32, #tpu.memory_space<vmem>>, vector<16xf32>,
    %swap3A_1395 = arith.constant 16 : index
    %swap3A_1396 = tpu.vector_load %arg11[%swap3A_1395] {strides = array<i32>} : memref<32xf32, #tpu.memory_space<vmem>>, vector<16xf32>,
    tpu.vector_store %arg11[%swap3A_1395], %add3A_1392 {strides = array<i32>} : memref<32xf32, #tpu.memory_space<vmem>>, vector<16xf32>,
    %dma_wait3A = arith.constant 0 : i32
    %dma_wait3A_1397 = arith.constant 0 : i32
    %dma_wait3A_1398 = arith.constant 0 : i32
    %dma_wait3A_1399 = tpu.memref_slice %arg8[%dma_wait3A_1397, %dma_wait3A_1398] : memref<1664x32xf32, #tpu.memory_space<vmem>> -> memref<128x32xf32, #tpu.memory_space<vmem>>
    %dma_wait3A_1400 = arith.constant 0 : i32
    %dma_wait3A_1401 = tpu.memref_slice %arg6[%dma_wait3A, %dma_wait3A_1400] : memref<13x128xi32, #tpu.memory_space<vmem>> -> memref<1x128xi32, #tpu.memory_space<vmem>>
    %dma_wait3A_1402 = tpu.memref_squeeze %dma_wait3A_1401 : memref<1x128xi32, #tpu.memory_space<vmem>> -> memref<128xi32, #tpu.memory_space<vmem>>
    %dma_wait3A_1403 = arith.constant 0 : i32
    %dma_wait3A_1404 = arith.constant 0 : i32
    %dma_wait3A_1405 = tpu.memref_slice %arg3[%dma_wait3A_1403, %dma_wait3A_1404] : memref<100001x32xf32, #tpu.memory_space<hbm>> -> memref<100001x32xf32, #tpu.memory_space<hbm>>
    tpu.wait_indirect_dma semaphore(%arg12 : memref<!tpu.dma_semaphore, #tpu.memory_space<semaphore_mem>>) src(%dma_wait3A_1405 : memref<100001x32xf32, #tpu.memory_space<hbm>>) dst(%dma_wait3A_1399 : memref<128x32xf32, #tpu.memory_space<vmem>>)
    %dma_wait3A_1406 = arith.constant 1 : i32
    %dma_wait3A_1407 = arith.constant 128 : i32
    %dma_wait3A_1408 = arith.constant 0 : i32
    %dma_wait3A_1409 = tpu.memref_slice %arg8[%dma_wait3A_1407, %dma_wait3A_1408] : memref<1664x32xf32, #tpu.memory_space<vmem>> -> memref<128x32xf32, #tpu.memory_space<vmem>>
    %dma_wait3A_1410 = arith.constant 0 : i32
    %dma_wait3A_1411 = tpu.memref_slice %arg6[%dma_wait3A_1406, %dma_wait3A_1410] : memref<13x128xi32, #tpu.memory_space<vmem>> -> memref<1x128xi32, #tpu.memory_space<vmem>>
    %dma_wait3A_1412 = tpu.memref_squeeze %dma_wait3A_1411 : memref<1x128xi32, #tpu.memory_space<vmem>> -> memref<128xi32, #tpu.memory_space<vmem>>
    %dma_wait3A_1413 = arith.constant 0 : i32
    %dma_wait3A_1414 = arith.constant 0 : i32
    %dma_wait3A_1415 = tpu.memref_slice %arg3[%dma_wait3A_1413, %dma_wait3A_1414] : memref<100001x32xf32, #tpu.memory_space<hbm>> -> memref<100001x32xf32, #tpu.memory_space<hbm>>
    tpu.wait_indirect_dma semaphore(%arg12 : memref<!tpu.dma_semaphore, #tpu.memory_space<semaphore_mem>>) src(%dma_wait3A_1415 : memref<100001x32xf32, #tpu.memory_space<hbm>>) dst(%dma_wait3A_1409 : memref<128x32xf32, #tpu.memory_space<vmem>>)
    %dma_wait3A_1416 = arith.constant 2 : i32
    %dma_wait3A_1417 = arith.constant 256 : i32
    %dma_wait3A_1418 = arith.constant 0 : i32
    %dma_wait3A_1419 = tpu.memref_slice %arg8[%dma_wait3A_1417, %dma_wait3A_1418] : memref<1664x32xf32, #tpu.memory_space<vmem>> -> memref<128x32xf32, #tpu.memory_space<vmem>>
    %dma_wait3A_1420 = arith.constant 0 : i32
    %dma_wait3A_1421 = tpu.memref_slice %arg6[%dma_wait3A_1416, %dma_wait3A_1420] : memref<13x128xi32, #tpu.memory_space<vmem>> -> memref<1x128xi32, #tpu.memory_space<vmem>>
    %dma_wait3A_1422 = tpu.memref_squeeze %dma_wait3A_1421 : memref<1x128xi32, #tpu.memory_space<vmem>> -> memref<128xi32, #tpu.memory_space<vmem>>
    %dma_wait3A_1423 = arith.constant 0 : i32
    %dma_wait3A_1424 = arith.constant 0 : i32
    %dma_wait3A_1425 = tpu.memref_slice %arg3[%dma_wait3A_1423, %dma_wait3A_1424] : memref<100001x32xf32, #tpu.memory_space<hbm>> -> memref<100001x32xf32, #tpu.memory_space<hbm>>
    tpu.wait_indirect_dma semaphore(%arg12 : memref<!tpu.dma_semaphore, #tpu.memory_space<semaphore_mem>>) src(%dma_wait3A_1425 : memref<100001x32xf32, #tpu.memory_space<hbm>>) dst(%dma_wait3A_1419 : memref<128x32xf32, #tpu.memory_space<vmem>>)
    %dma_wait3A_1426 = arith.constant 3 : i32
    %dma_wait3A_1427 = arith.constant 384 : i32
    %dma_wait3A_1428 = arith.constant 0 : i32
    %dma_wait3A_1429 = tpu.memref_slice %arg8[%dma_wait3A_1427, %dma_wait3A_1428] : memref<1664x32xf32, #tpu.memory_space<vmem>> -> memref<128x32xf32, #tpu.memory_space<vmem>>
    %dma_wait3A_1430 = arith.constant 0 : i32
    %dma_wait3A_1431 = tpu.memref_slice %arg6[%dma_wait3A_1426, %dma_wait3A_1430] : memref<13x128xi32, #tpu.memory_space<vmem>> -> memref<1x128xi32, #tpu.memory_space<vmem>>
    %dma_wait3A_1432 = tpu.memref_squeeze %dma_wait3A_1431 : memref<1x128xi32, #tpu.memory_space<vmem>> -> memref<128xi32, #tpu.memory_space<vmem>>
    %dma_wait3A_1433 = arith.constant 0 : i32
    %dma_wait3A_1434 = arith.constant 0 : i32
    %dma_wait3A_1435 = tpu.memref_slice %arg3[%dma_wait3A_1433, %dma_wait3A_1434] : memref<100001x32xf32, #tpu.memory_space<hbm>> -> memref<100001x32xf32, #tpu.memory_space<hbm>>
    tpu.wait_indirect_dma semaphore(%arg12 : memref<!tpu.dma_semaphore, #tpu.memory_space<semaphore_mem>>) src(%dma_wait3A_1435 : memref<100001x32xf32, #tpu.memory_space<hbm>>) dst(%dma_wait3A_1429 : memref<128x32xf32, #tpu.memory_space<vmem>>)
    %dma_wait3A_1436 = arith.constant 4 : i32
    %dma_wait3A_1437 = arith.constant 512 : i32
    %dma_wait3A_1438 = arith.constant 0 : i32
    %dma_wait3A_1439 = tpu.memref_slice %arg8[%dma_wait3A_1437, %dma_wait3A_1438] : memref<1664x32xf32, #tpu.memory_space<vmem>> -> memref<128x32xf32, #tpu.memory_space<vmem>>
    %dma_wait3A_1440 = arith.constant 0 : i32
    %dma_wait3A_1441 = tpu.memref_slice %arg6[%dma_wait3A_1436, %dma_wait3A_1440] : memref<13x128xi32, #tpu.memory_space<vmem>> -> memref<1x128xi32, #tpu.memory_space<vmem>>
    %dma_wait3A_1442 = tpu.memref_squeeze %dma_wait3A_1441 : memref<1x128xi32, #tpu.memory_space<vmem>> -> memref<128xi32, #tpu.memory_space<vmem>>
    %dma_wait3A_1443 = arith.constant 0 : i32
    %dma_wait3A_1444 = arith.constant 0 : i32
    %dma_wait3A_1445 = tpu.memref_slice %arg3[%dma_wait3A_1443, %dma_wait3A_1444] : memref<100001x32xf32, #tpu.memory_space<hbm>> -> memref<100001x32xf32, #tpu.memory_space<hbm>>
    tpu.wait_indirect_dma semaphore(%arg12 : memref<!tpu.dma_semaphore, #tpu.memory_space<semaphore_mem>>) src(%dma_wait3A_1445 : memref<100001x32xf32, #tpu.memory_space<hbm>>) dst(%dma_wait3A_1439 : memref<128x32xf32, #tpu.memory_space<vmem>>)
    %dma_wait3A_1446 = arith.constant 5 : i32
    %dma_wait3A_1447 = arith.constant 640 : i32
    %dma_wait3A_1448 = arith.constant 0 : i32
    %dma_wait3A_1449 = tpu.memref_slice %arg8[%dma_wait3A_1447, %dma_wait3A_1448] : memref<1664x32xf32, #tpu.memory_space<vmem>> -> memref<128x32xf32, #tpu.memory_space<vmem>>
    %dma_wait3A_1450 = arith.constant 0 : i32
    %dma_wait3A_1451 = tpu.memref_slice %arg6[%dma_wait3A_1446, %dma_wait3A_1450] : memref<13x128xi32, #tpu.memory_space<vmem>> -> memref<1x128xi32, #tpu.memory_space<vmem>>
    %dma_wait3A_1452 = tpu.memref_squeeze %dma_wait3A_1451 : memref<1x128xi32, #tpu.memory_space<vmem>> -> memref<128xi32, #tpu.memory_space<vmem>>
    %dma_wait3A_1453 = arith.constant 0 : i32
    %dma_wait3A_1454 = arith.constant 0 : i32
    %dma_wait3A_1455 = tpu.memref_slice %arg3[%dma_wait3A_1453, %dma_wait3A_1454] : memref<100001x32xf32, #tpu.memory_space<hbm>> -> memref<100001x32xf32, #tpu.memory_space<hbm>>
    tpu.wait_indirect_dma semaphore(%arg12 : memref<!tpu.dma_semaphore, #tpu.memory_space<semaphore_mem>>) src(%dma_wait3A_1455 : memref<100001x32xf32, #tpu.memory_space<hbm>>) dst(%dma_wait3A_1449 : memref<128x32xf32, #tpu.memory_space<vmem>>)
    %dma_wait3A_1456 = arith.constant 6 : i32
    %dma_wait3A_1457 = arith.constant 768 : i32
    %dma_wait3A_1458 = arith.constant 0 : i32
    %dma_wait3A_1459 = tpu.memref_slice %arg8[%dma_wait3A_1457, %dma_wait3A_1458] : memref<1664x32xf32, #tpu.memory_space<vmem>> -> memref<128x32xf32, #tpu.memory_space<vmem>>
    %dma_wait3A_1460 = arith.constant 0 : i32
    %dma_wait3A_1461 = tpu.memref_slice %arg6[%dma_wait3A_1456, %dma_wait3A_1460] : memref<13x128xi32, #tpu.memory_space<vmem>> -> memref<1x128xi32, #tpu.memory_space<vmem>>
    %dma_wait3A_1462 = tpu.memref_squeeze %dma_wait3A_1461 : memref<1x128xi32, #tpu.memory_space<vmem>> -> memref<128xi32, #tpu.memory_space<vmem>>
    %dma_wait3A_1463 = arith.constant 0 : i32
    %dma_wait3A_1464 = arith.constant 0 : i32
    %dma_wait3A_1465 = tpu.memref_slice %arg3[%dma_wait3A_1463, %dma_wait3A_1464] : memref<100001x32xf32, #tpu.memory_space<hbm>> -> memref<100001x32xf32, #tpu.memory_space<hbm>>
    tpu.wait_indirect_dma semaphore(%arg12 : memref<!tpu.dma_semaphore, #tpu.memory_space<semaphore_mem>>) src(%dma_wait3A_1465 : memref<100001x32xf32, #tpu.memory_space<hbm>>) dst(%dma_wait3A_1459 : memref<128x32xf32, #tpu.memory_space<vmem>>)
    %dma_wait3A_1466 = arith.constant 7 : i32
    %dma_wait3A_1467 = arith.constant 896 : i32
    %dma_wait3A_1468 = arith.constant 0 : i32
    %dma_wait3A_1469 = tpu.memref_slice %arg8[%dma_wait3A_1467, %dma_wait3A_1468] : memref<1664x32xf32, #tpu.memory_space<vmem>> -> memref<128x32xf32, #tpu.memory_space<vmem>>
    %dma_wait3A_1470 = arith.constant 0 : i32
    %dma_wait3A_1471 = tpu.memref_slice %arg6[%dma_wait3A_1466, %dma_wait3A_1470] : memref<13x128xi32, #tpu.memory_space<vmem>> -> memref<1x128xi32, #tpu.memory_space<vmem>>
    %dma_wait3A_1472 = tpu.memref_squeeze %dma_wait3A_1471 : memref<1x128xi32, #tpu.memory_space<vmem>> -> memref<128xi32, #tpu.memory_space<vmem>>
    %dma_wait3A_1473 = arith.constant 0 : i32
    %dma_wait3A_1474 = arith.constant 0 : i32
    %dma_wait3A_1475 = tpu.memref_slice %arg3[%dma_wait3A_1473, %dma_wait3A_1474] : memref<100001x32xf32, #tpu.memory_space<hbm>> -> memref<100001x32xf32, #tpu.memory_space<hbm>>
    tpu.wait_indirect_dma semaphore(%arg12 : memref<!tpu.dma_semaphore, #tpu.memory_space<semaphore_mem>>) src(%dma_wait3A_1475 : memref<100001x32xf32, #tpu.memory_space<hbm>>) dst(%dma_wait3A_1469 : memref<128x32xf32, #tpu.memory_space<vmem>>)
    %dma_wait3A_1476 = arith.constant 8 : i32
    %dma_wait3A_1477 = arith.constant 1024 : i32
    %dma_wait3A_1478 = arith.constant 0 : i32
    %dma_wait3A_1479 = tpu.memref_slice %arg8[%dma_wait3A_1477, %dma_wait3A_1478] : memref<1664x32xf32, #tpu.memory_space<vmem>> -> memref<128x32xf32, #tpu.memory_space<vmem>>
    %dma_wait3A_1480 = arith.constant 0 : i32
    %dma_wait3A_1481 = tpu.memref_slice %arg6[%dma_wait3A_1476, %dma_wait3A_1480] : memref<13x128xi32, #tpu.memory_space<vmem>> -> memref<1x128xi32, #tpu.memory_space<vmem>>
    %dma_wait3A_1482 = tpu.memref_squeeze %dma_wait3A_1481 : memref<1x128xi32, #tpu.memory_space<vmem>> -> memref<128xi32, #tpu.memory_space<vmem>>
    %dma_wait3A_1483 = arith.constant 0 : i32
    %dma_wait3A_1484 = arith.constant 0 : i32
    %dma_wait3A_1485 = tpu.memref_slice %arg3[%dma_wait3A_1483, %dma_wait3A_1484] : memref<100001x32xf32, #tpu.memory_space<hbm>> -> memref<100001x32xf32, #tpu.memory_space<hbm>>
    tpu.wait_indirect_dma semaphore(%arg12 : memref<!tpu.dma_semaphore, #tpu.memory_space<semaphore_mem>>) src(%dma_wait3A_1485 : memref<100001x32xf32, #tpu.memory_space<hbm>>) dst(%dma_wait3A_1479 : memref<128x32xf32, #tpu.memory_space<vmem>>)
    %dma_wait3A_1486 = arith.constant 9 : i32
    %dma_wait3A_1487 = arith.constant 1152 : i32
    %dma_wait3A_1488 = arith.constant 0 : i32
    %dma_wait3A_1489 = tpu.memref_slice %arg8[%dma_wait3A_1487, %dma_wait3A_1488] : memref<1664x32xf32, #tpu.memory_space<vmem>> -> memref<128x32xf32, #tpu.memory_space<vmem>>
    %dma_wait3A_1490 = arith.constant 0 : i32
    %dma_wait3A_1491 = tpu.memref_slice %arg6[%dma_wait3A_1486, %dma_wait3A_1490] : memref<13x128xi32, #tpu.memory_space<vmem>> -> memref<1x128xi32, #tpu.memory_space<vmem>>
    %dma_wait3A_1492 = tpu.memref_squeeze %dma_wait3A_1491 : memref<1x128xi32, #tpu.memory_space<vmem>> -> memref<128xi32, #tpu.memory_space<vmem>>
    %dma_wait3A_1493 = arith.constant 0 : i32
    %dma_wait3A_1494 = arith.constant 0 : i32
    %dma_wait3A_1495 = tpu.memref_slice %arg3[%dma_wait3A_1493, %dma_wait3A_1494] : memref<100001x32xf32, #tpu.memory_space<hbm>> -> memref<100001x32xf32, #tpu.memory_space<hbm>>
    tpu.wait_indirect_dma semaphore(%arg12 : memref<!tpu.dma_semaphore, #tpu.memory_space<semaphore_mem>>) src(%dma_wait3A_1495 : memref<100001x32xf32, #tpu.memory_space<hbm>>) dst(%dma_wait3A_1489 : memref<128x32xf32, #tpu.memory_space<vmem>>)
    %dma_wait3A_1496 = arith.constant 10 : i32
    %dma_wait3A_1497 = arith.constant 1280 : i32
    %dma_wait3A_1498 = arith.constant 0 : i32
    %dma_wait3A_1499 = tpu.memref_slice %arg8[%dma_wait3A_1497, %dma_wait3A_1498] : memref<1664x32xf32, #tpu.memory_space<vmem>> -> memref<128x32xf32, #tpu.memory_space<vmem>>
    %dma_wait3A_1500 = arith.constant 0 : i32
    %dma_wait3A_1501 = tpu.memref_slice %arg6[%dma_wait3A_1496, %dma_wait3A_1500] : memref<13x128xi32, #tpu.memory_space<vmem>> -> memref<1x128xi32, #tpu.memory_space<vmem>>
    %dma_wait3A_1502 = tpu.memref_squeeze %dma_wait3A_1501 : memref<1x128xi32, #tpu.memory_space<vmem>> -> memref<128xi32, #tpu.memory_space<vmem>>
    %dma_wait3A_1503 = arith.constant 0 : i32
    %dma_wait3A_1504 = arith.constant 0 : i32
    %dma_wait3A_1505 = tpu.memref_slice %arg3[%dma_wait3A_1503, %dma_wait3A_1504] : memref<100001x32xf32, #tpu.memory_space<hbm>> -> memref<100001x32xf32, #tpu.memory_space<hbm>>
    tpu.wait_indirect_dma semaphore(%arg12 : memref<!tpu.dma_semaphore, #tpu.memory_space<semaphore_mem>>) src(%dma_wait3A_1505 : memref<100001x32xf32, #tpu.memory_space<hbm>>) dst(%dma_wait3A_1499 : memref<128x32xf32, #tpu.memory_space<vmem>>)
    %dma_wait3A_1506 = arith.constant 11 : i32
    %dma_wait3A_1507 = arith.constant 1408 : i32
    %dma_wait3A_1508 = arith.constant 0 : i32
    %dma_wait3A_1509 = tpu.memref_slice %arg8[%dma_wait3A_1507, %dma_wait3A_1508] : memref<1664x32xf32, #tpu.memory_space<vmem>> -> memref<128x32xf32, #tpu.memory_space<vmem>>
    %dma_wait3A_1510 = arith.constant 0 : i32
    %dma_wait3A_1511 = tpu.memref_slice %arg6[%dma_wait3A_1506, %dma_wait3A_1510] : memref<13x128xi32, #tpu.memory_space<vmem>> -> memref<1x128xi32, #tpu.memory_space<vmem>>
    %dma_wait3A_1512 = tpu.memref_squeeze %dma_wait3A_1511 : memref<1x128xi32, #tpu.memory_space<vmem>> -> memref<128xi32, #tpu.memory_space<vmem>>
    %dma_wait3A_1513 = arith.constant 0 : i32
    %dma_wait3A_1514 = arith.constant 0 : i32
    %dma_wait3A_1515 = tpu.memref_slice %arg3[%dma_wait3A_1513, %dma_wait3A_1514] : memref<100001x32xf32, #tpu.memory_space<hbm>> -> memref<100001x32xf32, #tpu.memory_space<hbm>>
    tpu.wait_indirect_dma semaphore(%arg12 : memref<!tpu.dma_semaphore, #tpu.memory_space<semaphore_mem>>) src(%dma_wait3A_1515 : memref<100001x32xf32, #tpu.memory_space<hbm>>) dst(%dma_wait3A_1509 : memref<128x32xf32, #tpu.memory_space<vmem>>)
    %dma_wait3A_1516 = arith.constant 12 : i32
    %dma_wait3A_1517 = arith.constant 1536 : i32
    %dma_wait3A_1518 = arith.constant 0 : i32
    %dma_wait3A_1519 = tpu.memref_slice %arg8[%dma_wait3A_1517, %dma_wait3A_1518] : memref<1664x32xf32, #tpu.memory_space<vmem>> -> memref<128x32xf32, #tpu.memory_space<vmem>>
    %dma_wait3A_1520 = arith.constant 0 : i32
    %dma_wait3A_1521 = tpu.memref_slice %arg6[%dma_wait3A_1516, %dma_wait3A_1520] : memref<13x128xi32, #tpu.memory_space<vmem>> -> memref<1x128xi32, #tpu.memory_space<vmem>>
    %dma_wait3A_1522 = tpu.memref_squeeze %dma_wait3A_1521 : memref<1x128xi32, #tpu.memory_space<vmem>> -> memref<128xi32, #tpu.memory_space<vmem>>
    %dma_wait3A_1523 = arith.constant 0 : i32
    %dma_wait3A_1524 = arith.constant 0 : i32
    %dma_wait3A_1525 = tpu.memref_slice %arg3[%dma_wait3A_1523, %dma_wait3A_1524] : memref<100001x32xf32, #tpu.memory_space<hbm>> -> memref<100001x32xf32, #tpu.memory_space<hbm>>
    tpu.wait_indirect_dma semaphore(%arg12 : memref<!tpu.dma_semaphore, #tpu.memory_space<semaphore_mem>>) src(%dma_wait3A_1525 : memref<100001x32xf32, #tpu.memory_space<hbm>>) dst(%dma_wait3A_1519 : memref<128x32xf32, #tpu.memory_space<vmem>>)
    %dma_start3A_1526 = arith.constant 0 : i32
    %dma_start3A_1527 = arith.constant 0 : i32
    %dma_start3A_1528 = arith.constant 0 : i32
    %dma_start3A_1529 = tpu.memref_slice %arg8[%dma_start3A_1527, %dma_start3A_1528] : memref<1664x32xf32, #tpu.memory_space<vmem>> -> memref<128x32xf32, #tpu.memory_space<vmem>>
    %dma_start3A_1530 = arith.constant 0 : i32
    %dma_start3A_1531 = tpu.memref_slice %arg7[%dma_start3A_1526, %dma_start3A_1530] : memref<1x128xi32, #tpu.memory_space<vmem>> -> memref<1x128xi32, #tpu.memory_space<vmem>>
    %dma_start3A_1532 = tpu.memref_squeeze %dma_start3A_1531 : memref<1x128xi32, #tpu.memory_space<vmem>> -> memref<128xi32, #tpu.memory_space<vmem>>
    %dma_start3A_1533 = arith.constant 0 : i32
    %dma_start3A_1534 = arith.constant 0 : i32
    %dma_start3A_1535 = tpu.memref_slice %arg9[%dma_start3A_1533, %dma_start3A_1534] : memref<512x32xf32, #tpu.memory_space<vmem_shared>> -> memref<512x32xf32, #tpu.memory_space<vmem_shared>>
    tpu.enqueue_indirect_dma source(%dma_start3A_1529 : memref<128x32xf32, #tpu.memory_space<vmem>>) target(%dma_start3A_1535 : memref<512x32xf32, #tpu.memory_space<vmem_shared>>) offsets(%dma_start3A_1532 : memref<128xi32, #tpu.memory_space<vmem>>) semaphore(%arg13 : memref<!tpu.dma_semaphore, #tpu.memory_space<semaphore_mem>>) {add = true}
    %dma_start3A_1536 = arith.constant 0 : i32
    %dma_start3A_1537 = arith.constant 128 : i32
    %dma_start3A_1538 = arith.constant 0 : i32
    %dma_start3A_1539 = tpu.memref_slice %arg8[%dma_start3A_1537, %dma_start3A_1538] : memref<1664x32xf32, #tpu.memory_space<vmem>> -> memref<128x32xf32, #tpu.memory_space<vmem>>
    %dma_start3A_1540 = arith.constant 0 : i32
    %dma_start3A_1541 = tpu.memref_slice %arg7[%dma_start3A_1536, %dma_start3A_1540] : memref<1x128xi32, #tpu.memory_space<vmem>> -> memref<1x128xi32, #tpu.memory_space<vmem>>
    %dma_start3A_1542 = tpu.memref_squeeze %dma_start3A_1541 : memref<1x128xi32, #tpu.memory_space<vmem>> -> memref<128xi32, #tpu.memory_space<vmem>>
    %dma_start3A_1543 = arith.constant 0 : i32
    %dma_start3A_1544 = arith.constant 0 : i32
    %dma_start3A_1545 = tpu.memref_slice %arg9[%dma_start3A_1543, %dma_start3A_1544] : memref<512x32xf32, #tpu.memory_space<vmem_shared>> -> memref<512x32xf32, #tpu.memory_space<vmem_shared>>
    tpu.enqueue_indirect_dma source(%dma_start3A_1539 : memref<128x32xf32, #tpu.memory_space<vmem>>) target(%dma_start3A_1545 : memref<512x32xf32, #tpu.memory_space<vmem_shared>>) offsets(%dma_start3A_1542 : memref<128xi32, #tpu.memory_space<vmem>>) semaphore(%arg13 : memref<!tpu.dma_semaphore, #tpu.memory_space<semaphore_mem>>) {add = true}
    %dma_start3A_1546 = arith.constant 0 : i32
    %dma_start3A_1547 = arith.constant 256 : i32
    %dma_start3A_1548 = arith.constant 0 : i32
    %dma_start3A_1549 = tpu.memref_slice %arg8[%dma_start3A_1547, %dma_start3A_1548] : memref<1664x32xf32, #tpu.memory_space<vmem>> -> memref<128x32xf32, #tpu.memory_space<vmem>>
    %dma_start3A_1550 = arith.constant 0 : i32
    %dma_start3A_1551 = tpu.memref_slice %arg7[%dma_start3A_1546, %dma_start3A_1550] : memref<1x128xi32, #tpu.memory_space<vmem>> -> memref<1x128xi32, #tpu.memory_space<vmem>>
    %dma_start3A_1552 = tpu.memref_squeeze %dma_start3A_1551 : memref<1x128xi32, #tpu.memory_space<vmem>> -> memref<128xi32, #tpu.memory_space<vmem>>
    %dma_start3A_1553 = arith.constant 0 : i32
    %dma_start3A_1554 = arith.constant 0 : i32
    %dma_start3A_1555 = tpu.memref_slice %arg9[%dma_start3A_1553, %dma_start3A_1554] : memref<512x32xf32, #tpu.memory_space<vmem_shared>> -> memref<512x32xf32, #tpu.memory_space<vmem_shared>>
    tpu.enqueue_indirect_dma source(%dma_start3A_1549 : memref<128x32xf32, #tpu.memory_space<vmem>>) target(%dma_start3A_1555 : memref<512x32xf32, #tpu.memory_space<vmem_shared>>) offsets(%dma_start3A_1552 : memref<128xi32, #tpu.memory_space<vmem>>) semaphore(%arg13 : memref<!tpu.dma_semaphore, #tpu.memory_space<semaphore_mem>>) {add = true}
    %dma_start3A_1556 = arith.constant 0 : i32
    %dma_start3A_1557 = arith.constant 384 : i32
    %dma_start3A_1558 = arith.constant 0 : i32
    %dma_start3A_1559 = tpu.memref_slice %arg8[%dma_start3A_1557, %dma_start3A_1558] : memref<1664x32xf32, #tpu.memory_space<vmem>> -> memref<128x32xf32, #tpu.memory_space<vmem>>
    %dma_start3A_1560 = arith.constant 0 : i32
    %dma_start3A_1561 = tpu.memref_slice %arg7[%dma_start3A_1556, %dma_start3A_1560] : memref<1x128xi32, #tpu.memory_space<vmem>> -> memref<1x128xi32, #tpu.memory_space<vmem>>
    %dma_start3A_1562 = tpu.memref_squeeze %dma_start3A_1561 : memref<1x128xi32, #tpu.memory_space<vmem>> -> memref<128xi32, #tpu.memory_space<vmem>>
    %dma_start3A_1563 = arith.constant 0 : i32
    %dma_start3A_1564 = arith.constant 0 : i32
    %dma_start3A_1565 = tpu.memref_slice %arg9[%dma_start3A_1563, %dma_start3A_1564] : memref<512x32xf32, #tpu.memory_space<vmem_shared>> -> memref<512x32xf32, #tpu.memory_space<vmem_shared>>
    tpu.enqueue_indirect_dma source(%dma_start3A_1559 : memref<128x32xf32, #tpu.memory_space<vmem>>) target(%dma_start3A_1565 : memref<512x32xf32, #tpu.memory_space<vmem_shared>>) offsets(%dma_start3A_1562 : memref<128xi32, #tpu.memory_space<vmem>>) semaphore(%arg13 : memref<!tpu.dma_semaphore, #tpu.memory_space<semaphore_mem>>) {add = true}
    %dma_start3A_1566 = arith.constant 0 : i32
    %dma_start3A_1567 = arith.constant 512 : i32
    %dma_start3A_1568 = arith.constant 0 : i32
    %dma_start3A_1569 = tpu.memref_slice %arg8[%dma_start3A_1567, %dma_start3A_1568] : memref<1664x32xf32, #tpu.memory_space<vmem>> -> memref<128x32xf32, #tpu.memory_space<vmem>>
    %dma_start3A_1570 = arith.constant 0 : i32
    %dma_start3A_1571 = tpu.memref_slice %arg7[%dma_start3A_1566, %dma_start3A_1570] : memref<1x128xi32, #tpu.memory_space<vmem>> -> memref<1x128xi32, #tpu.memory_space<vmem>>
    %dma_start3A_1572 = tpu.memref_squeeze %dma_start3A_1571 : memref<1x128xi32, #tpu.memory_space<vmem>> -> memref<128xi32, #tpu.memory_space<vmem>>
    %dma_start3A_1573 = arith.constant 0 : i32
    %dma_start3A_1574 = arith.constant 0 : i32
    %dma_start3A_1575 = tpu.memref_slice %arg9[%dma_start3A_1573, %dma_start3A_1574] : memref<512x32xf32, #tpu.memory_space<vmem_shared>> -> memref<512x32xf32, #tpu.memory_space<vmem_shared>>
    tpu.enqueue_indirect_dma source(%dma_start3A_1569 : memref<128x32xf32, #tpu.memory_space<vmem>>) target(%dma_start3A_1575 : memref<512x32xf32, #tpu.memory_space<vmem_shared>>) offsets(%dma_start3A_1572 : memref<128xi32, #tpu.memory_space<vmem>>) semaphore(%arg13 : memref<!tpu.dma_semaphore, #tpu.memory_space<semaphore_mem>>) {add = true}
    %dma_start3A_1576 = arith.constant 0 : i32
    %dma_start3A_1577 = arith.constant 640 : i32
    %dma_start3A_1578 = arith.constant 0 : i32
    %dma_start3A_1579 = tpu.memref_slice %arg8[%dma_start3A_1577, %dma_start3A_1578] : memref<1664x32xf32, #tpu.memory_space<vmem>> -> memref<128x32xf32, #tpu.memory_space<vmem>>
    %dma_start3A_1580 = arith.constant 0 : i32
    %dma_start3A_1581 = tpu.memref_slice %arg7[%dma_start3A_1576, %dma_start3A_1580] : memref<1x128xi32, #tpu.memory_space<vmem>> -> memref<1x128xi32, #tpu.memory_space<vmem>>
    %dma_start3A_1582 = tpu.memref_squeeze %dma_start3A_1581 : memref<1x128xi32, #tpu.memory_space<vmem>> -> memref<128xi32, #tpu.memory_space<vmem>>
    %dma_start3A_1583 = arith.constant 0 : i32
    %dma_start3A_1584 = arith.constant 0 : i32
    %dma_start3A_1585 = tpu.memref_slice %arg9[%dma_start3A_1583, %dma_start3A_1584] : memref<512x32xf32, #tpu.memory_space<vmem_shared>> -> memref<512x32xf32, #tpu.memory_space<vmem_shared>>
    tpu.enqueue_indirect_dma source(%dma_start3A_1579 : memref<128x32xf32, #tpu.memory_space<vmem>>) target(%dma_start3A_1585 : memref<512x32xf32, #tpu.memory_space<vmem_shared>>) offsets(%dma_start3A_1582 : memref<128xi32, #tpu.memory_space<vmem>>) semaphore(%arg13 : memref<!tpu.dma_semaphore, #tpu.memory_space<semaphore_mem>>) {add = true}
    %dma_start3A_1586 = arith.constant 0 : i32
    %dma_start3A_1587 = arith.constant 768 : i32
    %dma_start3A_1588 = arith.constant 0 : i32
    %dma_start3A_1589 = tpu.memref_slice %arg8[%dma_start3A_1587, %dma_start3A_1588] : memref<1664x32xf32, #tpu.memory_space<vmem>> -> memref<128x32xf32, #tpu.memory_space<vmem>>
    %dma_start3A_1590 = arith.constant 0 : i32
    %dma_start3A_1591 = tpu.memref_slice %arg7[%dma_start3A_1586, %dma_start3A_1590] : memref<1x128xi32, #tpu.memory_space<vmem>> -> memref<1x128xi32, #tpu.memory_space<vmem>>
    %dma_start3A_1592 = tpu.memref_squeeze %dma_start3A_1591 : memref<1x128xi32, #tpu.memory_space<vmem>> -> memref<128xi32, #tpu.memory_space<vmem>>
    %dma_start3A_1593 = arith.constant 0 : i32
    %dma_start3A_1594 = arith.constant 0 : i32
    %dma_start3A_1595 = tpu.memref_slice %arg9[%dma_start3A_1593, %dma_start3A_1594] : memref<512x32xf32, #tpu.memory_space<vmem_shared>> -> memref<512x32xf32, #tpu.memory_space<vmem_shared>>
    tpu.enqueue_indirect_dma source(%dma_start3A_1589 : memref<128x32xf32, #tpu.memory_space<vmem>>) target(%dma_start3A_1595 : memref<512x32xf32, #tpu.memory_space<vmem_shared>>) offsets(%dma_start3A_1592 : memref<128xi32, #tpu.memory_space<vmem>>) semaphore(%arg13 : memref<!tpu.dma_semaphore, #tpu.memory_space<semaphore_mem>>) {add = true}
    %dma_start3A_1596 = arith.constant 0 : i32
    %dma_start3A_1597 = arith.constant 896 : i32
    %dma_start3A_1598 = arith.constant 0 : i32
    %dma_start3A_1599 = tpu.memref_slice %arg8[%dma_start3A_1597, %dma_start3A_1598] : memref<1664x32xf32, #tpu.memory_space<vmem>> -> memref<128x32xf32, #tpu.memory_space<vmem>>
    %dma_start3A_1600 = arith.constant 0 : i32
    %dma_start3A_1601 = tpu.memref_slice %arg7[%dma_start3A_1596, %dma_start3A_1600] : memref<1x128xi32, #tpu.memory_space<vmem>> -> memref<1x128xi32, #tpu.memory_space<vmem>>
    %dma_start3A_1602 = tpu.memref_squeeze %dma_start3A_1601 : memref<1x128xi32, #tpu.memory_space<vmem>> -> memref<128xi32, #tpu.memory_space<vmem>>
    %dma_start3A_1603 = arith.constant 0 : i32
    %dma_start3A_1604 = arith.constant 0 : i32
    %dma_start3A_1605 = tpu.memref_slice %arg9[%dma_start3A_1603, %dma_start3A_1604] : memref<512x32xf32, #tpu.memory_space<vmem_shared>> -> memref<512x32xf32, #tpu.memory_space<vmem_shared>>
    tpu.enqueue_indirect_dma source(%dma_start3A_1599 : memref<128x32xf32, #tpu.memory_space<vmem>>) target(%dma_start3A_1605 : memref<512x32xf32, #tpu.memory_space<vmem_shared>>) offsets(%dma_start3A_1602 : memref<128xi32, #tpu.memory_space<vmem>>) semaphore(%arg13 : memref<!tpu.dma_semaphore, #tpu.memory_space<semaphore_mem>>) {add = true}
    %dma_start3A_1606 = arith.constant 0 : i32
    %dma_start3A_1607 = arith.constant 1024 : i32
    %dma_start3A_1608 = arith.constant 0 : i32
    %dma_start3A_1609 = tpu.memref_slice %arg8[%dma_start3A_1607, %dma_start3A_1608] : memref<1664x32xf32, #tpu.memory_space<vmem>> -> memref<128x32xf32, #tpu.memory_space<vmem>>
    %dma_start3A_1610 = arith.constant 0 : i32
    %dma_start3A_1611 = tpu.memref_slice %arg7[%dma_start3A_1606, %dma_start3A_1610] : memref<1x128xi32, #tpu.memory_space<vmem>> -> memref<1x128xi32, #tpu.memory_space<vmem>>
    %dma_start3A_1612 = tpu.memref_squeeze %dma_start3A_1611 : memref<1x128xi32, #tpu.memory_space<vmem>> -> memref<128xi32, #tpu.memory_space<vmem>>
    %dma_start3A_1613 = arith.constant 0 : i32
    %dma_start3A_1614 = arith.constant 0 : i32
    %dma_start3A_1615 = tpu.memref_slice %arg9[%dma_start3A_1613, %dma_start3A_1614] : memref<512x32xf32, #tpu.memory_space<vmem_shared>> -> memref<512x32xf32, #tpu.memory_space<vmem_shared>>
    tpu.enqueue_indirect_dma source(%dma_start3A_1609 : memref<128x32xf32, #tpu.memory_space<vmem>>) target(%dma_start3A_1615 : memref<512x32xf32, #tpu.memory_space<vmem_shared>>) offsets(%dma_start3A_1612 : memref<128xi32, #tpu.memory_space<vmem>>) semaphore(%arg13 : memref<!tpu.dma_semaphore, #tpu.memory_space<semaphore_mem>>) {add = true}
    %dma_start3A_1616 = arith.constant 0 : i32
    %dma_start3A_1617 = arith.constant 1152 : i32
    %dma_start3A_1618 = arith.constant 0 : i32
    %dma_start3A_1619 = tpu.memref_slice %arg8[%dma_start3A_1617, %dma_start3A_1618] : memref<1664x32xf32, #tpu.memory_space<vmem>> -> memref<128x32xf32, #tpu.memory_space<vmem>>
    %dma_start3A_1620 = arith.constant 0 : i32
    %dma_start3A_1621 = tpu.memref_slice %arg7[%dma_start3A_1616, %dma_start3A_1620] : memref<1x128xi32, #tpu.memory_space<vmem>> -> memref<1x128xi32, #tpu.memory_space<vmem>>
    %dma_start3A_1622 = tpu.memref_squeeze %dma_start3A_1621 : memref<1x128xi32, #tpu.memory_space<vmem>> -> memref<128xi32, #tpu.memory_space<vmem>>
    %dma_start3A_1623 = arith.constant 0 : i32
    %dma_start3A_1624 = arith.constant 0 : i32
    %dma_start3A_1625 = tpu.memref_slice %arg9[%dma_start3A_1623, %dma_start3A_1624] : memref<512x32xf32, #tpu.memory_space<vmem_shared>> -> memref<512x32xf32, #tpu.memory_space<vmem_shared>>
    tpu.enqueue_indirect_dma source(%dma_start3A_1619 : memref<128x32xf32, #tpu.memory_space<vmem>>) target(%dma_start3A_1625 : memref<512x32xf32, #tpu.memory_space<vmem_shared>>) offsets(%dma_start3A_1622 : memref<128xi32, #tpu.memory_space<vmem>>) semaphore(%arg13 : memref<!tpu.dma_semaphore, #tpu.memory_space<semaphore_mem>>) {add = true}
    %dma_start3A_1626 = arith.constant 0 : i32
    %dma_start3A_1627 = arith.constant 1280 : i32
    %dma_start3A_1628 = arith.constant 0 : i32
    %dma_start3A_1629 = tpu.memref_slice %arg8[%dma_start3A_1627, %dma_start3A_1628] : memref<1664x32xf32, #tpu.memory_space<vmem>> -> memref<128x32xf32, #tpu.memory_space<vmem>>
    %dma_start3A_1630 = arith.constant 0 : i32
    %dma_start3A_1631 = tpu.memref_slice %arg7[%dma_start3A_1626, %dma_start3A_1630] : memref<1x128xi32, #tpu.memory_space<vmem>> -> memref<1x128xi32, #tpu.memory_space<vmem>>
    %dma_start3A_1632 = tpu.memref_squeeze %dma_start3A_1631 : memref<1x128xi32, #tpu.memory_space<vmem>> -> memref<128xi32, #tpu.memory_space<vmem>>
    %dma_start3A_1633 = arith.constant 0 : i32
    %dma_start3A_1634 = arith.constant 0 : i32
    %dma_start3A_1635 = tpu.memref_slice %arg9[%dma_start3A_1633, %dma_start3A_1634] : memref<512x32xf32, #tpu.memory_space<vmem_shared>> -> memref<512x32xf32, #tpu.memory_space<vmem_shared>>
    tpu.enqueue_indirect_dma source(%dma_start3A_1629 : memref<128x32xf32, #tpu.memory_space<vmem>>) target(%dma_start3A_1635 : memref<512x32xf32, #tpu.memory_space<vmem_shared>>) offsets(%dma_start3A_1632 : memref<128xi32, #tpu.memory_space<vmem>>) semaphore(%arg13 : memref<!tpu.dma_semaphore, #tpu.memory_space<semaphore_mem>>) {add = true}
    %dma_start3A_1636 = arith.constant 0 : i32
    %dma_start3A_1637 = arith.constant 1408 : i32
    %dma_start3A_1638 = arith.constant 0 : i32
    %dma_start3A_1639 = tpu.memref_slice %arg8[%dma_start3A_1637, %dma_start3A_1638] : memref<1664x32xf32, #tpu.memory_space<vmem>> -> memref<128x32xf32, #tpu.memory_space<vmem>>
    %dma_start3A_1640 = arith.constant 0 : i32
    %dma_start3A_1641 = tpu.memref_slice %arg7[%dma_start3A_1636, %dma_start3A_1640] : memref<1x128xi32, #tpu.memory_space<vmem>> -> memref<1x128xi32, #tpu.memory_space<vmem>>
    %dma_start3A_1642 = tpu.memref_squeeze %dma_start3A_1641 : memref<1x128xi32, #tpu.memory_space<vmem>> -> memref<128xi32, #tpu.memory_space<vmem>>
    %dma_start3A_1643 = arith.constant 0 : i32
    %dma_start3A_1644 = arith.constant 0 : i32
    %dma_start3A_1645 = tpu.memref_slice %arg9[%dma_start3A_1643, %dma_start3A_1644] : memref<512x32xf32, #tpu.memory_space<vmem_shared>> -> memref<512x32xf32, #tpu.memory_space<vmem_shared>>
    tpu.enqueue_indirect_dma source(%dma_start3A_1639 : memref<128x32xf32, #tpu.memory_space<vmem>>) target(%dma_start3A_1645 : memref<512x32xf32, #tpu.memory_space<vmem_shared>>) offsets(%dma_start3A_1642 : memref<128xi32, #tpu.memory_space<vmem>>) semaphore(%arg13 : memref<!tpu.dma_semaphore, #tpu.memory_space<semaphore_mem>>) {add = true}
    %dma_start3A_1646 = arith.constant 0 : i32
    %dma_start3A_1647 = arith.constant 1536 : i32
    %dma_start3A_1648 = arith.constant 0 : i32
    %dma_start3A_1649 = tpu.memref_slice %arg8[%dma_start3A_1647, %dma_start3A_1648] : memref<1664x32xf32, #tpu.memory_space<vmem>> -> memref<128x32xf32, #tpu.memory_space<vmem>>
    %dma_start3A_1650 = arith.constant 0 : i32
    %dma_start3A_1651 = tpu.memref_slice %arg7[%dma_start3A_1646, %dma_start3A_1650] : memref<1x128xi32, #tpu.memory_space<vmem>> -> memref<1x128xi32, #tpu.memory_space<vmem>>
    %dma_start3A_1652 = tpu.memref_squeeze %dma_start3A_1651 : memref<1x128xi32, #tpu.memory_space<vmem>> -> memref<128xi32, #tpu.memory_space<vmem>>
    %dma_start3A_1653 = arith.constant 0 : i32
    %dma_start3A_1654 = arith.constant 0 : i32
    %dma_start3A_1655 = tpu.memref_slice %arg9[%dma_start3A_1653, %dma_start3A_1654] : memref<512x32xf32, #tpu.memory_space<vmem_shared>> -> memref<512x32xf32, #tpu.memory_space<vmem_shared>>
    tpu.enqueue_indirect_dma source(%dma_start3A_1649 : memref<128x32xf32, #tpu.memory_space<vmem>>) target(%dma_start3A_1655 : memref<512x32xf32, #tpu.memory_space<vmem_shared>>) offsets(%dma_start3A_1652 : memref<128xi32, #tpu.memory_space<vmem>>) semaphore(%arg13 : memref<!tpu.dma_semaphore, #tpu.memory_space<semaphore_mem>>) {add = true}
    %dma_wait3A_1656 = arith.constant 0 : i32
    %dma_wait3A_1657 = arith.constant 0 : i32
    %dma_wait3A_1658 = arith.constant 0 : i32
    %dma_wait3A_1659 = tpu.memref_slice %arg8[%dma_wait3A_1657, %dma_wait3A_1658] : memref<1664x32xf32, #tpu.memory_space<vmem>> -> memref<128x32xf32, #tpu.memory_space<vmem>>
    %dma_wait3A_1660 = arith.constant 0 : i32
    %dma_wait3A_1661 = tpu.memref_slice %arg7[%dma_wait3A_1656, %dma_wait3A_1660] : memref<1x128xi32, #tpu.memory_space<vmem>> -> memref<1x128xi32, #tpu.memory_space<vmem>>
    %dma_wait3A_1662 = tpu.memref_squeeze %dma_wait3A_1661 : memref<1x128xi32, #tpu.memory_space<vmem>> -> memref<128xi32, #tpu.memory_space<vmem>>
    %dma_wait3A_1663 = arith.constant 0 : i32
    %dma_wait3A_1664 = arith.constant 0 : i32
    %dma_wait3A_1665 = tpu.memref_slice %arg9[%dma_wait3A_1663, %dma_wait3A_1664] : memref<512x32xf32, #tpu.memory_space<vmem_shared>> -> memref<512x32xf32, #tpu.memory_space<vmem_shared>>
    tpu.wait_indirect_dma semaphore(%arg13 : memref<!tpu.dma_semaphore, #tpu.memory_space<semaphore_mem>>) src(%dma_wait3A_1659 : memref<128x32xf32, #tpu.memory_space<vmem>>) dst(%dma_wait3A_1665 : memref<512x32xf32, #tpu.memory_space<vmem_shared>>)
    %dma_wait3A_1666 = arith.constant 0 : i32
    %dma_wait3A_1667 = arith.constant 128 : i32
    %dma_wait3A_1668 = arith.constant 0 : i32
    %dma_wait3A_1669 = tpu.memref_slice %arg8[%dma_wait3A_1667, %dma_wait3A_1668] : memref<1664x32xf32, #tpu.memory_space<vmem>> -> memref<128x32xf32, #tpu.memory_space<vmem>>
    %dma_wait3A_1670 = arith.constant 0 : i32
    %dma_wait3A_1671 = tpu.memref_slice %arg7[%dma_wait3A_1666, %dma_wait3A_1670] : memref<1x128xi32, #tpu.memory_space<vmem>> -> memref<1x128xi32, #tpu.memory_space<vmem>>
    %dma_wait3A_1672 = tpu.memref_squeeze %dma_wait3A_1671 : memref<1x128xi32, #tpu.memory_space<vmem>> -> memref<128xi32, #tpu.memory_space<vmem>>
    %dma_wait3A_1673 = arith.constant 0 : i32
    %dma_wait3A_1674 = arith.constant 0 : i32
    %dma_wait3A_1675 = tpu.memref_slice %arg9[%dma_wait3A_1673, %dma_wait3A_1674] : memref<512x32xf32, #tpu.memory_space<vmem_shared>> -> memref<512x32xf32, #tpu.memory_space<vmem_shared>>
    tpu.wait_indirect_dma semaphore(%arg13 : memref<!tpu.dma_semaphore, #tpu.memory_space<semaphore_mem>>) src(%dma_wait3A_1669 : memref<128x32xf32, #tpu.memory_space<vmem>>) dst(%dma_wait3A_1675 : memref<512x32xf32, #tpu.memory_space<vmem_shared>>)
    %dma_wait3A_1676 = arith.constant 0 : i32
    %dma_wait3A_1677 = arith.constant 256 : i32
    %dma_wait3A_1678 = arith.constant 0 : i32
    %dma_wait3A_1679 = tpu.memref_slice %arg8[%dma_wait3A_1677, %dma_wait3A_1678] : memref<1664x32xf32, #tpu.memory_space<vmem>> -> memref<128x32xf32, #tpu.memory_space<vmem>>
    %dma_wait3A_1680 = arith.constant 0 : i32
    %dma_wait3A_1681 = tpu.memref_slice %arg7[%dma_wait3A_1676, %dma_wait3A_1680] : memref<1x128xi32, #tpu.memory_space<vmem>> -> memref<1x128xi32, #tpu.memory_space<vmem>>
    %dma_wait3A_1682 = tpu.memref_squeeze %dma_wait3A_1681 : memref<1x128xi32, #tpu.memory_space<vmem>> -> memref<128xi32, #tpu.memory_space<vmem>>
    %dma_wait3A_1683 = arith.constant 0 : i32
    %dma_wait3A_1684 = arith.constant 0 : i32
    %dma_wait3A_1685 = tpu.memref_slice %arg9[%dma_wait3A_1683, %dma_wait3A_1684] : memref<512x32xf32, #tpu.memory_space<vmem_shared>> -> memref<512x32xf32, #tpu.memory_space<vmem_shared>>
    tpu.wait_indirect_dma semaphore(%arg13 : memref<!tpu.dma_semaphore, #tpu.memory_space<semaphore_mem>>) src(%dma_wait3A_1679 : memref<128x32xf32, #tpu.memory_space<vmem>>) dst(%dma_wait3A_1685 : memref<512x32xf32, #tpu.memory_space<vmem_shared>>)
    %dma_wait3A_1686 = arith.constant 0 : i32
    %dma_wait3A_1687 = arith.constant 384 : i32
    %dma_wait3A_1688 = arith.constant 0 : i32
    %dma_wait3A_1689 = tpu.memref_slice %arg8[%dma_wait3A_1687, %dma_wait3A_1688] : memref<1664x32xf32, #tpu.memory_space<vmem>> -> memref<128x32xf32, #tpu.memory_space<vmem>>
    %dma_wait3A_1690 = arith.constant 0 : i32
    %dma_wait3A_1691 = tpu.memref_slice %arg7[%dma_wait3A_1686, %dma_wait3A_1690] : memref<1x128xi32, #tpu.memory_space<vmem>> -> memref<1x128xi32, #tpu.memory_space<vmem>>
    %dma_wait3A_1692 = tpu.memref_squeeze %dma_wait3A_1691 : memref<1x128xi32, #tpu.memory_space<vmem>> -> memref<128xi32, #tpu.memory_space<vmem>>
    %dma_wait3A_1693 = arith.constant 0 : i32
    %dma_wait3A_1694 = arith.constant 0 : i32
    %dma_wait3A_1695 = tpu.memref_slice %arg9[%dma_wait3A_1693, %dma_wait3A_1694] : memref<512x32xf32, #tpu.memory_space<vmem_shared>> -> memref<512x32xf32, #tpu.memory_space<vmem_shared>>
    tpu.wait_indirect_dma semaphore(%arg13 : memref<!tpu.dma_semaphore, #tpu.memory_space<semaphore_mem>>) src(%dma_wait3A_1689 : memref<128x32xf32, #tpu.memory_space<vmem>>) dst(%dma_wait3A_1695 : memref<512x32xf32, #tpu.memory_space<vmem_shared>>)
    %dma_wait3A_1696 = arith.constant 0 : i32
    %dma_wait3A_1697 = arith.constant 512 : i32
    %dma_wait3A_1698 = arith.constant 0 : i32
    %dma_wait3A_1699 = tpu.memref_slice %arg8[%dma_wait3A_1697, %dma_wait3A_1698] : memref<1664x32xf32, #tpu.memory_space<vmem>> -> memref<128x32xf32, #tpu.memory_space<vmem>>
    %dma_wait3A_1700 = arith.constant 0 : i32
    %dma_wait3A_1701 = tpu.memref_slice %arg7[%dma_wait3A_1696, %dma_wait3A_1700] : memref<1x128xi32, #tpu.memory_space<vmem>> -> memref<1x128xi32, #tpu.memory_space<vmem>>
    %dma_wait3A_1702 = tpu.memref_squeeze %dma_wait3A_1701 : memref<1x128xi32, #tpu.memory_space<vmem>> -> memref<128xi32, #tpu.memory_space<vmem>>
    %dma_wait3A_1703 = arith.constant 0 : i32
    %dma_wait3A_1704 = arith.constant 0 : i32
    %dma_wait3A_1705 = tpu.memref_slice %arg9[%dma_wait3A_1703, %dma_wait3A_1704] : memref<512x32xf32, #tpu.memory_space<vmem_shared>> -> memref<512x32xf32, #tpu.memory_space<vmem_shared>>
    tpu.wait_indirect_dma semaphore(%arg13 : memref<!tpu.dma_semaphore, #tpu.memory_space<semaphore_mem>>) src(%dma_wait3A_1699 : memref<128x32xf32, #tpu.memory_space<vmem>>) dst(%dma_wait3A_1705 : memref<512x32xf32, #tpu.memory_space<vmem_shared>>)
    %dma_wait3A_1706 = arith.constant 0 : i32
    %dma_wait3A_1707 = arith.constant 640 : i32
    %dma_wait3A_1708 = arith.constant 0 : i32
    %dma_wait3A_1709 = tpu.memref_slice %arg8[%dma_wait3A_1707, %dma_wait3A_1708] : memref<1664x32xf32, #tpu.memory_space<vmem>> -> memref<128x32xf32, #tpu.memory_space<vmem>>
    %dma_wait3A_1710 = arith.constant 0 : i32
    %dma_wait3A_1711 = tpu.memref_slice %arg7[%dma_wait3A_1706, %dma_wait3A_1710] : memref<1x128xi32, #tpu.memory_space<vmem>> -> memref<1x128xi32, #tpu.memory_space<vmem>>
    %dma_wait3A_1712 = tpu.memref_squeeze %dma_wait3A_1711 : memref<1x128xi32, #tpu.memory_space<vmem>> -> memref<128xi32, #tpu.memory_space<vmem>>
    %dma_wait3A_1713 = arith.constant 0 : i32
    %dma_wait3A_1714 = arith.constant 0 : i32
    %dma_wait3A_1715 = tpu.memref_slice %arg9[%dma_wait3A_1713, %dma_wait3A_1714] : memref<512x32xf32, #tpu.memory_space<vmem_shared>> -> memref<512x32xf32, #tpu.memory_space<vmem_shared>>
    tpu.wait_indirect_dma semaphore(%arg13 : memref<!tpu.dma_semaphore, #tpu.memory_space<semaphore_mem>>) src(%dma_wait3A_1709 : memref<128x32xf32, #tpu.memory_space<vmem>>) dst(%dma_wait3A_1715 : memref<512x32xf32, #tpu.memory_space<vmem_shared>>)
    %dma_wait3A_1716 = arith.constant 0 : i32
    %dma_wait3A_1717 = arith.constant 768 : i32
    %dma_wait3A_1718 = arith.constant 0 : i32
    %dma_wait3A_1719 = tpu.memref_slice %arg8[%dma_wait3A_1717, %dma_wait3A_1718] : memref<1664x32xf32, #tpu.memory_space<vmem>> -> memref<128x32xf32, #tpu.memory_space<vmem>>
    %dma_wait3A_1720 = arith.constant 0 : i32
    %dma_wait3A_1721 = tpu.memref_slice %arg7[%dma_wait3A_1716, %dma_wait3A_1720] : memref<1x128xi32, #tpu.memory_space<vmem>> -> memref<1x128xi32, #tpu.memory_space<vmem>>
    %dma_wait3A_1722 = tpu.memref_squeeze %dma_wait3A_1721 : memref<1x128xi32, #tpu.memory_space<vmem>> -> memref<128xi32, #tpu.memory_space<vmem>>
    %dma_wait3A_1723 = arith.constant 0 : i32
    %dma_wait3A_1724 = arith.constant 0 : i32
    %dma_wait3A_1725 = tpu.memref_slice %arg9[%dma_wait3A_1723, %dma_wait3A_1724] : memref<512x32xf32, #tpu.memory_space<vmem_shared>> -> memref<512x32xf32, #tpu.memory_space<vmem_shared>>
    tpu.wait_indirect_dma semaphore(%arg13 : memref<!tpu.dma_semaphore, #tpu.memory_space<semaphore_mem>>) src(%dma_wait3A_1719 : memref<128x32xf32, #tpu.memory_space<vmem>>) dst(%dma_wait3A_1725 : memref<512x32xf32, #tpu.memory_space<vmem_shared>>)
    %dma_wait3A_1726 = arith.constant 0 : i32
    %dma_wait3A_1727 = arith.constant 896 : i32
    %dma_wait3A_1728 = arith.constant 0 : i32
    %dma_wait3A_1729 = tpu.memref_slice %arg8[%dma_wait3A_1727, %dma_wait3A_1728] : memref<1664x32xf32, #tpu.memory_space<vmem>> -> memref<128x32xf32, #tpu.memory_space<vmem>>
    %dma_wait3A_1730 = arith.constant 0 : i32
    %dma_wait3A_1731 = tpu.memref_slice %arg7[%dma_wait3A_1726, %dma_wait3A_1730] : memref<1x128xi32, #tpu.memory_space<vmem>> -> memref<1x128xi32, #tpu.memory_space<vmem>>
    %dma_wait3A_1732 = tpu.memref_squeeze %dma_wait3A_1731 : memref<1x128xi32, #tpu.memory_space<vmem>> -> memref<128xi32, #tpu.memory_space<vmem>>
    %dma_wait3A_1733 = arith.constant 0 : i32
    %dma_wait3A_1734 = arith.constant 0 : i32
    %dma_wait3A_1735 = tpu.memref_slice %arg9[%dma_wait3A_1733, %dma_wait3A_1734] : memref<512x32xf32, #tpu.memory_space<vmem_shared>> -> memref<512x32xf32, #tpu.memory_space<vmem_shared>>
    tpu.wait_indirect_dma semaphore(%arg13 : memref<!tpu.dma_semaphore, #tpu.memory_space<semaphore_mem>>) src(%dma_wait3A_1729 : memref<128x32xf32, #tpu.memory_space<vmem>>) dst(%dma_wait3A_1735 : memref<512x32xf32, #tpu.memory_space<vmem_shared>>)
    %dma_wait3A_1736 = arith.constant 0 : i32
    %dma_wait3A_1737 = arith.constant 1024 : i32
    %dma_wait3A_1738 = arith.constant 0 : i32
    %dma_wait3A_1739 = tpu.memref_slice %arg8[%dma_wait3A_1737, %dma_wait3A_1738] : memref<1664x32xf32, #tpu.memory_space<vmem>> -> memref<128x32xf32, #tpu.memory_space<vmem>>
    %dma_wait3A_1740 = arith.constant 0 : i32
    %dma_wait3A_1741 = tpu.memref_slice %arg7[%dma_wait3A_1736, %dma_wait3A_1740] : memref<1x128xi32, #tpu.memory_space<vmem>> -> memref<1x128xi32, #tpu.memory_space<vmem>>
    %dma_wait3A_1742 = tpu.memref_squeeze %dma_wait3A_1741 : memref<1x128xi32, #tpu.memory_space<vmem>> -> memref<128xi32, #tpu.memory_space<vmem>>
    %dma_wait3A_1743 = arith.constant 0 : i32
    %dma_wait3A_1744 = arith.constant 0 : i32
    %dma_wait3A_1745 = tpu.memref_slice %arg9[%dma_wait3A_1743, %dma_wait3A_1744] : memref<512x32xf32, #tpu.memory_space<vmem_shared>> -> memref<512x32xf32, #tpu.memory_space<vmem_shared>>
    tpu.wait_indirect_dma semaphore(%arg13 : memref<!tpu.dma_semaphore, #tpu.memory_space<semaphore_mem>>) src(%dma_wait3A_1739 : memref<128x32xf32, #tpu.memory_space<vmem>>) dst(%dma_wait3A_1745 : memref<512x32xf32, #tpu.memory_space<vmem_shared>>)
    %dma_wait3A_1746 = arith.constant 0 : i32
    %dma_wait3A_1747 = arith.constant 1152 : i32
    %dma_wait3A_1748 = arith.constant 0 : i32
    %dma_wait3A_1749 = tpu.memref_slice %arg8[%dma_wait3A_1747, %dma_wait3A_1748] : memref<1664x32xf32, #tpu.memory_space<vmem>> -> memref<128x32xf32, #tpu.memory_space<vmem>>
    %dma_wait3A_1750 = arith.constant 0 : i32
    %dma_wait3A_1751 = tpu.memref_slice %arg7[%dma_wait3A_1746, %dma_wait3A_1750] : memref<1x128xi32, #tpu.memory_space<vmem>> -> memref<1x128xi32, #tpu.memory_space<vmem>>
    %dma_wait3A_1752 = tpu.memref_squeeze %dma_wait3A_1751 : memref<1x128xi32, #tpu.memory_space<vmem>> -> memref<128xi32, #tpu.memory_space<vmem>>
    %dma_wait3A_1753 = arith.constant 0 : i32
    %dma_wait3A_1754 = arith.constant 0 : i32
    %dma_wait3A_1755 = tpu.memref_slice %arg9[%dma_wait3A_1753, %dma_wait3A_1754] : memref<512x32xf32, #tpu.memory_space<vmem_shared>> -> memref<512x32xf32, #tpu.memory_space<vmem_shared>>
    tpu.wait_indirect_dma semaphore(%arg13 : memref<!tpu.dma_semaphore, #tpu.memory_space<semaphore_mem>>) src(%dma_wait3A_1749 : memref<128x32xf32, #tpu.memory_space<vmem>>) dst(%dma_wait3A_1755 : memref<512x32xf32, #tpu.memory_space<vmem_shared>>)
    %dma_wait3A_1756 = arith.constant 0 : i32
    %dma_wait3A_1757 = arith.constant 1280 : i32
    %dma_wait3A_1758 = arith.constant 0 : i32
    %dma_wait3A_1759 = tpu.memref_slice %arg8[%dma_wait3A_1757, %dma_wait3A_1758] : memref<1664x32xf32, #tpu.memory_space<vmem>> -> memref<128x32xf32, #tpu.memory_space<vmem>>
    %dma_wait3A_1760 = arith.constant 0 : i32
    %dma_wait3A_1761 = tpu.memref_slice %arg7[%dma_wait3A_1756, %dma_wait3A_1760] : memref<1x128xi32, #tpu.memory_space<vmem>> -> memref<1x128xi32, #tpu.memory_space<vmem>>
    %dma_wait3A_1762 = tpu.memref_squeeze %dma_wait3A_1761 : memref<1x128xi32, #tpu.memory_space<vmem>> -> memref<128xi32, #tpu.memory_space<vmem>>
    %dma_wait3A_1763 = arith.constant 0 : i32
    %dma_wait3A_1764 = arith.constant 0 : i32
    %dma_wait3A_1765 = tpu.memref_slice %arg9[%dma_wait3A_1763, %dma_wait3A_1764] : memref<512x32xf32, #tpu.memory_space<vmem_shared>> -> memref<512x32xf32, #tpu.memory_space<vmem_shared>>
    tpu.wait_indirect_dma semaphore(%arg13 : memref<!tpu.dma_semaphore, #tpu.memory_space<semaphore_mem>>) src(%dma_wait3A_1759 : memref<128x32xf32, #tpu.memory_space<vmem>>) dst(%dma_wait3A_1765 : memref<512x32xf32, #tpu.memory_space<vmem_shared>>)
    %dma_wait3A_1766 = arith.constant 0 : i32
    %dma_wait3A_1767 = arith.constant 1408 : i32
    %dma_wait3A_1768 = arith.constant 0 : i32
    %dma_wait3A_1769 = tpu.memref_slice %arg8[%dma_wait3A_1767, %dma_wait3A_1768] : memref<1664x32xf32, #tpu.memory_space<vmem>> -> memref<128x32xf32, #tpu.memory_space<vmem>>
    %dma_wait3A_1770 = arith.constant 0 : i32
    %dma_wait3A_1771 = tpu.memref_slice %arg7[%dma_wait3A_1766, %dma_wait3A_1770] : memref<1x128xi32, #tpu.memory_space<vmem>> -> memref<1x128xi32, #tpu.memory_space<vmem>>
    %dma_wait3A_1772 = tpu.memref_squeeze %dma_wait3A_1771 : memref<1x128xi32, #tpu.memory_space<vmem>> -> memref<128xi32, #tpu.memory_space<vmem>>
    %dma_wait3A_1773 = arith.constant 0 : i32
    %dma_wait3A_1774 = arith.constant 0 : i32
    %dma_wait3A_1775 = tpu.memref_slice %arg9[%dma_wait3A_1773, %dma_wait3A_1774] : memref<512x32xf32, #tpu.memory_space<vmem_shared>> -> memref<512x32xf32, #tpu.memory_space<vmem_shared>>
    tpu.wait_indirect_dma semaphore(%arg13 : memref<!tpu.dma_semaphore, #tpu.memory_space<semaphore_mem>>) src(%dma_wait3A_1769 : memref<128x32xf32, #tpu.memory_space<vmem>>) dst(%dma_wait3A_1775 : memref<512x32xf32, #tpu.memory_space<vmem_shared>>)
    %dma_wait3A_1776 = arith.constant 0 : i32
    %dma_wait3A_1777 = arith.constant 1536 : i32
    %dma_wait3A_1778 = arith.constant 0 : i32
    %dma_wait3A_1779 = tpu.memref_slice %arg8[%dma_wait3A_1777, %dma_wait3A_1778] : memref<1664x32xf32, #tpu.memory_space<vmem>> -> memref<128x32xf32, #tpu.memory_space<vmem>>
    %dma_wait3A_1780 = arith.constant 0 : i32
    %dma_wait3A_1781 = tpu.memref_slice %arg7[%dma_wait3A_1776, %dma_wait3A_1780] : memref<1x128xi32, #tpu.memory_space<vmem>> -> memref<1x128xi32, #tpu.memory_space<vmem>>
    %dma_wait3A_1782 = tpu.memref_squeeze %dma_wait3A_1781 : memref<1x128xi32, #tpu.memory_space<vmem>> -> memref<128xi32, #tpu.memory_space<vmem>>
    %dma_wait3A_1783 = arith.constant 0 : i32
    %dma_wait3A_1784 = arith.constant 0 : i32
    %dma_wait3A_1785 = tpu.memref_slice %arg9[%dma_wait3A_1783, %dma_wait3A_1784] : memref<512x32xf32, #tpu.memory_space<vmem_shared>> -> memref<512x32xf32, #tpu.memory_space<vmem_shared>>
    tpu.wait_indirect_dma semaphore(%arg13 : memref<!tpu.dma_semaphore, #tpu.memory_space<semaphore_mem>>) src(%dma_wait3A_1779 : memref<128x32xf32, #tpu.memory_space<vmem>>) dst(%dma_wait3A_1785 : memref<512x32xf32, #tpu.memory_space<vmem_shared>>)
    %mul3A_1786 = arith.constant 32 : i32
    %mul3A_1787 = arith.muli %add3A, %mul3A_1786 : i32
    "tpu.region"() ({
      %run_scoped3A = tpu.sem_alloc : memref<!tpu.dma_semaphore, #tpu.memory_space<semaphore_mem>>
      %dma_start3A_1790 = arith.constant 0 : i32
      %dma_start3A_1791 = tpu.memref_slice %arg4[%mul3A_1787, %dma_start3A_1790] : memref<1024x32xf32, #tpu.memory_space<hbm>> -> memref<32x32xf32, #tpu.memory_space<hbm>>
      %dma_start3A_1792 = arith.constant 0 : i32
      %dma_start3A_1793 = tpu.memref_slice %arg9[%mul3A_2, %dma_start3A_1792] : memref<512x32xf32, #tpu.memory_space<vmem_shared>> -> memref<32x32xf32, #tpu.memory_space<vmem_shared>>
      tpu.enqueue_dma source(%dma_start3A_1793 : memref<32x32xf32, #tpu.memory_space<vmem_shared>>) target(%dma_start3A_1791 : memref<32x32xf32, #tpu.memory_space<hbm>>) target_semaphore(%run_scoped3A : memref<!tpu.dma_semaphore, #tpu.memory_space<semaphore_mem>>)
      %dma_wait3A_1794 = arith.constant 0 : i32
      %dma_wait3A_1795 = tpu.memref_slice %arg4[%mul3A_1787, %dma_wait3A_1794] : memref<1024x32xf32, #tpu.memory_space<hbm>> -> memref<32x32xf32, #tpu.memory_space<hbm>>
      %dma_wait3A_1796 = arith.constant 0 : i32
      %dma_wait3A_1797 = tpu.memref_slice %arg9[%mul3A_2, %dma_wait3A_1796] : memref<512x32xf32, #tpu.memory_space<vmem_shared>> -> memref<32x32xf32, #tpu.memory_space<vmem_shared>>
      tpu.wait_dma2 semaphore(%run_scoped3A : memref<!tpu.dma_semaphore, #tpu.memory_space<semaphore_mem>>) src(%dma_wait3A_1797 : memref<32x32xf32, #tpu.memory_space<vmem_shared>>) dst(%dma_wait3A_1795 : memref<32x32xf32, #tpu.memory_space<hbm>>)
      tpu.yield
    }) : () -> ()
    %mul3A_1788 = arith.constant 32 : i32
    %mul3A_1789 = arith.muli %add3A, %mul3A_1788 : i32
    "tpu.region"() ({
      %run_scoped3A = tpu.sem_alloc : memref<!tpu.dma_semaphore, #tpu.memory_space<semaphore_mem>>
      %dma_start3A_1790 = tpu.memref_slice %arg5[%mul3A_1789] : memref<1024xf32, #tpu.memory_space<hbm>> -> memref<32xf32, #tpu.memory_space<hbm>>
      %dma_start3A_1791 = tpu.memref_slice %arg5[%mul3A_1789] : memref<1024xf32, #tpu.memory_space<hbm>> -> memref<32xf32, #tpu.memory_space<hbm>>
      tpu.enqueue_dma source(%arg11 : memref<32xf32, #tpu.memory_space<vmem>>) target(%dma_start3A_1791 : memref<32xf32, #tpu.memory_space<hbm>>) target_semaphore(%run_scoped3A : memref<!tpu.dma_semaphore, #tpu.memory_space<semaphore_mem>>)
      %dma_wait3A_1792 = tpu.memref_slice %arg5[%mul3A_1789] : memref<1024xf32, #tpu.memory_space<hbm>> -> memref<32xf32, #tpu.memory_space<hbm>>
      %dma_wait3A_1793 = tpu.memref_slice %arg5[%mul3A_1789] : memref<1024xf32, #tpu.memory_space<hbm>> -> memref<32xf32, #tpu.memory_space<hbm>>
      tpu.wait_dma2 semaphore(%run_scoped3A : memref<!tpu.dma_semaphore, #tpu.memory_space<semaphore_mem>>) src(%arg11 : memref<32xf32, #tpu.memory_space<vmem>>) dst(%dma_wait3A_1793 : memref<32xf32, #tpu.memory_space<hbm>>)
      tpu.yield
    }) : () -> ()
    return
  }
}

module attributes {stable_mosaic.version = 14 : i64} {
  func.func @mm(%arg0: i32, %arg1: memref<32x2048xf32, #tpu.memory_space<vmem>>, %arg2: memref<1024x32xf32, #tpu.memory_space<vmem>>, %arg3: memref<1024x1xf32, #tpu.memory_space<vmem>>, %arg4: memref<1x32xf32, #tpu.memory_space<vmem>>, %arg5: memref<2048x1024xf32, #tpu.memory_space<vmem>>) attributes {dimension_semantics = [#tpu.dimension_semantics<arbitrary>], iteration_bounds = array<i64: 49>, scalar_prefetch = 0 : i64, scratch_operands = 0 : i64, tpu.core_type = #tpu.core_type<tc>, window_params = [{transform_indices = @transform_0, window_bounds = array<i64: 32, 2048>}, {pipeline_mode = #tpu.pipeline_mode<synchronous>, transform_indices = @transform_1, window_bounds = array<i64: 1024, 32>}, {pipeline_mode = #tpu.pipeline_mode<synchronous>, transform_indices = @transform_2, window_bounds = array<i64: 1024, 1>}, {pipeline_mode = #tpu.pipeline_mode<synchronous>, transform_indices = @transform_3, window_bounds = array<i64: 1, 32>}, {transform_indices = @transform_4, window_bounds = array<i64: 2048, 1024>}]} {
    %get3A = arith.constant 0 : index
    %get3A_0 = arith.constant 0 : index
    %get3A_1 = vector.load %arg3[%get3A, %get3A_0] : memref<1024x1xf32, #tpu.memory_space<vmem>>, vector<1024x1xf32>
    %max3A = arith.constant 1.000000e+00 : f32
    %max3A_2 = vector.broadcast %max3A : f32 to vector<1024x1xf32>
    %max3A_3 = arith.maximumf %get3A_1, %max3A_2 : vector<1024x1xf32>
    %div3A = arith.constant 1.000000e+00 : f32
    %div3A_4 = vector.broadcast %div3A : f32 to vector<1024x1xf32>
    %div3A_5 = arith.divf %div3A_4, %max3A_3 : vector<1024x1xf32>
    %sub3A = arith.constant 5.200000e+01 : f32
    %sub3A_6 = vector.broadcast %sub3A : f32 to vector<1024x1xf32>
    %sub3A_7 = arith.subf %sub3A_6, %get3A_1 : vector<1024x1xf32>
    %get3A_8 = arith.constant 0 : index
    %get3A_9 = arith.constant 0 : index
    %get3A_10 = vector.load %arg2[%get3A_8, %get3A_9] : memref<1024x32xf32, #tpu.memory_space<vmem>>, vector<1024x32xf32>
    %get3A_11 = arith.constant 0 : index
    %get3A_12 = arith.constant 0 : index
    %get3A_13 = vector.load %arg4[%get3A_11, %get3A_12] : memref<1x32xf32, #tpu.memory_space<vmem>>, vector<1x32xf32>
    %mul3A = vector.broadcast %sub3A_7 : vector<1024x1xf32> to vector<1024x32xf32>
    %mul3A_14 = vector.broadcast %get3A_13 : vector<1x32xf32> to vector<1024x32xf32>
    %mul3A_15 = arith.mulf %mul3A, %mul3A_14 : vector<1024x32xf32>
    %sub3A_16 = arith.subf %get3A_10, %mul3A_15 : vector<1024x32xf32>
    %mul3A_17 = vector.broadcast %div3A_5 : vector<1024x1xf32> to vector<1024x32xf32>
    %mul3A_18 = arith.mulf %sub3A_16, %mul3A_17 : vector<1024x32xf32>
    %get3A_19 = arith.constant 0 : index
    %get3A_20 = arith.constant 0 : index
    %get3A_21 = vector.load %arg1[%get3A_19, %get3A_20] : memref<32x2048xf32, #tpu.memory_space<vmem>>, vector<32x2048xf32>
    %convert_element_type3A = arith.truncf %get3A_21 : vector<32x2048xf32> to vector<32x2048xbf16>
    %convert_element_type3A_22 = arith.truncf %mul3A_18 : vector<1024x32xf32> to vector<1024x32xbf16>
    %dot_general3A = arith.constant dense<0.000000e+00> : vector<2048x1024xf32>
    %dot_general3A_23 = tpu.matmul %convert_element_type3A, %convert_element_type3A_22, %dot_general3A {dimension_numbers = #tpu.dot_dimension_numbers<[0], [1], [1], [0], [0, 1, 1, 0], [], []>, transpose_lhs_hint = false} : vector<32x2048xbf16>, vector<1024x32xbf16>, vector<2048x1024xf32> -> vector<2048x1024xf32>
    %swap3A = arith.constant 0 : index
    %swap3A_24 = arith.constant 0 : index
    %swap3A_25 = vector.load %arg5[%swap3A, %swap3A_24] : memref<2048x1024xf32, #tpu.memory_space<vmem>>, vector<2048x1024xf32>
    tpu.vector_store %arg5[%swap3A, %swap3A_24], %dot_general3A_23 {strides = array<i32>} : memref<2048x1024xf32, #tpu.memory_space<vmem>>, vector<2048x1024xf32>,
    return
  }
  func.func @transform_0(%arg0: i32) -> (i32, i32) {
    %c0_i32 = arith.constant 0 : i32
    %c0_i32_0 = arith.constant 0 : i32
    return %c0_i32, %arg0 : i32, i32
  }
  func.func @transform_1(%arg0: i32) -> (i32, i32) {
    %c0_i32 = arith.constant 0 : i32
    %c0_i32_0 = arith.constant 0 : i32
    %c0_i32_1 = arith.constant 0 : i32
    return %c0_i32, %c0_i32_0 : i32, i32
  }
  func.func @transform_2(%arg0: i32) -> (i32, i32) {
    %c0_i32 = arith.constant 0 : i32
    %c0_i32_0 = arith.constant 0 : i32
    %c0_i32_1 = arith.constant 0 : i32
    return %c0_i32, %c0_i32_0 : i32, i32
  }
  func.func @transform_3(%arg0: i32) -> (i32, i32) {
    %c0_i32 = arith.constant 0 : i32
    %c0_i32_0 = arith.constant 0 : i32
    %c0_i32_1 = arith.constant 0 : i32
    return %c0_i32, %c0_i32_0 : i32, i32
  }
  func.func @transform_4(%arg0: i32) -> (i32, i32) {
    %c0_i32 = arith.constant 0 : i32
    %c0_i32_0 = arith.constant 0 : i32
    return %arg0, %c0_i32 : i32, i32
  }
}

</mosaic_0001>

<sc_bundles>
// kernel: kernel.4.cloned.1.call-start
scs
__scs_entry_jumppad:
0x0: {  	(pc) =	sbr.rel $0x88, $3  }
0x1: {  	(tag) =	ssettag $0x0;
	lr =	simm.s32 $0x1  }
0x2: {  	[smem:$0x3F9E] =	sst lr;
	_ =	strace $0xD0000000  }
0x3: {  	_ = 	snop  }
0x4: {  	_ = 	snop  }
0x5: {  	_ = 	snop  }
0x6: {  	_ = 	snop  }
0x7: {  	_ = 	snop  }
__scs_overlays_trampoline_lowered:
0x8: {  	[smem:$0x3FAD] =	sst s0  }
0x9: {  	[smem:$0x3FAE] =	sst s1  }
0xa: {  	[smem:$0x3FAF] =	sst s2  }
0xb: {  	[smem:$0x3FB0] =	sst s3  }
0xc: {  	[smem:$0x3FB1] =	sst s4  }
0xd: {  	[smem:$0x3FB2] =	sst s5  }
0xe: {  	[smem:$0x3FB3] =	sst s6  }
0xf: {  	[smem:$0x3FB4] =	sst s7  }
0x10: {  	[smem:$0x3FB5] =	sst s8  }
0x11: {  	[smem:$0x3FB6] =	sst s9;
	s0 =	simm.s32 @!p0 $0x0  }
0x12: {  	s1 =	sld [smem:$0x3F9C];
	s0 =	simm.s32 @p0 $0x1  }
0x13: {  	[smem:$0x3FB7] =	sst s0;
	s0 =	simm.s32 @!p1 $0x0  }
0x14: {  	s2 =	sld [smem:$0x3F9B];
	s0 =	simm.s32 @p1 $0x1  }
0x15: {  	[smem:$0x3FB8] =	sst s0;
	s0 =	simm.s32 @!p2 $0x0  }
0x16: {  	s3 =	sld [smem:$0x3FDB];
	s0 =	simm.s32 @p2 $0x1  }
0x17: {  	s4 =	simm.s32 $0x1BF5;
	[smem:$0x3FBA] =	sst s0  }
0x18: {  	s0 =	sld [smem:$0x3F9D];
	_ =	swait.ge [sflag:s4], $0x0  }
0x19: {  	s7 =	sld [smem:$0x3F9E]  }
0x1a: {  	s8 =	sadd.s32 $0xFFFFE003, lr  }
0x1b: {  	s9 =	sadd.s32 $0xFFFFFEF7, lr;
	s5 =	simm.s32 $0xFFFFFFFF;
	p2 =	slt.u32 s8, $0xFFFFF086  }
0x1c: {  	p1 =	slt.u32 s9, $0xF7A;
	s5 =	simm.s32 @!p2 $0x0  }
0x1d: {  	s5 =	simm.s32 @p1 $0x1;
	p0 =	seq.s32 s7, s2  }
0x1e: {  	s7 =	smul.u32 @!p0 $0xF7A, s2;
	p2 =	seq.s32 @!p0 s5, $0x0  }
0x1f: {  	s9 =	smul.u32 $0xF7A, s1;
	s8 =	simm.s32 @!p0 $0x1BF5;
	p2 =	por !p2, p0  }
0x20: {  	[sflag:s8] =	ssyncset.s32 @!p0 $0xFFFFF086;
	s6 =	sadd.s32 @!p0 s3, s7;
	s7 =	simm.s32 @!p0 $0x108  }
0x21: {  	s3 =	sadd.s32 s3, s9;
	s6 =	sadd.s32 @!p0 $0x88, s6;
	s7 =	simm.s32 @p2 $0x1082  }
0x22: {  	[simem:s7], [sflag:s8] =	dma.local @!p0 [hbm:s6], $0xF7A  }
0x23: {  	s9 =	sor.u32 $0xD0000000, s2;
	s6 =	simm.s32 $0x108;
	_ =	swait.ge @!p0 [sflag:s8], $0x0  }
0x24: {  	s3 =	sadd.s32 $0x88, s3;
	s6 =	simm.s32 @!p1 $0x1082;
	[sflag:s4] =	ssyncset.s32 $0xFFFFF086  }
0x25: {  	[simem:s6], [sflag:s4] =	dma.local [hbm:s3], $0xF7A  }
0x26: {  	[smem:$0x3F9E] =	sst s1;
	(tag) =	ssettag s2;
	_ =	strace s9  }
0x27: {  	s1 =	sld [smem:$0x3FAE]  }
0x28: {  	s2 =	sld [smem:$0x3FAF]  }
0x29: {  	s4 =	sld [smem:$0x3FB1]  }
0x2a: {  	p0 =	seq.s32 s5, $0x0;
	s5 =	sld [smem:$0x3FB2]  }
0x2b: {  	s6 =	sld [smem:$0x3FB3]  }
0x2c: {  	s7 =	sld [smem:$0x3FB4]  }
0x2d: {  	s3 =	simm.s32 $0x108;
	s8 =	sld [smem:$0x3FB5]  }
0x2e: {  	s3 =	simm.s32 @!p0 $0x1082;
	s9 =	sld [smem:$0x3FB6]  }
0x2f: {  	lr =	sadd.s32 s0, s3;
	s0 =	sld [smem:$0x3FAD]  }
0x30: {  	s3 =	sld [smem:$0x3FB0]  }
0x31: {  	[smem:$0x3FB9] =	sst s10  }
0x32: {  	s10 =	sld [smem:$0x3FB7];
	_ =	sdelay $0x3  }
0x33: {  	p0 =	seq.s32 s10, $0x1;
	s10 =	sld [smem:$0x3FB9];
	_ =	sdelay $0x3  }
0x34: {  	[smem:$0x3FB9] =	sst s10  }
0x35: {  	s10 =	sld [smem:$0x3FB8];
	_ =	sdelay $0x3  }
0x36: {  	p1 =	seq.s32 s10, $0x1;
	s10 =	sld [smem:$0x3FB9];
	_ =	sdelay $0x3  }
0x37: {  	[smem:$0x3FB9] =	sst s10  }
0x38: {  	s10 =	sld [smem:$0x3FBA]  }
0x39: {  	_ = 	snop;
	(pc) =	sbr.ind lr, $3  }
0x3a: {  	_ = 	snop  }
0x3b: {  	_ = 	snop  }
0x3c: {  	p2 =	seq.s32 s10, $0x1;
	s10 =	sld [smem:$0x3FB9]  }
0x3d: {  	_ =	shalt  }
0x3e: {  	_ =	shalt  }
0x3f: {  	_ =	shalt  }
0x40: {  	_ =	shalt  }
0x41: {  	_ =	shalt  }
0x42: {  	_ =	shalt  }
0x43: {  	_ =	shalt  }
0x44: {  	_ =	shalt  }
0x45: {  	_ =	shalt  }
0x46: {  	_ =	shalt  }
0x47: {  	_ =	shalt  }
0x48: {  	_ =	shalt  }
0x49: {  	_ =	shalt  }
0x4a: {  	_ =	shalt  }
0x4b: {  	_ =	shalt  }
0x4c: {  	_ =	shalt  }
0x4d: {  	_ =	shalt  }
0x4e: {  	_ =	shalt  }
0x4f: {  	_ =	shalt  }
0x50: {  	_ =	shalt  }
0x51: {  	_ =	shalt  }
0x52: {  	_ =	shalt  }
0x53: {  	_ =	shalt  }
0x54: {  	_ =	shalt  }
0x55: {  	_ =	shalt  }
0x56: {  	_ =	shalt  }
0x57: {  	_ =	shalt  }
0x58: {  	_ =	shalt  }
0x59: {  	_ =	shalt  }
0x5a: {  	_ =	shalt  }
0x5b: {  	_ =	shalt  }
0x5c: {  	_ =	shalt  }
0x5d: {  	_ =	shalt  }
0x5e: {  	_ =	shalt  }
0x5f: {  	_ =	shalt  }
0x60: {  	_ =	shalt  }
0x61: {  	_ =	shalt  }
0x62: {  	_ =	shalt  }
0x63: {  	_ =	shalt  }
0x64: {  	_ =	shalt  }
0x65: {  	_ =	shalt  }
0x66: {  	_ =	shalt  }
0x67: {  	_ =	shalt  }
0x68: {  	_ =	shalt  }
0x69: {  	_ =	shalt  }
0x6a: {  	_ =	shalt  }
0x6b: {  	_ =	shalt  }
0x6c: {  	_ =	shalt  }
0x6d: {  	_ =	shalt  }
0x6e: {  	_ =	shalt  }
0x6f: {  	_ =	shalt  }
0x70: {  	_ =	shalt  }
0x71: {  	_ =	shalt  }
0x72: {  	_ =	shalt  }
0x73: {  	_ =	shalt  }
0x74: {  	_ =	shalt  }
0x75: {  	_ =	shalt  }
0x76: {  	_ =	shalt  }
0x77: {  	_ =	shalt  }
0x78: {  	_ =	shalt  }
0x79: {  	_ =	shalt  }
0x7a: {  	_ =	shalt  }
0x7b: {  	_ =	shalt  }
0x7c: {  	_ =	shalt  }
0x7d: {  	_ =	shalt  }
0x7e: {  	_ =	shalt  }
0x7f: {  	_ =	shalt  }
0x80: {  	_ =	shalt  }
0x81: {  	_ =	shalt  }
0x82: {  	_ =	shalt  }
0x83: {  	_ =	shalt  }
0x84: {  	_ =	shalt  }
0x85: {  	_ =	shalt  }
0x86: {  	_ =	shalt  }
0x87: {  	_ =	shalt  }
.Lfunc_end0:
.L_simem_size_0:
called_computation_lowered:
.L_overlay_start_0:
0x88: {  	s2 =	sld [smem:$0x3FD9]  }
0x89: {  	s3 =	sld [smem:$0x3FFE];
	_ =	sdelay $0x1  }
0x8a: {  	s1 =	srdreg.scid  }
0x8b: {  	s0 =	sand.u32 $0x1, s1  }
0x8c: {  	s16 =	sshll.u32 s0, $0xA;
	s2 =	sadd.s32 s3, s2  }
0x8d: {  	s2 =	sadd.s32 s2, s16  }
0x8e: {  	[smem:$0x3FC5] =	sst s2  }
0x8f: {  	_ = 	snop  }
0x90: {  	(tm) =	ssettm $0x1  }
0x91: {  	s17 =	sld [smem:$0x3FFB];
	_ =	sdelay $0x3  }
0x92: {  	_ =	strace s17  }
0x93: {  	s2 =	sld [smem:$0x3FFC];
	_ =	sdelay $0x3  }
0x94: {  	_ =	strace s2  }
0x95: {  	s2 =	sld [smem:$0x3FFD];
	_ =	sdelay $0x3  }
0x96: {  	_ =	strace s2  }
0x97: {  	_ =	strace $0x8FFFFFFF  }
0x98: {  	s18 =	sld [smem:$0x3FDB];
	_ =	sdelay $0x1  }
0x99: {  	s19 =	simm.s32 $_scs_section_size  }
0x9a: {  	s4 =	simm.s32 $_size__tile_overlayer_lowered;
	s5 =	simm.s32 $_tile_overlayer_lowered  }
0x9b: {  	s22 =	simm.s32 $0x1BFF;
	s21 =	sshll.u32 s5, $0x1;
	s2 =	sadd.s32 s19, s18  }
0x9c: {  	s6 =	simm.s32 $0x0;
	s20 =	sshll.u32 s4, $0x1;
	s4 =	sadd.s32 s21, s2  }
0x9d: {  	[timem:s6], [sflag:s22] =	dma.local [hbm:s4], s20  }
0x9e: {  	_ =	swait.ge [sflag:s22], s20  }
0x9f: {  	s3 =	ssub.s32 $0x0, s20;
	[sflag:s22] =	ssyncset.done $0x0  }
0xa0: {  	[sflag:s22] =	ssyncadd.s32 s3;
	_ =	sdelay $0x1  }
0xa1: {  	s23 =	simm.s32 $0x1B8B  }
0xa2: {  	_ =	swait.ge [sflag:s23], $0x1  }
0xa3: {  	[sflag:s23] =	ssyncset.done $0x0  }
0xa4: {  	s25 =	simm.s32 $0x1B8E;
	s24 =	sld [smem:$0x3FFE];
	[sflag:s23] =	ssyncadd.s32 $0xFFFFFFFF  }
0xa5: {  	s26 =	simm.s32 $execute0_lowered;
	[smem:$0x3FD2] =	sst s25  }
0xa6: {  	s4 =	sshll.u32 s26, $0x1;
	_ =	strace $0x80000046;
	[dreg:$0x1] =	wrdreg $0xFFFFFFFF  }
0xa7: {  	s28 =	simm.s32 $_size_execute0_lowered;
	s2 =	sadd.s32 s2, s4;
	[dreg:$0x0] =	wrdreg $0x0  }
0xa8: {  	s4 =	sshll.u32 s28, $0x1;
	[dreg:$0x2] =	wrdreg s2  }
0xa9: {  	[dreg:$0x3] =	wrdreg s4  }
0xaa: {  	[dreg:$0x4] =	wrdreg $0xC0  }
0xab: {  	_ =	task [dreg:s6], $0x5FFFF  }
0xac: {  	[dreg:$0x1] =	wrdreg $0xFFFFFFFF  }
0xad: {  	[dreg:$0x0] =	wrdreg $0x60  }
0xae: {  	[dreg:$0x2] =	wrdreg s24  }
0xaf: {  	[dreg:$0x3] =	wrdreg $0xD7000  }
0xb0: {  	[dreg:$0x4] =	wrdreg $0x9  }
0xb1: {  	_ =	task.clear_ibuf [dreg:s6], $0x5FFFF;
	_ =	strace $0x90000046  }
0xb2: {  	s29 =	simm.s32 $0x9;
	_ =	strace $0x80000048  }
0xb3: {  	_ =	swait.ge [sflag:s29], $0x1  }
0xb4: {  	[sflag:s29] =	ssyncadd.s32 $0xFFFFFFFF  }
0xb5: {  	_ =	strace $0x90000048  }
0xb6: {  	_ =	sfence  }
0xb7: {  	s30 =	sld [smem:$0x0];
	_ =	sdelay $0x2  }
0xb8: {  	s31 =	sshll.u32 s1, $0xD;
	s1 =	sshrl.u32 s1, $0x2  }
0xb9: {  	s3 =	sand.u32 $0x4000, s31;
	s1 =	sadd.s32 s1, s30  }
0xba: {  	s0 =	sor.u32 s3, s0;
	s1 =	sshll.u32 s1, $0x11  }
0xbb: {  	s0 =	sor.u32 s1, s0  }
0xbc: {  	s0 =	sadd.s32 $0x8F2B, s0  }
0xbd: {  	[sflag:s0] =	ssyncadd.remote.s32 $0x1  }
0xbe: {  	_ =	sfence.sel $0xFFFF  }
0xbf: {  	[dreg:$0x0] =	wrdreg $0xFFFFFFFF;
	(pc) =	sbr.abs _section_cstart, $3  }
0xc0: {  	[dreg:$0x1] =	wrdreg $0xFFFFFFFF  }
0xc1: {  	_ =	task.clear_ibuf [dreg:s6], $0x2FFFF;
	_ =	strace $0x9FFFFFFF  }
0xc2: {  	(tm) =	ssettm $0x7FFFFFFF  }
0xc3: {  	_ =	shalt  }
tec
execute0_lowered:
.L_overlay_start_1:
0x0: {  	(tag) =	ssettag $0x1  }
0x1: {  	s1 =	srdreg.scid;
	s5 =	rddreg [dreg:$0x0]  }
0x2: {  	s0 =	stileid.u32;
	s2 =	rddreg [dreg:$0x1]  }
0x3: {  	s3 =	simm.s32 $0x0;
	s11 =	simm.s32 $0x100;
	s12 =	simm.s32 $0x180  }
0x4: {  	s13 =	simm.s32 $0x200;
	s14 =	simm.s32 $0x280;
	s15 =	simm.s32 $0x300  }
0x5: {  	s16 =	simm.s32 $0x380;
	s17 =	simm.s32 $0x400;
	s18 =	simm.s32 $0x480  }
0x6: {  	s19 =	simm.s32 $0x500;
	s6 =	sand.u32 $0x1, s1;
	s1 =	rddreg [dreg:$0x2]  }
0x7: {  	s20 =	simm.s32 $0x580;
	s21 =	simm.s32 $0x600;
	[smem:$0x7FF] =	sst s3  }
0x8: {  	s23 =	simm.s32 $0xDB00;
	_ =	strace $0x80000047;
	[dreg:$0x6] =	wrdreg s11  }
0x9: {  	s24 =	simm.s32 $0x1;
	s28 =	simm.s32 $0xDF00;
	[dreg:$0x7] =	wrdreg s12  }
0xa: {  	s25 =	sshll.u32 s0, $0x1;
	s22 =	sshll.u32 s0, $0x5;
	[dreg:$0x8] =	wrdreg s13  }
0xb: {  	s30 =	sshll.u32 s0, $0xA;
	s7 =	sor.u32 s6, s25;
	[dreg:$0x9] =	wrdreg s14  }
0xc: {  	s6 =	ssub.s32 $0x2, s6;
	s25 =	sor.u32 $0x10, s22;
	[dreg:$0xa] =	wrdreg s15  }
0xd: {  	s11 =	simm.s32 $0x2700;
	s12 =	simm.s32 $0x3700;
	[dreg:$0xb] =	wrdreg s16  }
0xe: {  	s13 =	simm.s32 $0x4700;
	s14 =	simm.s32 $0x5700;
	[dreg:$0xc] =	wrdreg s17  }
0xf: {  	s15 =	simm.s32 $0x6700;
	s16 =	simm.s32 $0x7700;
	[dreg:$0xd] =	wrdreg s18  }
0x10: {  	s17 =	simm.s32 $0x8700;
	s18 =	simm.s32 $0x9700;
	[dreg:$0xe] =	wrdreg s19  }
0x11: {  	v1 =	vlaneseq.u32;
	s19 =	simm.s32 $0xA700;
	[dreg:$0xf] =	wrdreg s20;
	s20 =	simm.s32 $0xB700  }
0x12: {  	v0 =	vor.u32 s22, v1;
	s22 =	simm.s32 $0xC700;
	s4 =	smul.u32 $0xD0, s7;
	s9 =	sshll.u32 s7, $0x7  }
0x13: {  	s7 =	sshll.u32 s7, $0x2;
	s10 =	sshrl.u32 s6, $0x1;
	v1 =	vor.u32 s25, v1;
	s25 =	simm.s32 $0x680  }
0x14: {  	s9 =	sadd.s32 s9, s5;
	s6 =	ssub.s32 s6, s10;
	s10 =	simm.s32 $0x1700  }
0x15: {  	s8 =	sadd.s32 s4, s5;
	s4 =	sadd.s32 $0x3200, s5;
	s5 =	sadd.s32 s7, s5  }
0x16: {  	s29 =	sadd.s32 $0x64E00, s9;
	s6 =	smax.u32 s6, $0x1;
	s7 =	simm.s32 $0x3  }
0x17: {  	s9 =	simm.s32 $0x700;
	s26 =	sadd.s32 $0x1800, s8;
	[dreg:$0x4] =	wrdreg s29  }
0x18: {  	s31 =	sadd.s32 $0x65E00, s5;
	s5 =	sadd.s32 s30, s2;
	[dreg:$0x3] =	wrdreg s26  }
0x19: {  	v2 =	vimm.f32 $0.0e+00;
	v3 =	vimm.f32 $1.000000000e+00;
	s8 =	simm.s32 $0x80;
	[dreg:$0x5] =	wrdreg s31;
	s26 =	simm.s32 $0x2  }
.LBB2_1:
0x1a: {  	s29 =	rddreg [dreg:$0x3]  }
0x1b: {  	[tilespmem:s3], [sflag:$0x3] =	stream.linear.gather [hbm4b:s29+s3], $0x680, $0x38;
	[tilespmem:$0xDF20] =	vst v63  }
0x1c: {  	_ =	swait.ge [sflag:s7], $0x680  }
0x1d: {  	[sflag:s7] =	ssyncset.done $0x0  }
0x1e: {  	[sflag:s7] =	ssyncadd.s32 $0xFFFFF980  }
0x1f: {  	[tilespmem:s9], [sflag:$0x1] =	stream.indirect.gather [hbm4b:s4+s8], $0x20, s3, s8, $0xb8;
	[tilespmem:$0xDF20] =	vst v63  }
0x20: {  	_ = 	snop  }
0x21: {  	[tilespmem:s10], [sflag:$0x1] =	stream.indirect.gather [hbm4b:s4+s8], $0x20, s8, s8, $0xb8;
	[tilespmem:$0xDF20] =	vst v63  }
0x22: {  	s31 =	rddreg [dreg:$0x6]  }
0x23: {  	[tilespmem:s11], [sflag:$0x1] =	stream.indirect.gather [hbm4b:s4+s8], $0x20, s31, s8, $0xb8;
	[tilespmem:$0xDF20] =	vst v63  }
0x24: {  	s30 =	rddreg [dreg:$0x7]  }
0x25: {  	[tilespmem:s12], [sflag:$0x1] =	stream.indirect.gather [hbm4b:s4+s8], $0x20, s30, s8, $0xb8;
	[tilespmem:$0xDF20] =	vst v63  }
0x26: {  	s29 =	rddreg [dreg:$0x8]  }
0x27: {  	[tilespmem:s13], [sflag:$0x1] =	stream.indirect.gather [hbm4b:s4+s8], $0x20, s29, s8, $0xb8;
	[tilespmem:$0xDF20] =	vst v63  }
0x28: {  	s31 =	rddreg [dreg:$0x9]  }
0x29: {  	[tilespmem:s14], [sflag:$0x1] =	stream.indirect.gather [hbm4b:s4+s8], $0x20, s31, s8, $0xb8;
	[tilespmem:$0xDF20] =	vst v63  }
0x2a: {  	s29 =	rddreg [dreg:$0xa]  }
0x2b: {  	[tilespmem:s15], [sflag:$0x1] =	stream.indirect.gather [hbm4b:s4+s8], $0x20, s29, s8, $0xb8;
	[tilespmem:$0xDF20] =	vst v63  }
0x2c: {  	s31 =	rddreg [dreg:$0xb]  }
0x2d: {  	[tilespmem:s16], [sflag:$0x1] =	stream.indirect.gather [hbm4b:s4+s8], $0x20, s31, s8, $0xb8;
	[tilespmem:$0xDF20] =	vst v63  }
0x2e: {  	s29 =	rddreg [dreg:$0xc]  }
0x2f: {  	[tilespmem:s17], [sflag:$0x1] =	stream.indirect.gather [hbm4b:s4+s8], $0x20, s29, s8, $0xb8;
	[tilespmem:$0xDF20] =	vst v63  }
0x30: {  	s31 =	rddreg [dreg:$0xd]  }
0x31: {  	[tilespmem:s18], [sflag:$0x1] =	stream.indirect.gather [hbm4b:s4+s8], $0x20, s31, s8, $0xb8;
	[tilespmem:$0xDF20] =	vst v63  }
0x32: {  	s29 =	rddreg [dreg:$0xe]  }
0x33: {  	[tilespmem:s19], [sflag:$0x1] =	stream.indirect.gather [hbm4b:s4+s8], $0x20, s29, s8, $0xb8;
	[tilespmem:$0xDF20] =	vst v63  }
0x34: {  	s31 =	rddreg [dreg:$0xf]  }
0x35: {  	[tilespmem:s20], [sflag:$0x1] =	stream.indirect.gather [hbm4b:s4+s8], $0x20, s31, s8, $0xb8;
	[tilespmem:$0xDF20] =	vst v63  }
0x36: {  	_ = 	snop  }
0x37: {  	[tilespmem:s22], [sflag:$0x1] =	stream.indirect.gather [hbm4b:s4+s8], $0x20, s21, s8, $0xb8;
	[tilespmem:$0xDF20] =	vst v63  }
0x38: {  	[tilespmem:$0x680] =	vst v0  }
0x39: {  	[tilespmem:$0x690] =	vst v1  }
0x3a: {  	[tilespmem:$0x6A0] =	vst v0  }
0x3b: {  	[tilespmem:$0x6B0] =	vst v1  }
0x3c: {  	[tilespmem:$0x6C0] =	vst v0  }
0x3d: {  	[tilespmem:$0x6D0] =	vst v1  }
0x3e: {  	[tilespmem:$0x6E0] =	vst v0  }
0x3f: {  	[tilespmem:$0x6F0] =	vst v1  }
0x40: {  	[tilespmem:$0xDB00] =	vst v2  }
0x41: {  	[tilespmem:$0xDB10] =	vst v2  }
0x42: {  	[tilespmem:$0xDB20] =	vst v2  }
0x43: {  	[tilespmem:$0xDB30] =	vst v2  }
0x44: {  	[tilespmem:$0xDB40] =	vst v2  }
0x45: {  	[tilespmem:$0xDB50] =	vst v2  }
0x46: {  	[tilespmem:$0xDB60] =	vst v2  }
0x47: {  	[tilespmem:$0xDB70] =	vst v2  }
0x48: {  	[tilespmem:$0xDB80] =	vst v2  }
0x49: {  	[tilespmem:$0xDB90] =	vst v2  }
0x4a: {  	[tilespmem:$0xDBA0] =	vst v2  }
0x4b: {  	[tilespmem:$0xDBB0] =	vst v2  }
0x4c: {  	[tilespmem:$0xDBC0] =	vst v2  }
0x4d: {  	[tilespmem:$0xDBD0] =	vst v2  }
0x4e: {  	[tilespmem:$0xDBE0] =	vst v2  }
0x4f: {  	[tilespmem:$0xDBF0] =	vst v2  }
0x50: {  	[tilespmem:$0xDC00] =	vst v2  }
0x51: {  	[tilespmem:$0xDC10] =	vst v2  }
0x52: {  	[tilespmem:$0xDC20] =	vst v2  }
0x53: {  	[tilespmem:$0xDC30] =	vst v2  }
0x54: {  	[tilespmem:$0xDC40] =	vst v2  }
0x55: {  	[tilespmem:$0xDC50] =	vst v2  }
0x56: {  	[tilespmem:$0xDC60] =	vst v2  }
0x57: {  	[tilespmem:$0xDC70] =	vst v2  }
0x58: {  	[tilespmem:$0xDC80] =	vst v2  }
0x59: {  	[tilespmem:$0xDC90] =	vst v2  }
0x5a: {  	[tilespmem:$0xDCA0] =	vst v2  }
0x5b: {  	[tilespmem:$0xDCB0] =	vst v2  }
0x5c: {  	[tilespmem:$0xDCC0] =	vst v2  }
0x5d: {  	[tilespmem:$0xDCD0] =	vst v2  }
0x5e: {  	[tilespmem:$0xDCE0] =	vst v2  }
0x5f: {  	[tilespmem:$0xDCF0] =	vst v2  }
0x60: {  	[tilespmem:$0xDD00] =	vst v2  }
0x61: {  	[tilespmem:$0xDD10] =	vst v2  }
0x62: {  	[tilespmem:$0xDD20] =	vst v2  }
0x63: {  	[tilespmem:$0xDD30] =	vst v2  }
0x64: {  	[tilespmem:$0xDD40] =	vst v2  }
0x65: {  	[tilespmem:$0xDD50] =	vst v2  }
0x66: {  	[tilespmem:$0xDD60] =	vst v2  }
0x67: {  	[tilespmem:$0xDD70] =	vst v2  }
0x68: {  	[tilespmem:$0xDD80] =	vst v2  }
0x69: {  	[tilespmem:$0xDD90] =	vst v2  }
0x6a: {  	[tilespmem:$0xDDA0] =	vst v2  }
0x6b: {  	[tilespmem:$0xDDB0] =	vst v2  }
0x6c: {  	[tilespmem:$0xDDC0] =	vst v2  }
0x6d: {  	[tilespmem:$0xDDD0] =	vst v2  }
0x6e: {  	[tilespmem:$0xDDE0] =	vst v2  }
0x6f: {  	[tilespmem:$0xDDF0] =	vst v2  }
0x70: {  	[tilespmem:$0xDE00] =	vst v2  }
0x71: {  	[tilespmem:$0xDE10] =	vst v2  }
0x72: {  	[tilespmem:$0xDE20] =	vst v2  }
0x73: {  	[tilespmem:$0xDE30] =	vst v2  }
0x74: {  	[tilespmem:$0xDE40] =	vst v2  }
0x75: {  	[tilespmem:$0xDE50] =	vst v2  }
0x76: {  	[tilespmem:$0xDE60] =	vst v2  }
0x77: {  	[tilespmem:$0xDE70] =	vst v2  }
0x78: {  	[tilespmem:$0xDE80] =	vst v2  }
0x79: {  	[tilespmem:$0xDE90] =	vst v2  }
0x7a: {  	[tilespmem:$0xDEA0] =	vst v2  }
0x7b: {  	[tilespmem:$0xDEB0] =	vst v2  }
0x7c: {  	[tilespmem:$0xDEC0] =	vst v2  }
0x7d: {  	[tilespmem:$0xDED0] =	vst v2  }
0x7e: {  	[tilespmem:$0xDEE0] =	vst v2  }
0x7f: {  	[tilespmem:$0xDEF0] =	vst v2  }
0x80: {  	[spmem:s5] =	stream.linear.scatter [tilespmem:s23], [sflag:$0x3], $0x400, $0x38;
	[tilespmem:$0xDF20] =	vst v63  }
0x81: {  	_ =	swait.ge [sflag:s7], $0x400  }
0x82: {  	[sflag:s7] =	ssyncset.done $0x0  }
0x83: {  	[sflag:s7] =	ssyncadd.s32 $0xFFFFFC00  }
0x84: {  	v4 =	vld [tilespmem:$0x0]  }
0x85: {  	v5 =	vld [tilespmem:$0x10]  }
0x86: {  	v6 =	vld [tilespmem:$0x20]  }
0x87: {  	v7 =	vld [tilespmem:$0x30]  }
0x88: {  	v8 =	vld [tilespmem:$0x40];
	_ =	sdelay $0x1  }
0x89: {  	v9 =	vld [tilespmem:$0x50]  }
0x8a: {  	vm0 =	veq.s32 v4, $0x0;
	v4 =	vld [tilespmem:$0x60]  }
0x8b: {  	vm10 =	veq.s32 v5, $0x0;
	vm1 =	veq.s32 v6, $0x0;
	v5 =	vld [tilespmem:$0x70];
	vm11 =	veq.s32 v7, $0x0  }
0x8c: {  	v61 =	vld [tilespmem:$0x80];
	vm12 =	veq.s32 v8, $0x0;
	v10 =	vsel vm0, $0x0, v3;
	v11 =	vsel vm1, $0x0, v3  }
0x8d: {  	v63 =	vld [tilespmem:$0x90];
	v60 =	vsel vm10, $0x0, v3;
	v62 =	vsel vm11, $0x0, v3;
	v10 =	vadd.f32 v11, v10  }
0x8e: {  	v13 =	vld [tilespmem:$0xA0];
	vm13 =	veq.s32 v9, $0x0;
	v12 =	vsel vm12, $0x0, v3;
	v6 =	vadd.f32 v62, v60  }
0x8f: {  	v14 =	vsel vm13, $0x0, v3;
	v10 =	vadd.f32 v12, v10;
	vm14 =	veq.s32 v4, $0x0;
	v4 =	vld [tilespmem:$0xB0]  }
0x90: {  	v6 =	vadd.f32 v14, v6;
	vm15 =	veq.s32 v5, $0x0;
	v5 =	vld [tilespmem:$0xC0];
	v15 =	vsel vm14, $0x0, v3  }
0x91: {  	v17 =	vld [tilespmem:$0xD0];
	vm4 =	veq.s32 v61, $0x0;
	v16 =	vsel vm15, $0x0, v3;
	v10 =	vadd.f32 v15, v10  }
0x92: {  	v19 =	vld [tilespmem:$0xE0];
	vm5 =	veq.s32 v63, $0x0;
	v18 =	vsel vm4, $0x0, v3;
	v6 =	vadd.f32 v16, v6  }
0x93: {  	v21 =	vld [tilespmem:$0xF0];
	vm6 =	veq.s32 v13, $0x0;
	v20 =	vsel vm5, $0x0, v3;
	v10 =	vadd.f32 v18, v10  }
0x94: {  	v22 =	vsel vm6, $0x0, v3;
	v6 =	vadd.f32 v20, v6;
	vm7 =	veq.s32 v4, $0x0;
	v4 =	vld [tilespmem:$0x100]  }
0x95: {  	vm8 =	veq.s32 v5, $0x0;
	v5 =	vld [tilespmem:$0x110];
	v10 =	vadd.f32 v22, v10;
	v23 =	vsel vm7, $0x0, v3  }
0x96: {  	v25 =	vld [tilespmem:$0x120];
	vm9 =	veq.s32 v17, $0x0;
	v24 =	vsel vm8, $0x0, v3;
	v6 =	vadd.f32 v23, v6  }
0x97: {  	v27 =	vld [tilespmem:$0x130];
	v26 =	vsel vm9, $0x0, v3;
	vm10 =	veq.s32 v19, $0x0;
	v10 =	vadd.f32 v24, v10  }
0x98: {  	v29 =	vld [tilespmem:$0x140];
	vm11 =	veq.s32 v21, $0x0;
	v28 =	vsel vm10, $0x0, v3;
	v6 =	vadd.f32 v26, v6  }
0x99: {  	v30 =	vsel vm11, $0x0, v3;
	v10 =	vadd.f32 v28, v10;
	vm12 =	veq.s32 v4, $0x0;
	v4 =	vld [tilespmem:$0x150]  }
0x9a: {  	vm13 =	veq.s32 v5, $0x0;
	v5 =	vld [tilespmem:$0x160];
	v6 =	vadd.f32 v30, v6;
	v31 =	vsel vm12, $0x0, v3  }
0x9b: {  	v33 =	vld [tilespmem:$0x170];
	vm14 =	veq.s32 v25, $0x0;
	v32 =	vsel vm13, $0x0, v3;
	v10 =	vadd.f32 v31, v10  }
0x9c: {  	v35 =	vld [tilespmem:$0x180];
	vm15 =	veq.s32 v27, $0x0;
	v34 =	vsel vm14, $0x0, v3;
	v6 =	vadd.f32 v32, v6  }
0x9d: {  	v37 =	vld [tilespmem:$0x190];
	vm4 =	veq.s32 v29, $0x0;
	v36 =	vsel vm15, $0x0, v3;
	v10 =	vadd.f32 v34, v10  }
0x9e: {  	v38 =	vsel vm4, $0x0, v3;
	v6 =	vadd.f32 v36, v6;
	vm5 =	veq.s32 v4, $0x0;
	v4 =	vld [tilespmem:$0x1A0]  }
0x9f: {  	vm6 =	veq.s32 v5, $0x0;
	v5 =	vld [tilespmem:$0x1B0];
	v10 =	vadd.f32 v38, v10;
	v39 =	vsel vm5, $0x0, v3  }
0xa0: {  	v41 =	vld [tilespmem:$0x1C0];
	vm7 =	veq.s32 v33, $0x0;
	v40 =	vsel vm6, $0x0, v3;
	v6 =	vadd.f32 v39, v6  }
0xa1: {  	v43 =	vld [tilespmem:$0x1D0];
	vm8 =	veq.s32 v35, $0x0;
	v42 =	vsel vm7, $0x0, v3;
	v10 =	vadd.f32 v40, v10  }
0xa2: {  	v45 =	vld [tilespmem:$0x1E0];
	vm9 =	veq.s32 v37, $0x0;
	v44 =	vsel vm8, $0x0, v3;
	v6 =	vadd.f32 v42, v6  }
0xa3: {  	v46 =	vsel vm9, $0x0, v3;
	v10 =	vadd.f32 v44, v10;
	vm10 =	veq.s32 v4, $0x0;
	v4 =	vld [tilespmem:$0x1F0]  }
0xa4: {  	vm11 =	veq.s32 v5, $0x0;
	v5 =	vld [tilespmem:$0x200];
	v6 =	vadd.f32 v46, v6;
	v47 =	vsel vm10, $0x0, v3  }
0xa5: {  	v49 =	vld [tilespmem:$0x210];
	vm12 =	veq.s32 v41, $0x0;
	v48 =	vsel vm11, $0x0, v3;
	v10 =	vadd.f32 v47, v10  }
0xa6: {  	v51 =	vld [tilespmem:$0x220];
	vm13 =	veq.s32 v43, $0x0;
	v50 =	vsel vm12, $0x0, v3;
	v6 =	vadd.f32 v48, v6  }
0xa7: {  	v53 =	vld [tilespmem:$0x230];
	vm14 =	veq.s32 v45, $0x0;
	v52 =	vsel vm13, $0x0, v3;
	v10 =	vadd.f32 v50, v10  }
0xa8: {  	v54 =	vsel vm14, $0x0, v3;
	v6 =	vadd.f32 v52, v6;
	vm15 =	veq.s32 v4, $0x0;
	v4 =	vld [tilespmem:$0x240]  }
0xa9: {  	vm4 =	veq.s32 v5, $0x0;
	v5 =	vld [tilespmem:$0x250];
	v10 =	vadd.f32 v54, v10;
	v55 =	vsel vm15, $0x0, v3  }
0xaa: {  	v57 =	vld [tilespmem:$0x260];
	vm5 =	veq.s32 v49, $0x0;
	v56 =	vsel vm4, $0x0, v3;
	v6 =	vadd.f32 v55, v6  }
0xab: {  	v59 =	vld [tilespmem:$0x270];
	vm6 =	veq.s32 v51, $0x0;
	v58 =	vsel vm5, $0x0, v3;
	v10 =	vadd.f32 v56, v10  }
0xac: {  	v61 =	vld [tilespmem:$0x280];
	vm7 =	veq.s32 v53, $0x0;
	v60 =	vsel vm6, $0x0, v3;
	v6 =	vadd.f32 v58, v6  }
0xad: {  	v62 =	vsel vm7, $0x0, v3;
	v10 =	vadd.f32 v60, v10;
	vm8 =	veq.s32 v4, $0x0;
	v4 =	vld [tilespmem:$0x290]  }
0xae: {  	vm9 =	veq.s32 v5, $0x0;
	v5 =	vld [tilespmem:$0x2A0];
	v6 =	vadd.f32 v62, v6;
	v63 =	vsel vm8, $0x0, v3  }
0xaf: {  	v13 =	vld [tilespmem:$0x2B0];
	vm10 =	veq.s32 v57, $0x0;
	v12 =	vsel vm9, $0x0, v3;
	v10 =	vadd.f32 v63, v10  }
0xb0: {  	v15 =	vld [tilespmem:$0x2C0];
	vm11 =	veq.s32 v59, $0x0;
	v14 =	vsel vm10, $0x0, v3;
	v6 =	vadd.f32 v12, v6  }
0xb1: {  	v17 =	vld [tilespmem:$0x2D0];
	vm12 =	veq.s32 v61, $0x0;
	v16 =	vsel vm11, $0x0, v3;
	v10 =	vadd.f32 v14, v10  }
0xb2: {  	v18 =	vsel vm12, $0x0, v3;
	v6 =	vadd.f32 v16, v6;
	vm13 =	veq.s32 v4, $0x0;
	v4 =	vld [tilespmem:$0x2E0]  }
0xb3: {  	vm14 =	veq.s32 v5, $0x0;
	v5 =	vld [tilespmem:$0x2F0];
	v10 =	vadd.f32 v18, v10;
	v19 =	vsel vm13, $0x0, v3  }
0xb4: {  	v21 =	vld [tilespmem:$0x300];
	vm15 =	veq.s32 v13, $0x0;
	v20 =	vsel vm14, $0x0, v3;
	v6 =	vadd.f32 v19, v6  }
0xb5: {  	v23 =	vld [tilespmem:$0x310];
	vm4 =	veq.s32 v15, $0x0;
	v22 =	vsel vm15, $0x0, v3;
	v10 =	vadd.f32 v20, v10  }
0xb6: {  	v25 =	vld [tilespmem:$0x320];
	vm5 =	veq.s32 v17, $0x0;
	v24 =	vsel vm4, $0x0, v3;
	v6 =	vadd.f32 v22, v6  }
0xb7: {  	v26 =	vsel vm5, $0x0, v3;
	v10 =	vadd.f32 v24, v10;
	vm6 =	veq.s32 v4, $0x0;
	v4 =	vld [tilespmem:$0x330]  }
0xb8: {  	vm7 =	veq.s32 v5, $0x0;
	v5 =	vld [tilespmem:$0x340];
	v6 =	vadd.f32 v26, v6;
	v27 =	vsel vm6, $0x0, v3  }
0xb9: {  	v29 =	vld [tilespmem:$0x350];
	vm8 =	veq.s32 v21, $0x0;
	v28 =	vsel vm7, $0x0, v3;
	v10 =	vadd.f32 v27, v10  }
0xba: {  	v31 =	vld [tilespmem:$0x360];
	vm9 =	veq.s32 v23, $0x0;
	v30 =	vsel vm8, $0x0, v3;
	v6 =	vadd.f32 v28, v6  }
0xbb: {  	v33 =	vld [tilespmem:$0x370];
	vm10 =	veq.s32 v25, $0x0;
	v32 =	vsel vm9, $0x0, v3;
	v10 =	vadd.f32 v30, v10  }
0xbc: {  	v34 =	vsel vm10, $0x0, v3;
	v6 =	vadd.f32 v32, v6;
	vm11 =	veq.s32 v4, $0x0;
	v4 =	vld [tilespmem:$0x380]  }
0xbd: {  	vm12 =	veq.s32 v5, $0x0;
	v5 =	vld [tilespmem:$0x390];
	v10 =	vadd.f32 v34, v10;
	v35 =	vsel vm11, $0x0, v3  }
0xbe: {  	v37 =	vld [tilespmem:$0x3A0];
	vm13 =	veq.s32 v29, $0x0;
	v36 =	vsel vm12, $0x0, v3;
	v6 =	vadd.f32 v35, v6  }
0xbf: {  	v39 =	vld [tilespmem:$0x3B0];
	vm14 =	veq.s32 v31, $0x0;
	v38 =	vsel vm13, $0x0, v3;
	v10 =	vadd.f32 v36, v10  }
0xc0: {  	v41 =	vld [tilespmem:$0x3C0];
	vm15 =	veq.s32 v33, $0x0;
	v40 =	vsel vm14, $0x0, v3;
	v6 =	vadd.f32 v38, v6  }
0xc1: {  	v42 =	vsel vm15, $0x0, v3;
	v10 =	vadd.f32 v40, v10;
	vm4 =	veq.s32 v4, $0x0;
	v4 =	vld [tilespmem:$0x3D0]  }
0xc2: {  	vm5 =	veq.s32 v5, $0x0;
	v5 =	vld [tilespmem:$0x3E0];
	v6 =	vadd.f32 v42, v6;
	v43 =	vsel vm4, $0x0, v3  }
0xc3: {  	v45 =	vld [tilespmem:$0x3F0];
	vm6 =	veq.s32 v37, $0x0;
	v44 =	vsel vm5, $0x0, v3;
	v10 =	vadd.f32 v43, v10  }
0xc4: {  	v47 =	vld [tilespmem:$0x400];
	vm7 =	veq.s32 v39, $0x0;
	v46 =	vsel vm6, $0x0, v3;
	v6 =	vadd.f32 v44, v6  }
0xc5: {  	v49 =	vld [tilespmem:$0x410];
	vm8 =	veq.s32 v41, $0x0;
	v48 =	vsel vm7, $0x0, v3;
	v10 =	vadd.f32 v46, v10  }
0xc6: {  	v50 =	vsel vm8, $0x0, v3;
	v6 =	vadd.f32 v48, v6;
	vm9 =	veq.s32 v4, $0x0;
	v4 =	vld [tilespmem:$0x420]  }
0xc7: {  	vm10 =	veq.s32 v5, $0x0;
	v5 =	vld [tilespmem:$0x430];
	v10 =	vadd.f32 v50, v10;
	v51 =	vsel vm9, $0x0, v3  }
0xc8: {  	v53 =	vld [tilespmem:$0x440];
	vm11 =	veq.s32 v45, $0x0;
	v52 =	vsel vm10, $0x0, v3;
	v6 =	vadd.f32 v51, v6  }
0xc9: {  	v55 =	vld [tilespmem:$0x450];
	vm12 =	veq.s32 v47, $0x0;
	v54 =	vsel vm11, $0x0, v3;
	v10 =	vadd.f32 v52, v10  }
0xca: {  	v57 =	vld [tilespmem:$0x460];
	vm13 =	veq.s32 v49, $0x0;
	v56 =	vsel vm12, $0x0, v3;
	v6 =	vadd.f32 v54, v6  }
0xcb: {  	v58 =	vsel vm13, $0x0, v3;
	v10 =	vadd.f32 v56, v10;
	vm14 =	veq.s32 v4, $0x0;
	v4 =	vld [tilespmem:$0x470]  }
0xcc: {  	vm15 =	veq.s32 v5, $0x0;
	v5 =	vld [tilespmem:$0x480];
	v6 =	vadd.f32 v58, v6;
	v59 =	vsel vm14, $0x0, v3  }
0xcd: {  	v61 =	vld [tilespmem:$0x490];
	vm4 =	veq.s32 v53, $0x0;
	v60 =	vsel vm15, $0x0, v3;
	v10 =	vadd.f32 v59, v10  }
0xce: {  	v63 =	vld [tilespmem:$0x4A0];
	vm5 =	veq.s32 v55, $0x0;
	v62 =	vsel vm4, $0x0, v3;
	v6 =	vadd.f32 v60, v6  }
0xcf: {  	v13 =	vld [tilespmem:$0x4B0];
	vm6 =	veq.s32 v57, $0x0;
	v12 =	vsel vm5, $0x0, v3;
	v10 =	vadd.f32 v62, v10  }
0xd0: {  	v14 =	vsel vm6, $0x0, v3;
	v6 =	vadd.f32 v12, v6;
	vm7 =	veq.s32 v4, $0x0;
	v4 =	vld [tilespmem:$0x4C0]  }
0xd1: {  	vm8 =	veq.s32 v5, $0x0;
	v5 =	vld [tilespmem:$0x4D0];
	v10 =	vadd.f32 v14, v10;
	v15 =	vsel vm7, $0x0, v3  }
0xd2: {  	v17 =	vld [tilespmem:$0x4E0];
	vm9 =	veq.s32 v61, $0x0;
	v16 =	vsel vm8, $0x0, v3;
	v6 =	vadd.f32 v15, v6  }
0xd3: {  	v19 =	vld [tilespmem:$0x4F0];
	vm10 =	veq.s32 v63, $0x0;
	v18 =	vsel vm9, $0x0, v3;
	v10 =	vadd.f32 v16, v10  }
0xd4: {  	v21 =	vld [tilespmem:$0x500];
	vm11 =	veq.s32 v13, $0x0;
	v20 =	vsel vm10, $0x0, v3;
	v6 =	vadd.f32 v18, v6  }
0xd5: {  	v22 =	vsel vm11, $0x0, v3;
	v10 =	vadd.f32 v20, v10;
	vm12 =	veq.s32 v4, $0x0;
	v4 =	vld [tilespmem:$0x510]  }
0xd6: {  	vm13 =	veq.s32 v5, $0x0;
	v5 =	vld [tilespmem:$0x520];
	v6 =	vadd.f32 v22, v6;
	v23 =	vsel vm12, $0x0, v3  }
0xd7: {  	v25 =	vld [tilespmem:$0x530];
	vm14 =	veq.s32 v17, $0x0;
	v24 =	vsel vm13, $0x0, v3;
	v10 =	vadd.f32 v23, v10  }
0xd8: {  	v27 =	vld [tilespmem:$0x540];
	vm15 =	veq.s32 v19, $0x0;
	v26 =	vsel vm14, $0x0, v3;
	v6 =	vadd.f32 v24, v6  }
0xd9: {  	v29 =	vld [tilespmem:$0x550];
	vm4 =	veq.s32 v21, $0x0;
	v28 =	vsel vm15, $0x0, v3;
	v10 =	vadd.f32 v26, v10  }
0xda: {  	v30 =	vsel vm4, $0x0, v3;
	v6 =	vadd.f32 v28, v6;
	vm5 =	veq.s32 v4, $0x0;
	v4 =	vld [tilespmem:$0x560]  }
0xdb: {  	vm6 =	veq.s32 v5, $0x0;
	v5 =	vld [tilespmem:$0x570];
	v10 =	vadd.f32 v30, v10;
	v31 =	vsel vm5, $0x0, v3  }
0xdc: {  	v33 =	vld [tilespmem:$0x580];
	vm7 =	veq.s32 v25, $0x0;
	v32 =	vsel vm6, $0x0, v3;
	v6 =	vadd.f32 v31, v6  }
0xdd: {  	v35 =	vld [tilespmem:$0x590];
	vm8 =	veq.s32 v27, $0x0;
	v34 =	vsel vm7, $0x0, v3;
	v10 =	vadd.f32 v32, v10  }
0xde: {  	v37 =	vld [tilespmem:$0x5A0];
	vm9 =	veq.s32 v29, $0x0;
	v36 =	vsel vm8, $0x0, v3;
	v6 =	vadd.f32 v34, v6  }
0xdf: {  	v38 =	vsel vm9, $0x0, v3;
	v10 =	vadd.f32 v36, v10;
	vm10 =	veq.s32 v4, $0x0;
	v4 =	vld [tilespmem:$0x5B0]  }
0xe0: {  	vm11 =	veq.s32 v5, $0x0;
	v5 =	vld [tilespmem:$0x5C0];
	v6 =	vadd.f32 v38, v6;
	v39 =	vsel vm10, $0x0, v3  }
0xe1: {  	v41 =	vld [tilespmem:$0x5D0];
	vm12 =	veq.s32 v33, $0x0;
	v40 =	vsel vm11, $0x0, v3;
	v10 =	vadd.f32 v39, v10  }
0xe2: {  	v43 =	vld [tilespmem:$0x5E0];
	vm13 =	veq.s32 v35, $0x0;
	v42 =	vsel vm12, $0x0, v3;
	v6 =	vadd.f32 v40, v6  }
0xe3: {  	v45 =	vld [tilespmem:$0x5F0];
	vm14 =	veq.s32 v37, $0x0;
	v44 =	vsel vm13, $0x0, v3;
	v10 =	vadd.f32 v42, v10  }
0xe4: {  	v46 =	vsel vm14, $0x0, v3;
	v6 =	vadd.f32 v44, v6;
	vm15 =	veq.s32 v4, $0x0;
	v4 =	vld [tilespmem:$0x600]  }
0xe5: {  	vm4 =	veq.s32 v5, $0x0;
	v5 =	vld [tilespmem:$0x610];
	v10 =	vadd.f32 v46, v10;
	v47 =	vsel vm15, $0x0, v3  }
0xe6: {  	v49 =	vld [tilespmem:$0x620];
	vm5 =	veq.s32 v41, $0x0;
	v48 =	vsel vm4, $0x0, v3;
	v6 =	vadd.f32 v47, v6  }
0xe7: {  	v51 =	vld [tilespmem:$0x630];
	vm6 =	veq.s32 v43, $0x0;
	v50 =	vsel vm5, $0x0, v3;
	v10 =	vadd.f32 v48, v10  }
0xe8: {  	v53 =	vld [tilespmem:$0x640];
	vm7 =	veq.s32 v45, $0x0;
	v52 =	vsel vm6, $0x0, v3;
	v6 =	vadd.f32 v50, v6  }
0xe9: {  	v54 =	vsel vm7, $0x0, v3;
	v10 =	vadd.f32 v52, v10;
	vm8 =	veq.s32 v4, $0x0;
	v4 =	vld [tilespmem:$0x650]  }
0xea: {  	vm9 =	veq.s32 v5, $0x0;
	v5 =	vld [tilespmem:$0x660];
	v6 =	vadd.f32 v54, v6;
	v55 =	vsel vm8, $0x0, v3  }
0xeb: {  	v57 =	vld [tilespmem:$0x670];
	vm10 =	veq.s32 v49, $0x0;
	v56 =	vsel vm9, $0x0, v3;
	v10 =	vadd.f32 v55, v10  }
0xec: {  	vm11 =	veq.s32 v51, $0x0;
	v58 =	vsel vm10, $0x0, v3;
	v6 =	vadd.f32 v56, v6  }
0xed: {  	vm12 =	veq.s32 v53, $0x0;
	v60 =	vsel vm11, $0x0, v3;
	v59 =	vadd.f32 v58, v10  }
0xee: {  	v9 =	vsel vm12, $0x0, v3;
	v6 =	vadd.f32 v60, v6;
	vm13 =	veq.s32 v4, $0x0  }
0xef: {  	vm14 =	veq.s32 v5, $0x0;
	v4 =	vadd.f32 v9, v59;
	v61 =	vsel vm13, $0x0, v3  }
0xf0: {  	vm15 =	veq.s32 v57, $0x0;
	v62 =	vsel vm14, $0x0, v3;
	v5 =	vadd.f32 v61, v6  }
0xf1: {  	v63 =	vsel vm15, $0x0, v3;
	v4 =	vadd.f32 v62, v4  }
0xf2: {  	v5 =	vadd.f32 v63, v5  }
0xf3: {  	[tilespmem:$0xDF00] =	vst v4  }
0xf4: {  	[tilespmem:$0xDF10] =	vst v5  }
0xf5: {  	_ =	swait.ge [sflag:s24], $0x1000  }
0xf6: {  	[sflag:s24] =	ssyncset.done $0x0  }
0xf7: {  	[sflag:s24] =	ssyncadd.s32 $0xFFFFF000  }
0xf8: {  	_ =	swait.ge [sflag:s24], $0x1000  }
0xf9: {  	[sflag:s24] =	ssyncset.done $0x0  }
0xfa: {  	[sflag:s24] =	ssyncadd.s32 $0xFFFFF000  }
0xfb: {  	_ =	swait.ge [sflag:s24], $0x1000  }
0xfc: {  	[sflag:s24] =	ssyncset.done $0x0  }
0xfd: {  	[sflag:s24] =	ssyncadd.s32 $0xFFFFF000  }
0xfe: {  	_ =	swait.ge [sflag:s24], $0x1000  }
0xff: {  	[sflag:s24] =	ssyncset.done $0x0  }
0x100: {  	[sflag:s24] =	ssyncadd.s32 $0xFFFFF000  }
0x101: {  	_ =	swait.ge [sflag:s24], $0x1000  }
0x102: {  	[sflag:s24] =	ssyncset.done $0x0  }
0x103: {  	[sflag:s24] =	ssyncadd.s32 $0xFFFFF000  }
0x104: {  	_ =	swait.ge [sflag:s24], $0x1000  }
0x105: {  	[sflag:s24] =	ssyncset.done $0x0  }
0x106: {  	[sflag:s24] =	ssyncadd.s32 $0xFFFFF000  }
0x107: {  	_ =	swait.ge [sflag:s24], $0x1000  }
0x108: {  	[sflag:s24] =	ssyncset.done $0x0  }
0x109: {  	[sflag:s24] =	ssyncadd.s32 $0xFFFFF000  }
0x10a: {  	_ =	swait.ge [sflag:s24], $0x1000  }
0x10b: {  	[sflag:s24] =	ssyncset.done $0x0  }
0x10c: {  	[sflag:s24] =	ssyncadd.s32 $0xFFFFF000  }
0x10d: {  	_ =	swait.ge [sflag:s24], $0x1000  }
0x10e: {  	[sflag:s24] =	ssyncset.done $0x0  }
0x10f: {  	[sflag:s24] =	ssyncadd.s32 $0xFFFFF000  }
0x110: {  	_ =	swait.ge [sflag:s24], $0x1000  }
0x111: {  	[sflag:s24] =	ssyncset.done $0x0  }
0x112: {  	[sflag:s24] =	ssyncadd.s32 $0xFFFFF000  }
0x113: {  	_ =	swait.ge [sflag:s24], $0x1000  }
0x114: {  	[sflag:s24] =	ssyncset.done $0x0  }
0x115: {  	[sflag:s24] =	ssyncadd.s32 $0xFFFFF000  }
0x116: {  	_ =	swait.ge [sflag:s24], $0x1000  }
0x117: {  	[sflag:s24] =	ssyncset.done $0x0  }
0x118: {  	[sflag:s24] =	ssyncadd.s32 $0xFFFFF000  }
0x119: {  	_ =	swait.ge [sflag:s24], $0x1000  }
0x11a: {  	[sflag:s24] =	ssyncset.done $0x0  }
0x11b: {  	[sflag:s24] =	ssyncadd.s32 $0xFFFFF000  }
0x11c: {  	[spmem:s2] =	stream.indirect.scatter.add.f32 [tilespmem:s9], [sflag:$0x2], $0x20, s25, s8, $0xb8;
	[tilespmem:$0xDF20] =	vst v63  }
0x11d: {  	_ = 	snop  }
0x11e: {  	[spmem:s2] =	stream.indirect.scatter.add.f32 [tilespmem:s10], [sflag:$0x2], $0x20, s25, s8, $0xb8;
	[tilespmem:$0xDF20] =	vst v63  }
0x11f: {  	_ = 	snop  }
0x120: {  	[spmem:s2] =	stream.indirect.scatter.add.f32 [tilespmem:s11], [sflag:$0x2], $0x20, s25, s8, $0xb8;
	[tilespmem:$0xDF20] =	vst v63  }
0x121: {  	_ = 	snop  }
0x122: {  	[spmem:s2] =	stream.indirect.scatter.add.f32 [tilespmem:s12], [sflag:$0x2], $0x20, s25, s8, $0xb8;
	[tilespmem:$0xDF20] =	vst v63  }
0x123: {  	_ = 	snop  }
0x124: {  	[spmem:s2] =	stream.indirect.scatter.add.f32 [tilespmem:s13], [sflag:$0x2], $0x20, s25, s8, $0xb8;
	[tilespmem:$0xDF20] =	vst v63  }
0x125: {  	_ = 	snop  }
0x126: {  	[spmem:s2] =	stream.indirect.scatter.add.f32 [tilespmem:s14], [sflag:$0x2], $0x20, s25, s8, $0xb8;
	[tilespmem:$0xDF20] =	vst v63  }
0x127: {  	_ = 	snop  }
0x128: {  	[spmem:s2] =	stream.indirect.scatter.add.f32 [tilespmem:s15], [sflag:$0x2], $0x20, s25, s8, $0xb8;
	[tilespmem:$0xDF20] =	vst v63  }
0x129: {  	_ = 	snop  }
0x12a: {  	[spmem:s2] =	stream.indirect.scatter.add.f32 [tilespmem:s16], [sflag:$0x2], $0x20, s25, s8, $0xb8;
	[tilespmem:$0xDF20] =	vst v63  }
0x12b: {  	_ = 	snop  }
0x12c: {  	[spmem:s2] =	stream.indirect.scatter.add.f32 [tilespmem:s17], [sflag:$0x2], $0x20, s25, s8, $0xb8;
	[tilespmem:$0xDF20] =	vst v63  }
0x12d: {  	_ = 	snop  }
0x12e: {  	[spmem:s2] =	stream.indirect.scatter.add.f32 [tilespmem:s18], [sflag:$0x2], $0x20, s25, s8, $0xb8;
	[tilespmem:$0xDF20] =	vst v63  }
0x12f: {  	_ = 	snop  }
0x130: {  	[spmem:s2] =	stream.indirect.scatter.add.f32 [tilespmem:s19], [sflag:$0x2], $0x20, s25, s8, $0xb8;
	[tilespmem:$0xDF20] =	vst v63  }
0x131: {  	_ = 	snop  }
0x132: {  	[spmem:s2] =	stream.indirect.scatter.add.f32 [tilespmem:s20], [sflag:$0x2], $0x20, s25, s8, $0xb8;
	[tilespmem:$0xDF20] =	vst v63  }
0x133: {  	_ = 	snop  }
0x134: {  	[spmem:s2] =	stream.indirect.scatter.add.f32 [tilespmem:s22], [sflag:$0x2], $0x20, s25, s8, $0xb8;
	[tilespmem:$0xDF20] =	vst v63  }
0x135: {  	_ =	swait.ge [sflag:s26], $0x1000  }
0x136: {  	[sflag:s26] =	ssyncset.done $0x0  }
0x137: {  	[sflag:s26] =	ssyncadd.s32 $0xFFFFF000  }
0x138: {  	_ =	swait.ge [sflag:s26], $0x1000  }
0x139: {  	[sflag:s26] =	ssyncset.done $0x0  }
0x13a: {  	[sflag:s26] =	ssyncadd.s32 $0xFFFFF000  }
0x13b: {  	_ =	swait.ge [sflag:s26], $0x1000  }
0x13c: {  	[sflag:s26] =	ssyncset.done $0x0  }
0x13d: {  	[sflag:s26] =	ssyncadd.s32 $0xFFFFF000  }
0x13e: {  	_ =	swait.ge [sflag:s26], $0x1000  }
0x13f: {  	[sflag:s26] =	ssyncset.done $0x0  }
0x140: {  	[sflag:s26] =	ssyncadd.s32 $0xFFFFF000  }
0x141: {  	_ =	swait.ge [sflag:s26], $0x1000  }
0x142: {  	[sflag:s26] =	ssyncset.done $0x0  }
0x143: {  	[sflag:s26] =	ssyncadd.s32 $0xFFFFF000  }
0x144: {  	_ =	swait.ge [sflag:s26], $0x1000  }
0x145: {  	[sflag:s26] =	ssyncset.done $0x0  }
0x146: {  	[sflag:s26] =	ssyncadd.s32 $0xFFFFF000  }
0x147: {  	_ =	swait.ge [sflag:s26], $0x1000  }
0x148: {  	[sflag:s26] =	ssyncset.done $0x0  }
0x149: {  	[sflag:s26] =	ssyncadd.s32 $0xFFFFF000  }
0x14a: {  	_ =	swait.ge [sflag:s26], $0x1000  }
0x14b: {  	[sflag:s26] =	ssyncset.done $0x0  }
0x14c: {  	[sflag:s26] =	ssyncadd.s32 $0xFFFFF000  }
0x14d: {  	_ =	swait.ge [sflag:s26], $0x1000  }
0x14e: {  	[sflag:s26] =	ssyncset.done $0x0  }
0x14f: {  	[sflag:s26] =	ssyncadd.s32 $0xFFFFF000  }
0x150: {  	_ =	swait.ge [sflag:s26], $0x1000  }
0x151: {  	[sflag:s26] =	ssyncset.done $0x0  }
0x152: {  	[sflag:s26] =	ssyncadd.s32 $0xFFFFF000  }
0x153: {  	_ =	swait.ge [sflag:s26], $0x1000  }
0x154: {  	[sflag:s26] =	ssyncset.done $0x0  }
0x155: {  	[sflag:s26] =	ssyncadd.s32 $0xFFFFF000  }
0x156: {  	_ =	swait.ge [sflag:s26], $0x1000  }
0x157: {  	[sflag:s26] =	ssyncset.done $0x0  }
0x158: {  	[sflag:s26] =	ssyncadd.s32 $0xFFFFF000  }
0x159: {  	s31 =	sshll.u32 s0, $0x6;
	_ =	swait.ge [sflag:s26], $0x1000  }
0x15a: {  	s30 =	sor.u32 $0x1C03, s31;
	[sflag:s26] =	ssyncset.done $0x0  }
0x15b: {  	s31 =	sshrl.u32 s5, $0x3;
	s29 =	rddreg [dreg:$0x4];
	[sflag:s26] =	ssyncadd.s32 $0xFFFFF000  }
0x15c: {  	[hbm:s29], [sflag:s30] =	dma.local [spmem:s31], $0x80  }
0x15d: {  	_ =	swait.ge [sflag:s7], $0x80  }
0x15e: {  	p0 =	sne.s32 s6, $0x1;
	[sflag:s7] =	ssyncset.done $0x0  }
.Ltmp0:
0x15f: {  	s31 =	rddreg [dreg:$0x5];
	[sflag:s7] =	ssyncadd.s32 $0xFFFFFF80;
	(pc) =	sbr.rel @p0 .LBB2_1-.Ltmp0, $4  }
0x160: {  	[hbm4b:s31+s3] =	stream.linear.scatter [tilespmem:s28], [sflag:$0x3], $0x20, $0x38;
	[tilespmem:$0xDF20] =	vst v63  }
0x161: {  	_ =	swait.ge [sflag:s7], $0x20  }
0x162: {  	[sflag:s7] =	ssyncset.done $0x0  }
0x163: {  	s6 =	sadd.s32 $0xFFFFFFFF, s6;
	[sflag:s7] =	ssyncadd.s32 $0xFFFFFFE0  }
0x164: {  	_ =	sfence.sel $0x180000  }
0x165: {  	[bflag:$0x0] =	sbarrier.arrive $0xFFFF  }
0x166: {  	p0 =	sne.s32 s0, $0x0;
	_ =	strace $0x90000047  }
0x167: {  	s0 =	sadd.s32 @!p0 $0x100000, s1;
	[bflag:$0x2] =	sbarrier.arrive $0xFFFF  }
0x168: {  	[sflag:s0] =	ssyncadd.tile.s32 @!p0 $0x1;
	_ =	shalt  }
.Lfunc_end2:
_tile_overlayer_lowered:
.L_overlay_start_2:
0x169: {  	(tag) =	ssettag $0x2  }
0x16a: {  	s0 =	rddreg [dreg:$0x0];
	s2 =	stileid.u32  }
0x16b: {  	s1 =	rddreg [dreg:$0x1];
	p0 =	sne.s32 s2, $0x0  }
0x16c: {  	s3 =	rddreg [dreg:$0x2];
	[bflag:$0x3] =	sbarrier.arrive $0xFFFF;
	s2 =	simm.s32 @!p0 $0x1C03  }
0x16d: {  	[timem:s3], [sflag:s2] =	dma.local @!p0 [hbm:s0], s1  }
0x16e: {  	s0 =	simm.s32 @!p0 $0x3  }
0x16f: {  	_ =	swait.ge @!p0 [sflag:s0], s1  }
0x170: {  	s1 =	ssub.s32 @!p0 $0x0, s1;
	[sflag:s0] =	ssyncset.done @!p0 $0x0  }
0x171: {  	[sflag:s0] =	ssyncadd.s32 @!p0 s1  }
0x172: {  	[bflag:$0x3] =	sbarrier.arrive $0xFFFF  }
0x173: {  	_ =	shalt  }

</sc_bundles>
